<compile_context>
chip_gen: v7x
topology: tpu7x:2x2x1
jax: 0.10.2.dev20260603
libtpu: 0.0.44.dev20260713+nightly
codegen_flags: <defaults>
</compile_context>

<pallas_src>
import functools

import jax
import jax.numpy as jnp
from jax import lax
from jax.experimental import pallas as pl
from jax.experimental.pallas import tpu as pltpu
from jax.experimental.pallas import tpu_sc as plsc

_NC = 2
_NS = 16
_NW = _NC * _NS

_C = 128
_S = 8
_R = 4
_G = 2


@functools.partial(jax.jit, static_argnums=(2, 3))
def _gather_flat(idx2d, table, b, d):
    b_per_w = b // _NW
    n_chunks = b_per_w // _C
    n_super = n_chunks // _S

    mesh = plsc.VectorSubcoreMesh(core_axis_name="c", subcore_axis_name="s")

    @functools.partial(
        pl.kernel,
        mesh=mesh,
        out_type=jax.ShapeDtypeStruct((b, d), jnp.float32),
        scratch_types=[
            pltpu.VMEM((2, _S, _C), jnp.int32),
            pltpu.VMEM((_R, _C, d), jnp.float32),
        ]
        + [pltpu.SemaphoreType.DMA] * (2 * _R + 2),
    )
    def k(idx_hbm, table_hbm, out_hbm, idx_v, rows, *sems):
        gs = sems[:_R]
        os_ = sems[_R:2 * _R]
        is_ = sems[2 * _R:]

        wid = lax.axis_index("s") * _NC + lax.axis_index("c")
        crow0 = wid * n_chunks

        def fire_idx(g, p):
            pltpu.async_copy(idx_hbm.at[pl.ds(crow0 + g * _S, _S)],
                             idx_v.at[p], is_[p])

        def wait_idx(p):
            pltpu.make_async_copy(idx_hbm.at[pl.ds(0, _S)], idx_v.at[p],
                                  is_[p]).wait()

        def fire_gather(p, j):
            pltpu.async_copy(table_hbm.at[idx_v.at[p, j]], rows.at[j % _R],
                             gs[j % _R])

        def wait_gather(s):
            pltpu.make_async_copy(out_hbm.at[pl.ds(0, _C)], rows.at[s],
                                  gs[s]).wait()

        def fire_out(s, crow):
            off = pl.multiple_of(crow * _C, _C)
            pltpu.async_copy(rows.at[s], out_hbm.at[pl.ds(off, _C)], os_[s])

        def wait_out(s):
            pltpu.make_async_copy(rows.at[s], out_hbm.at[pl.ds(0, _C)],
                                  os_[s]).wait()

        def superblock(p, crow, first, next_load=None):
            for j in range(_S):
                s = j % _R
                if not (first and j < _R):
                    wait_out(s)
                fire_gather(p, j)
                if not (first and j < _G):
                    ps = (j - _G) % _R
                    wait_gather(ps)
                    fire_out(ps, crow + j - _G)
                if j == _G - 1 and next_load is not None:
                    fire_idx(*next_load)

        fire_idx(0, 0)
        fire_idx(1, 1)
        wait_idx(0)
        superblock(0, crow0, first=True)
        wait_idx(1)
        superblock(1, crow0 + _S, first=False, next_load=(2, 0))

        def body(t, carry):
            g0 = 2 * t
            crow = crow0 + g0 * _S
            wait_idx(0)
            superblock(0, crow, first=False,
                       next_load=(jnp.minimum(g0 + 1, n_super - 1), 1))
            wait_idx(1)
            superblock(1, crow + _S, first=False,
                       next_load=(jnp.minimum(g0 + 2, n_super - 1), 0))
            return carry

        lax.fori_loop(1, n_super // 2, body, 0)

        for j in range(_G):
            ps = (_S - _G + j) % _R
            wait_gather(ps)
            fire_out(ps, crow0 + n_chunks - _G + j)
        wait_idx(0)
        for s in range(_R):
            wait_out(s)

    return k(idx2d, table)


def kernel(x, table):
    b = x.size
    d = table.shape[1]
    idx2d = x.reshape((b // _C, _C)).astype(jnp.int32)
    out = _gather_flat(idx2d, table, b, d)
    return lax.stop_gradient(out.reshape(x.shape + (d,)))

# --- scband reference (transcript-rebuilt; emitter-appended) ---
"""Pipeline reference for scband-fixed-embedding-1340029796611 (READ-ONLY COPY).

The authoritative reference and input builder live on the scoring server;
editing this copy changes nothing except your own understanding.
"""

import jax, jax.numpy as jnp
import numpy as np

DIM_IN = 100000
DIM_MODEL = 128


def _build_table(n, d):
    position = np.arange(n, dtype=np.float32)[:, None]
    div_term = np.exp(np.arange(0, d, 2, dtype=np.float32) * (-(np.log(10000.0) / d)))
    w = np.zeros((n, d), dtype=np.float32)
    w[:, 0::2] = np.sin(position * div_term)
    w[:, 1::2] = np.cos(position * div_term)
    return jnp.asarray(w)


def setup_inputs(seed: int = 0) -> dict:
    key = jax.random.key(seed)
    x = jax.random.randint(key, (16384, 200), 0, DIM_IN)
    table = _build_table(DIM_IN, DIM_MODEL)
    return {"x": x, "table": table}


def reference(x, table):
    # nn.Embedding lookup -> gather rows of the fixed sinusoidal table
    out = jnp.take(table, x, axis=0)
    # .detach() in torch -> stop_gradient in jax
    return jax.lax.stop_gradient(out)

if __name__ == "__main__":
    import jax
    _d = setup_inputs()
    print(jax.jit(kernel)(*tuple(_d.values())))

</pallas_src>

<mosaic_0001>
#map = affine_map<(d0, d1) -> (0, 0)>
module attributes {stable_mosaic.version = 14 : i64} {
  func.func @k(%arg0: i32, %arg1: i32, %arg2: memref<25600x128xi32, #tpu.memory_space<hbm>>, %arg3: memref<100000x128xf32, #tpu.memory_space<hbm>>, %arg4: memref<3276800x128xf32, #tpu.memory_space<hbm>>, %arg5: memref<2x8x128xi32, #tpu.memory_space<vmem>>, %arg6: memref<4x128x128xf32, #tpu.memory_space<vmem>>, %arg7: memref<!tpu.dma_semaphore, #tpu.memory_space<semaphore_mem>>, %arg8: memref<!tpu.dma_semaphore, #tpu.memory_space<semaphore_mem>>, %arg9: memref<!tpu.dma_semaphore, #tpu.memory_space<semaphore_mem>>, %arg10: memref<!tpu.dma_semaphore, #tpu.memory_space<semaphore_mem>>, %arg11: memref<!tpu.dma_semaphore, #tpu.memory_space<semaphore_mem>>, %arg12: memref<!tpu.dma_semaphore, #tpu.memory_space<semaphore_mem>>, %arg13: memref<!tpu.dma_semaphore, #tpu.memory_space<semaphore_mem>>, %arg14: memref<!tpu.dma_semaphore, #tpu.memory_space<semaphore_mem>>, %arg15: memref<!tpu.dma_semaphore, #tpu.memory_space<semaphore_mem>>, %arg16: memref<!tpu.dma_semaphore, #tpu.memory_space<semaphore_mem>>) attributes {dimension_semantics = [#tpu.dimension_semantics<core_parallel>, #tpu.dimension_semantics<subcore_parallel>], iteration_bounds = array<i64: 2, 16>, scalar_prefetch = 0 : i64, scratch_operands = 12 : i64, tpu.core_type = #tpu.core_type<sc_vector_subcore>, window_params = [{transform_indices = #map}, {transform_indices = #map}, {transform_indices = #map}]} {
    %mul3A = arith.constant 2 : i32
    %mul3A_0 = arith.muli %arg1, %mul3A : i32
    %add3A = arith.addi %mul3A_0, %arg0 : i32
    %mul3A_1 = arith.constant 800 : i32
    %mul3A_2 = arith.muli %add3A, %mul3A_1 : i32
    %add3A_3 = arith.constant 0 : i32
    %add3A_4 = arith.addi %mul3A_2, %add3A_3 : i32
    %dma_start3A = arith.constant 0 : i32
    %dma_start3A_5 = arith.constant 0 : i32
    %dma_start3A_6 = arith.constant 0 : i32
    %dma_start3A_7 = tpu.memref_slice %arg5[%dma_start3A, %dma_start3A_5, %dma_start3A_6] : memref<2x8x128xi32, #tpu.memory_space<vmem>> -> memref<1x8x128xi32, #tpu.memory_space<vmem>>
    %dma_start3A_8 = tpu.memref_squeeze %dma_start3A_7 : memref<1x8x128xi32, #tpu.memory_space<vmem>> -> memref<8x128xi32, #tpu.memory_space<vmem>>
    %dma_start3A_9 = arith.constant 0 : i32
    %dma_start3A_10 = tpu.memref_slice %arg2[%add3A_4, %dma_start3A_9] : memref<25600x128xi32, #tpu.memory_space<hbm>> -> memref<8x128xi32, #tpu.memory_space<hbm>>
    %dma_start3A_11 = arith.constant 0 : i32
    %dma_start3A_12 = arith.constant 0 : i32
    %dma_start3A_13 = tpu.memref_slice %arg5[%dma_start3A, %dma_start3A_11, %dma_start3A_12] : memref<2x8x128xi32, #tpu.memory_space<vmem>> -> memref<1x8x128xi32, #tpu.memory_space<vmem>>
    %dma_start3A_14 = tpu.memref_squeeze %dma_start3A_13 : memref<1x8x128xi32, #tpu.memory_space<vmem>> -> memref<8x128xi32, #tpu.memory_space<vmem>>
    %dma_start3A_15 = arith.constant 0 : i32
    %dma_start3A_16 = tpu.memref_slice %arg2[%add3A_4, %dma_start3A_15] : memref<25600x128xi32, #tpu.memory_space<hbm>> -> memref<8x128xi32, #tpu.memory_space<hbm>>
    tpu.enqueue_dma source(%dma_start3A_16 : memref<8x128xi32, #tpu.memory_space<hbm>>) target(%dma_start3A_14 : memref<8x128xi32, #tpu.memory_space<vmem>>) target_semaphore(%arg15 : memref<!tpu.dma_semaphore, #tpu.memory_space<semaphore_mem>>)
    %add3A_17 = arith.constant 8 : i32
    %add3A_18 = arith.addi %mul3A_2, %add3A_17 : i32
    %dma_start3A_19 = arith.constant 1 : i32
    %dma_start3A_20 = arith.constant 0 : i32
    %dma_start3A_21 = arith.constant 0 : i32
    %dma_start3A_22 = tpu.memref_slice %arg5[%dma_start3A_19, %dma_start3A_20, %dma_start3A_21] : memref<2x8x128xi32, #tpu.memory_space<vmem>> -> memref<1x8x128xi32, #tpu.memory_space<vmem>>
    %dma_start3A_23 = tpu.memref_squeeze %dma_start3A_22 : memref<1x8x128xi32, #tpu.memory_space<vmem>> -> memref<8x128xi32, #tpu.memory_space<vmem>>
    %dma_start3A_24 = arith.constant 0 : i32
    %dma_start3A_25 = tpu.memref_slice %arg2[%add3A_18, %dma_start3A_24] : memref<25600x128xi32, #tpu.memory_space<hbm>> -> memref<8x128xi32, #tpu.memory_space<hbm>>
    %dma_start3A_26 = arith.constant 0 : i32
    %dma_start3A_27 = arith.constant 0 : i32
    %dma_start3A_28 = tpu.memref_slice %arg5[%dma_start3A_19, %dma_start3A_26, %dma_start3A_27] : memref<2x8x128xi32, #tpu.memory_space<vmem>> -> memref<1x8x128xi32, #tpu.memory_space<vmem>>
    %dma_start3A_29 = tpu.memref_squeeze %dma_start3A_28 : memref<1x8x128xi32, #tpu.memory_space<vmem>> -> memref<8x128xi32, #tpu.memory_space<vmem>>
    %dma_start3A_30 = arith.constant 0 : i32
    %dma_start3A_31 = tpu.memref_slice %arg2[%add3A_18, %dma_start3A_30] : memref<25600x128xi32, #tpu.memory_space<hbm>> -> memref<8x128xi32, #tpu.memory_space<hbm>>
    tpu.enqueue_dma source(%dma_start3A_31 : memref<8x128xi32, #tpu.memory_space<hbm>>) target(%dma_start3A_29 : memref<8x128xi32, #tpu.memory_space<vmem>>) target_semaphore(%arg16 : memref<!tpu.dma_semaphore, #tpu.memory_space<semaphore_mem>>)
    %dma_wait3A = arith.constant 0 : i32
    %dma_wait3A_32 = arith.constant 0 : i32
    %dma_wait3A_33 = arith.constant 0 : i32
    %dma_wait3A_34 = tpu.memref_slice %arg5[%dma_wait3A, %dma_wait3A_32, %dma_wait3A_33] : memref<2x8x128xi32, #tpu.memory_space<vmem>> -> memref<1x8x128xi32, #tpu.memory_space<vmem>>
    %dma_wait3A_35 = tpu.memref_squeeze %dma_wait3A_34 : memref<1x8x128xi32, #tpu.memory_space<vmem>> -> memref<8x128xi32, #tpu.memory_space<vmem>>
    %dma_wait3A_36 = arith.constant 0 : i32
    %dma_wait3A_37 = arith.constant 0 : i32
    %dma_wait3A_38 = tpu.memref_slice %arg2[%dma_wait3A_36, %dma_wait3A_37] : memref<25600x128xi32, #tpu.memory_space<hbm>> -> memref<8x128xi32, #tpu.memory_space<hbm>>
    %dma_wait3A_39 = arith.constant 0 : i32
    %dma_wait3A_40 = arith.constant 0 : i32
    %dma_wait3A_41 = tpu.memref_slice %arg5[%dma_wait3A, %dma_wait3A_39, %dma_wait3A_40] : memref<2x8x128xi32, #tpu.memory_space<vmem>> -> memref<1x8x128xi32, #tpu.memory_space<vmem>>
    %dma_wait3A_42 = tpu.memref_squeeze %dma_wait3A_41 : memref<1x8x128xi32, #tpu.memory_space<vmem>> -> memref<8x128xi32, #tpu.memory_space<vmem>>
    %dma_wait3A_43 = arith.constant 0 : i32
    %dma_wait3A_44 = arith.constant 0 : i32
    %dma_wait3A_45 = tpu.memref_slice %arg2[%dma_wait3A_43, %dma_wait3A_44] : memref<25600x128xi32, #tpu.memory_space<hbm>> -> memref<8x128xi32, #tpu.memory_space<hbm>>
    tpu.wait_dma2 semaphore(%arg15 : memref<!tpu.dma_semaphore, #tpu.memory_space<semaphore_mem>>) src(%dma_wait3A_45 : memref<8x128xi32, #tpu.memory_space<hbm>>) dst(%dma_wait3A_42 : memref<8x128xi32, #tpu.memory_space<vmem>>)
    %dma_start3A_46 = arith.constant 0 : i32
    %dma_start3A_47 = arith.constant 0 : i32
    %dma_start3A_48 = arith.constant 0 : i32
    %dma_start3A_49 = arith.constant 0 : i32
    %dma_start3A_50 = arith.constant 0 : i32
    %dma_start3A_51 = tpu.memref_slice %arg6[%dma_start3A_48, %dma_start3A_49, %dma_start3A_50] : memref<4x128x128xf32, #tpu.memory_space<vmem>> -> memref<1x128x128xf32, #tpu.memory_space<vmem>>
    %dma_start3A_52 = tpu.memref_squeeze %dma_start3A_51 : memref<1x128x128xf32, #tpu.memory_space<vmem>> -> memref<128x128xf32, #tpu.memory_space<vmem>>
    %dma_start3A_53 = arith.constant 0 : i32
    %dma_start3A_54 = tpu.memref_slice %arg5[%dma_start3A_46, %dma_start3A_47, %dma_start3A_53] : memref<2x8x128xi32, #tpu.memory_space<vmem>> -> memref<1x1x128xi32, #tpu.memory_space<vmem>>
    %dma_start3A_55 = tpu.memref_squeeze %dma_start3A_54 : memref<1x1x128xi32, #tpu.memory_space<vmem>> -> memref<128xi32, #tpu.memory_space<vmem>>
    %dma_start3A_56 = arith.constant 0 : i32
    %dma_start3A_57 = arith.constant 0 : i32
    %dma_start3A_58 = tpu.memref_slice %arg3[%dma_start3A_56, %dma_start3A_57] : memref<100000x128xf32, #tpu.memory_space<hbm>> -> memref<100000x128xf32, #tpu.memory_space<hbm>>
    tpu.enqueue_indirect_dma source(%dma_start3A_58 : memref<100000x128xf32, #tpu.memory_space<hbm>>) target(%dma_start3A_52 : memref<128x128xf32, #tpu.memory_space<vmem>>) offsets(%dma_start3A_55 : memref<128xi32, #tpu.memory_space<vmem>>) semaphore(%arg7 : memref<!tpu.dma_semaphore, #tpu.memory_space<semaphore_mem>>)
    %dma_start3A_59 = arith.constant 0 : i32
    %dma_start3A_60 = arith.constant 1 : i32
    %dma_start3A_61 = arith.constant 1 : i32
    %dma_start3A_62 = arith.constant 0 : i32
    %dma_start3A_63 = arith.constant 0 : i32
    %dma_start3A_64 = tpu.memref_slice %arg6[%dma_start3A_61, %dma_start3A_62, %dma_start3A_63] : memref<4x128x128xf32, #tpu.memory_space<vmem>> -> memref<1x128x128xf32, #tpu.memory_space<vmem>>
    %dma_start3A_65 = tpu.memref_squeeze %dma_start3A_64 : memref<1x128x128xf32, #tpu.memory_space<vmem>> -> memref<128x128xf32, #tpu.memory_space<vmem>>
    %dma_start3A_66 = arith.constant 0 : i32
    %dma_start3A_67 = tpu.memref_slice %arg5[%dma_start3A_59, %dma_start3A_60, %dma_start3A_66] : memref<2x8x128xi32, #tpu.memory_space<vmem>> -> memref<1x1x128xi32, #tpu.memory_space<vmem>>
    %dma_start3A_68 = tpu.memref_squeeze %dma_start3A_67 : memref<1x1x128xi32, #tpu.memory_space<vmem>> -> memref<128xi32, #tpu.memory_space<vmem>>
    %dma_start3A_69 = arith.constant 0 : i32
    %dma_start3A_70 = arith.constant 0 : i32
    %dma_start3A_71 = tpu.memref_slice %arg3[%dma_start3A_69, %dma_start3A_70] : memref<100000x128xf32, #tpu.memory_space<hbm>> -> memref<100000x128xf32, #tpu.memory_space<hbm>>
    tpu.enqueue_indirect_dma source(%dma_start3A_71 : memref<100000x128xf32, #tpu.memory_space<hbm>>) target(%dma_start3A_65 : memref<128x128xf32, #tpu.memory_space<vmem>>) offsets(%dma_start3A_68 : memref<128xi32, #tpu.memory_space<vmem>>) semaphore(%arg8 : memref<!tpu.dma_semaphore, #tpu.memory_space<semaphore_mem>>)
    %dma_start3A_72 = arith.constant 0 : i32
    %dma_start3A_73 = arith.constant 2 : i32
    %dma_start3A_74 = arith.constant 2 : i32
    %dma_start3A_75 = arith.constant 0 : i32
    %dma_start3A_76 = arith.constant 0 : i32
    %dma_start3A_77 = tpu.memref_slice %arg6[%dma_start3A_74, %dma_start3A_75, %dma_start3A_76] : memref<4x128x128xf32, #tpu.memory_space<vmem>> -> memref<1x128x128xf32, #tpu.memory_space<vmem>>
    %dma_start3A_78 = tpu.memref_squeeze %dma_start3A_77 : memref<1x128x128xf32, #tpu.memory_space<vmem>> -> memref<128x128xf32, #tpu.memory_space<vmem>>
    %dma_start3A_79 = arith.constant 0 : i32
    %dma_start3A_80 = tpu.memref_slice %arg5[%dma_start3A_72, %dma_start3A_73, %dma_start3A_79] : memref<2x8x128xi32, #tpu.memory_space<vmem>> -> memref<1x1x128xi32, #tpu.memory_space<vmem>>
    %dma_start3A_81 = tpu.memref_squeeze %dma_start3A_80 : memref<1x1x128xi32, #tpu.memory_space<vmem>> -> memref<128xi32, #tpu.memory_space<vmem>>
    %dma_start3A_82 = arith.constant 0 : i32
    %dma_start3A_83 = arith.constant 0 : i32
    %dma_start3A_84 = tpu.memref_slice %arg3[%dma_start3A_82, %dma_start3A_83] : memref<100000x128xf32, #tpu.memory_space<hbm>> -> memref<100000x128xf32, #tpu.memory_space<hbm>>
    tpu.enqueue_indirect_dma source(%dma_start3A_84 : memref<100000x128xf32, #tpu.memory_space<hbm>>) target(%dma_start3A_78 : memref<128x128xf32, #tpu.memory_space<vmem>>) offsets(%dma_start3A_81 : memref<128xi32, #tpu.memory_space<vmem>>) semaphore(%arg9 : memref<!tpu.dma_semaphore, #tpu.memory_space<semaphore_mem>>)
    %dma_wait3A_85 = arith.constant 0 : i32
    %dma_wait3A_86 = arith.constant 0 : i32
    %dma_wait3A_87 = arith.constant 0 : i32
    %dma_wait3A_88 = tpu.memref_slice %arg6[%dma_wait3A_85, %dma_wait3A_86, %dma_wait3A_87] : memref<4x128x128xf32, #tpu.memory_space<vmem>> -> memref<1x128x128xf32, #tpu.memory_space<vmem>>
    %dma_wait3A_89 = tpu.memref_squeeze %dma_wait3A_88 : memref<1x128x128xf32, #tpu.memory_space<vmem>> -> memref<128x128xf32, #tpu.memory_space<vmem>>
    %dma_wait3A_90 = arith.constant 0 : i32
    %dma_wait3A_91 = arith.constant 0 : i32
    %dma_wait3A_92 = tpu.memref_slice %arg4[%dma_wait3A_90, %dma_wait3A_91] : memref<3276800x128xf32, #tpu.memory_space<hbm>> -> memref<128x128xf32, #tpu.memory_space<hbm>>
    %dma_wait3A_93 = arith.constant 0 : i32
    %dma_wait3A_94 = arith.constant 0 : i32
    %dma_wait3A_95 = tpu.memref_slice %arg6[%dma_wait3A_85, %dma_wait3A_93, %dma_wait3A_94] : memref<4x128x128xf32, #tpu.memory_space<vmem>> -> memref<1x128x128xf32, #tpu.memory_space<vmem>>
    %dma_wait3A_96 = tpu.memref_squeeze %dma_wait3A_95 : memref<1x128x128xf32, #tpu.memory_space<vmem>> -> memref<128x128xf32, #tpu.memory_space<vmem>>
    %dma_wait3A_97 = arith.constant 0 : i32
    %dma_wait3A_98 = arith.constant 0 : i32
    %dma_wait3A_99 = tpu.memref_slice %arg4[%dma_wait3A_97, %dma_wait3A_98] : memref<3276800x128xf32, #tpu.memory_space<hbm>> -> memref<128x128xf32, #tpu.memory_space<hbm>>
    tpu.wait_dma2 semaphore(%arg7 : memref<!tpu.dma_semaphore, #tpu.memory_space<semaphore_mem>>) src(%dma_wait3A_99 : memref<128x128xf32, #tpu.memory_space<hbm>>) dst(%dma_wait3A_96 : memref<128x128xf32, #tpu.memory_space<vmem>>)
    %add3A_100 = arith.constant 2 : i32
    %add3A_101 = arith.addi %mul3A_2, %add3A_100 : i32
    %sub3A = arith.constant 2 : i32
    %sub3A_102 = arith.subi %add3A_101, %sub3A : i32
    %mul3A_103 = arith.constant 128 : i32
    %mul3A_104 = arith.muli %sub3A_102, %mul3A_103 : i32
    %multiple_of3A = tpu.assume_multiple %mul3A_104, 128 : i32
    %dma_start3A_105 = arith.constant 0 : i32
    %dma_start3A_106 = arith.constant 0 : i32
    %dma_start3A_107 = arith.constant 0 : i32
    %dma_start3A_108 = tpu.memref_slice %arg6[%dma_start3A_105, %dma_start3A_106, %dma_start3A_107] : memref<4x128x128xf32, #tpu.memory_space<vmem>> -> memref<1x128x128xf32, #tpu.memory_space<vmem>>
    %dma_start3A_109 = tpu.memref_squeeze %dma_start3A_108 : memref<1x128x128xf32, #tpu.memory_space<vmem>> -> memref<128x128xf32, #tpu.memory_space<vmem>>
    %dma_start3A_110 = arith.constant 0 : i32
    %dma_start3A_111 = tpu.memref_slice %arg4[%multiple_of3A, %dma_start3A_110] : memref<3276800x128xf32, #tpu.memory_space<hbm>> -> memref<128x128xf32, #tpu.memory_space<hbm>>
    %dma_start3A_112 = arith.constant 0 : i32
    %dma_start3A_113 = tpu.memref_slice %arg4[%multiple_of3A, %dma_start3A_112] : memref<3276800x128xf32, #tpu.memory_space<hbm>> -> memref<128x128xf32, #tpu.memory_space<hbm>>
    %dma_start3A_114 = arith.constant 0 : i32
    %dma_start3A_115 = arith.constant 0 : i32
    %dma_start3A_116 = tpu.memref_slice %arg6[%dma_start3A_105, %dma_start3A_114, %dma_start3A_115] : memref<4x128x128xf32, #tpu.memory_space<vmem>> -> memref<1x128x128xf32, #tpu.memory_space<vmem>>
    %dma_start3A_117 = tpu.memref_squeeze %dma_start3A_116 : memref<1x128x128xf32, #tpu.memory_space<vmem>> -> memref<128x128xf32, #tpu.memory_space<vmem>>
    tpu.enqueue_dma source(%dma_start3A_117 : memref<128x128xf32, #tpu.memory_space<vmem>>) target(%dma_start3A_113 : memref<128x128xf32, #tpu.memory_space<hbm>>) target_semaphore(%arg11 : memref<!tpu.dma_semaphore, #tpu.memory_space<semaphore_mem>>)
    %dma_start3A_118 = arith.constant 0 : i32
    %dma_start3A_119 = arith.constant 3 : i32
    %dma_start3A_120 = arith.constant 3 : i32
    %dma_start3A_121 = arith.constant 0 : i32
    %dma_start3A_122 = arith.constant 0 : i32
    %dma_start3A_123 = tpu.memref_slice %arg6[%dma_start3A_120, %dma_start3A_121, %dma_start3A_122] : memref<4x128x128xf32, #tpu.memory_space<vmem>> -> memref<1x128x128xf32, #tpu.memory_space<vmem>>
    %dma_start3A_124 = tpu.memref_squeeze %dma_start3A_123 : memref<1x128x128xf32, #tpu.memory_space<vmem>> -> memref<128x128xf32, #tpu.memory_space<vmem>>
    %dma_start3A_125 = arith.constant 0 : i32
    %dma_start3A_126 = tpu.memref_slice %arg5[%dma_start3A_118, %dma_start3A_119, %dma_start3A_125] : memref<2x8x128xi32, #tpu.memory_space<vmem>> -> memref<1x1x128xi32, #tpu.memory_space<vmem>>
    %dma_start3A_127 = tpu.memref_squeeze %dma_start3A_126 : memref<1x1x128xi32, #tpu.memory_space<vmem>> -> memref<128xi32, #tpu.memory_space<vmem>>
    %dma_start3A_128 = arith.constant 0 : i32
    %dma_start3A_129 = arith.constant 0 : i32
    %dma_start3A_130 = tpu.memref_slice %arg3[%dma_start3A_128, %dma_start3A_129] : memref<100000x128xf32, #tpu.memory_space<hbm>> -> memref<100000x128xf32, #tpu.memory_space<hbm>>
    tpu.enqueue_indirect_dma source(%dma_start3A_130 : memref<100000x128xf32, #tpu.memory_space<hbm>>) target(%dma_start3A_124 : memref<128x128xf32, #tpu.memory_space<vmem>>) offsets(%dma_start3A_127 : memref<128xi32, #tpu.memory_space<vmem>>) semaphore(%arg10 : memref<!tpu.dma_semaphore, #tpu.memory_space<semaphore_mem>>)
    %dma_wait3A_131 = arith.constant 1 : i32
    %dma_wait3A_132 = arith.constant 0 : i32
    %dma_wait3A_133 = arith.constant 0 : i32
    %dma_wait3A_134 = tpu.memref_slice %arg6[%dma_wait3A_131, %dma_wait3A_132, %dma_wait3A_133] : memref<4x128x128xf32, #tpu.memory_space<vmem>> -> memref<1x128x128xf32, #tpu.memory_space<vmem>>
    %dma_wait3A_135 = tpu.memref_squeeze %dma_wait3A_134 : memref<1x128x128xf32, #tpu.memory_space<vmem>> -> memref<128x128xf32, #tpu.memory_space<vmem>>
    %dma_wait3A_136 = arith.constant 0 : i32
    %dma_wait3A_137 = arith.constant 0 : i32
    %dma_wait3A_138 = tpu.memref_slice %arg4[%dma_wait3A_136, %dma_wait3A_137] : memref<3276800x128xf32, #tpu.memory_space<hbm>> -> memref<128x128xf32, #tpu.memory_space<hbm>>
    %dma_wait3A_139 = arith.constant 0 : i32
    %dma_wait3A_140 = arith.constant 0 : i32
    %dma_wait3A_141 = tpu.memref_slice %arg6[%dma_wait3A_131, %dma_wait3A_139, %dma_wait3A_140] : memref<4x128x128xf32, #tpu.memory_space<vmem>> -> memref<1x128x128xf32, #tpu.memory_space<vmem>>
    %dma_wait3A_142 = tpu.memref_squeeze %dma_wait3A_141 : memref<1x128x128xf32, #tpu.memory_space<vmem>> -> memref<128x128xf32, #tpu.memory_space<vmem>>
    %dma_wait3A_143 = arith.constant 0 : i32
    %dma_wait3A_144 = arith.constant 0 : i32
    %dma_wait3A_145 = tpu.memref_slice %arg4[%dma_wait3A_143, %dma_wait3A_144] : memref<3276800x128xf32, #tpu.memory_space<hbm>> -> memref<128x128xf32, #tpu.memory_space<hbm>>
    tpu.wait_dma2 semaphore(%arg8 : memref<!tpu.dma_semaphore, #tpu.memory_space<semaphore_mem>>) src(%dma_wait3A_145 : memref<128x128xf32, #tpu.memory_space<hbm>>) dst(%dma_wait3A_142 : memref<128x128xf32, #tpu.memory_space<vmem>>)
    %add3A_146 = arith.constant 3 : i32
    %add3A_147 = arith.addi %mul3A_2, %add3A_146 : i32
    %sub3A_148 = arith.constant 2 : i32
    %sub3A_149 = arith.subi %add3A_147, %sub3A_148 : i32
    %mul3A_150 = arith.constant 128 : i32
    %mul3A_151 = arith.muli %sub3A_149, %mul3A_150 : i32
    %multiple_of3A_152 = tpu.assume_multiple %mul3A_151, 128 : i32
    %dma_start3A_153 = arith.constant 1 : i32
    %dma_start3A_154 = arith.constant 0 : i32
    %dma_start3A_155 = arith.constant 0 : i32
    %dma_start3A_156 = tpu.memref_slice %arg6[%dma_start3A_153, %dma_start3A_154, %dma_start3A_155] : memref<4x128x128xf32, #tpu.memory_space<vmem>> -> memref<1x128x128xf32, #tpu.memory_space<vmem>>
    %dma_start3A_157 = tpu.memref_squeeze %dma_start3A_156 : memref<1x128x128xf32, #tpu.memory_space<vmem>> -> memref<128x128xf32, #tpu.memory_space<vmem>>
    %dma_start3A_158 = arith.constant 0 : i32
    %dma_start3A_159 = tpu.memref_slice %arg4[%multiple_of3A_152, %dma_start3A_158] : memref<3276800x128xf32, #tpu.memory_space<hbm>> -> memref<128x128xf32, #tpu.memory_space<hbm>>
    %dma_start3A_160 = arith.constant 0 : i32
    %dma_start3A_161 = tpu.memref_slice %arg4[%multiple_of3A_152, %dma_start3A_160] : memref<3276800x128xf32, #tpu.memory_space<hbm>> -> memref<128x128xf32, #tpu.memory_space<hbm>>
    %dma_start3A_162 = arith.constant 0 : i32
    %dma_start3A_163 = arith.constant 0 : i32
    %dma_start3A_164 = tpu.memref_slice %arg6[%dma_start3A_153, %dma_start3A_162, %dma_start3A_163] : memref<4x128x128xf32, #tpu.memory_space<vmem>> -> memref<1x128x128xf32, #tpu.memory_space<vmem>>
    %dma_start3A_165 = tpu.memref_squeeze %dma_start3A_164 : memref<1x128x128xf32, #tpu.memory_space<vmem>> -> memref<128x128xf32, #tpu.memory_space<vmem>>
    tpu.enqueue_dma source(%dma_start3A_165 : memref<128x128xf32, #tpu.memory_space<vmem>>) target(%dma_start3A_161 : memref<128x128xf32, #tpu.memory_space<hbm>>) target_semaphore(%arg12 : memref<!tpu.dma_semaphore, #tpu.memory_space<semaphore_mem>>)
    %dma_wait3A_166 = arith.constant 0 : i32
    %dma_wait3A_167 = arith.constant 0 : i32
    %dma_wait3A_168 = arith.constant 0 : i32
    %dma_wait3A_169 = tpu.memref_slice %arg6[%dma_wait3A_166, %dma_wait3A_167, %dma_wait3A_168] : memref<4x128x128xf32, #tpu.memory_space<vmem>> -> memref<1x128x128xf32, #tpu.memory_space<vmem>>
    %dma_wait3A_170 = tpu.memref_squeeze %dma_wait3A_169 : memref<1x128x128xf32, #tpu.memory_space<vmem>> -> memref<128x128xf32, #tpu.memory_space<vmem>>
    %dma_wait3A_171 = arith.constant 0 : i32
    %dma_wait3A_172 = arith.constant 0 : i32
    %dma_wait3A_173 = tpu.memref_slice %arg4[%dma_wait3A_171, %dma_wait3A_172] : memref<3276800x128xf32, #tpu.memory_space<hbm>> -> memref<128x128xf32, #tpu.memory_space<hbm>>
    %dma_wait3A_174 = arith.constant 0 : i32
    %dma_wait3A_175 = arith.constant 0 : i32
    %dma_wait3A_176 = tpu.memref_slice %arg4[%dma_wait3A_174, %dma_wait3A_175] : memref<3276800x128xf32, #tpu.memory_space<hbm>> -> memref<128x128xf32, #tpu.memory_space<hbm>>
    %dma_wait3A_177 = arith.constant 0 : i32
    %dma_wait3A_178 = arith.constant 0 : i32
    %dma_wait3A_179 = tpu.memref_slice %arg6[%dma_wait3A_166, %dma_wait3A_177, %dma_wait3A_178] : memref<4x128x128xf32, #tpu.memory_space<vmem>> -> memref<1x128x128xf32, #tpu.memory_space<vmem>>
    %dma_wait3A_180 = tpu.memref_squeeze %dma_wait3A_179 : memref<1x128x128xf32, #tpu.memory_space<vmem>> -> memref<128x128xf32, #tpu.memory_space<vmem>>
    tpu.wait_dma2 semaphore(%arg11 : memref<!tpu.dma_semaphore, #tpu.memory_space<semaphore_mem>>) src(%dma_wait3A_180 : memref<128x128xf32, #tpu.memory_space<vmem>>) dst(%dma_wait3A_176 : memref<128x128xf32, #tpu.memory_space<hbm>>)
    %dma_start3A_181 = arith.constant 0 : i32
    %dma_start3A_182 = arith.constant 4 : i32
    %dma_start3A_183 = arith.constant 0 : i32
    %dma_start3A_184 = arith.constant 0 : i32
    %dma_start3A_185 = arith.constant 0 : i32
    %dma_start3A_186 = tpu.memref_slice %arg6[%dma_start3A_183, %dma_start3A_184, %dma_start3A_185] : memref<4x128x128xf32, #tpu.memory_space<vmem>> -> memref<1x128x128xf32, #tpu.memory_space<vmem>>
    %dma_start3A_187 = tpu.memref_squeeze %dma_start3A_186 : memref<1x128x128xf32, #tpu.memory_space<vmem>> -> memref<128x128xf32, #tpu.memory_space<vmem>>
    %dma_start3A_188 = arith.constant 0 : i32
    %dma_start3A_189 = tpu.memref_slice %arg5[%dma_start3A_181, %dma_start3A_182, %dma_start3A_188] : memref<2x8x128xi32, #tpu.memory_space<vmem>> -> memref<1x1x128xi32, #tpu.memory_space<vmem>>
    %dma_start3A_190 = tpu.memref_squeeze %dma_start3A_189 : memref<1x1x128xi32, #tpu.memory_space<vmem>> -> memref<128xi32, #tpu.memory_space<vmem>>
    %dma_start3A_191 = arith.constant 0 : i32
    %dma_start3A_192 = arith.constant 0 : i32
    %dma_start3A_193 = tpu.memref_slice %arg3[%dma_start3A_191, %dma_start3A_192] : memref<100000x128xf32, #tpu.memory_space<hbm>> -> memref<100000x128xf32, #tpu.memory_space<hbm>>
    tpu.enqueue_indirect_dma source(%dma_start3A_193 : memref<100000x128xf32, #tpu.memory_space<hbm>>) target(%dma_start3A_187 : memref<128x128xf32, #tpu.memory_space<vmem>>) offsets(%dma_start3A_190 : memref<128xi32, #tpu.memory_space<vmem>>) semaphore(%arg7 : memref<!tpu.dma_semaphore, #tpu.memory_space<semaphore_mem>>)
    %dma_wait3A_194 = arith.constant 2 : i32
    %dma_wait3A_195 = arith.constant 0 : i32
    %dma_wait3A_196 = arith.constant 0 : i32
    %dma_wait3A_197 = tpu.memref_slice %arg6[%dma_wait3A_194, %dma_wait3A_195, %dma_wait3A_196] : memref<4x128x128xf32, #tpu.memory_space<vmem>> -> memref<1x128x128xf32, #tpu.memory_space<vmem>>
    %dma_wait3A_198 = tpu.memref_squeeze %dma_wait3A_197 : memref<1x128x128xf32, #tpu.memory_space<vmem>> -> memref<128x128xf32, #tpu.memory_space<vmem>>
    %dma_wait3A_199 = arith.constant 0 : i32
    %dma_wait3A_200 = arith.constant 0 : i32
    %dma_wait3A_201 = tpu.memref_slice %arg4[%dma_wait3A_199, %dma_wait3A_200] : memref<3276800x128xf32, #tpu.memory_space<hbm>> -> memref<128x128xf32, #tpu.memory_space<hbm>>
    %dma_wait3A_202 = arith.constant 0 : i32
    %dma_wait3A_203 = arith.constant 0 : i32
    %dma_wait3A_204 = tpu.memref_slice %arg6[%dma_wait3A_194, %dma_wait3A_202, %dma_wait3A_203] : memref<4x128x128xf32, #tpu.memory_space<vmem>> -> memref<1x128x128xf32, #tpu.memory_space<vmem>>
    %dma_wait3A_205 = tpu.memref_squeeze %dma_wait3A_204 : memref<1x128x128xf32, #tpu.memory_space<vmem>> -> memref<128x128xf32, #tpu.memory_space<vmem>>
    %dma_wait3A_206 = arith.constant 0 : i32
    %dma_wait3A_207 = arith.constant 0 : i32
    %dma_wait3A_208 = tpu.memref_slice %arg4[%dma_wait3A_206, %dma_wait3A_207] : memref<3276800x128xf32, #tpu.memory_space<hbm>> -> memref<128x128xf32, #tpu.memory_space<hbm>>
    tpu.wait_dma2 semaphore(%arg9 : memref<!tpu.dma_semaphore, #tpu.memory_space<semaphore_mem>>) src(%dma_wait3A_208 : memref<128x128xf32, #tpu.memory_space<hbm>>) dst(%dma_wait3A_205 : memref<128x128xf32, #tpu.memory_space<vmem>>)
    %add3A_209 = arith.constant 4 : i32
    %add3A_210 = arith.addi %mul3A_2, %add3A_209 : i32
    %sub3A_211 = arith.constant 2 : i32
    %sub3A_212 = arith.subi %add3A_210, %sub3A_211 : i32
    %mul3A_213 = arith.constant 128 : i32
    %mul3A_214 = arith.muli %sub3A_212, %mul3A_213 : i32
    %multiple_of3A_215 = tpu.assume_multiple %mul3A_214, 128 : i32
    %dma_start3A_216 = arith.constant 2 : i32
    %dma_start3A_217 = arith.constant 0 : i32
    %dma_start3A_218 = arith.constant 0 : i32
    %dma_start3A_219 = tpu.memref_slice %arg6[%dma_start3A_216, %dma_start3A_217, %dma_start3A_218] : memref<4x128x128xf32, #tpu.memory_space<vmem>> -> memref<1x128x128xf32, #tpu.memory_space<vmem>>
    %dma_start3A_220 = tpu.memref_squeeze %dma_start3A_219 : memref<1x128x128xf32, #tpu.memory_space<vmem>> -> memref<128x128xf32, #tpu.memory_space<vmem>>
    %dma_start3A_221 = arith.constant 0 : i32
    %dma_start3A_222 = tpu.memref_slice %arg4[%multiple_of3A_215, %dma_start3A_221] : memref<3276800x128xf32, #tpu.memory_space<hbm>> -> memref<128x128xf32, #tpu.memory_space<hbm>>
    %dma_start3A_223 = arith.constant 0 : i32
    %dma_start3A_224 = tpu.memref_slice %arg4[%multiple_of3A_215, %dma_start3A_223] : memref<3276800x128xf32, #tpu.memory_space<hbm>> -> memref<128x128xf32, #tpu.memory_space<hbm>>
    %dma_start3A_225 = arith.constant 0 : i32
    %dma_start3A_226 = arith.constant 0 : i32
    %dma_start3A_227 = tpu.memref_slice %arg6[%dma_start3A_216, %dma_start3A_225, %dma_start3A_226] : memref<4x128x128xf32, #tpu.memory_space<vmem>> -> memref<1x128x128xf32, #tpu.memory_space<vmem>>
    %dma_start3A_228 = tpu.memref_squeeze %dma_start3A_227 : memref<1x128x128xf32, #tpu.memory_space<vmem>> -> memref<128x128xf32, #tpu.memory_space<vmem>>
    tpu.enqueue_dma source(%dma_start3A_228 : memref<128x128xf32, #tpu.memory_space<vmem>>) target(%dma_start3A_224 : memref<128x128xf32, #tpu.memory_space<hbm>>) target_semaphore(%arg13 : memref<!tpu.dma_semaphore, #tpu.memory_space<semaphore_mem>>)
    %dma_wait3A_229 = arith.constant 1 : i32
    %dma_wait3A_230 = arith.constant 0 : i32
    %dma_wait3A_231 = arith.constant 0 : i32
    %dma_wait3A_232 = tpu.memref_slice %arg6[%dma_wait3A_229, %dma_wait3A_230, %dma_wait3A_231] : memref<4x128x128xf32, #tpu.memory_space<vmem>> -> memref<1x128x128xf32, #tpu.memory_space<vmem>>
    %dma_wait3A_233 = tpu.memref_squeeze %dma_wait3A_232 : memref<1x128x128xf32, #tpu.memory_space<vmem>> -> memref<128x128xf32, #tpu.memory_space<vmem>>
    %dma_wait3A_234 = arith.constant 0 : i32
    %dma_wait3A_235 = arith.constant 0 : i32
    %dma_wait3A_236 = tpu.memref_slice %arg4[%dma_wait3A_234, %dma_wait3A_235] : memref<3276800x128xf32, #tpu.memory_space<hbm>> -> memref<128x128xf32, #tpu.memory_space<hbm>>
    %dma_wait3A_237 = arith.constant 0 : i32
    %dma_wait3A_238 = arith.constant 0 : i32
    %dma_wait3A_239 = tpu.memref_slice %arg4[%dma_wait3A_237, %dma_wait3A_238] : memref<3276800x128xf32, #tpu.memory_space<hbm>> -> memref<128x128xf32, #tpu.memory_space<hbm>>
    %dma_wait3A_240 = arith.constant 0 : i32
    %dma_wait3A_241 = arith.constant 0 : i32
    %dma_wait3A_242 = tpu.memref_slice %arg6[%dma_wait3A_229, %dma_wait3A_240, %dma_wait3A_241] : memref<4x128x128xf32, #tpu.memory_space<vmem>> -> memref<1x128x128xf32, #tpu.memory_space<vmem>>
    %dma_wait3A_243 = tpu.memref_squeeze %dma_wait3A_242 : memref<1x128x128xf32, #tpu.memory_space<vmem>> -> memref<128x128xf32, #tpu.memory_space<vmem>>
    tpu.wait_dma2 semaphore(%arg12 : memref<!tpu.dma_semaphore, #tpu.memory_space<semaphore_mem>>) src(%dma_wait3A_243 : memref<128x128xf32, #tpu.memory_space<vmem>>) dst(%dma_wait3A_239 : memref<128x128xf32, #tpu.memory_space<hbm>>)
    %dma_start3A_244 = arith.constant 0 : i32
    %dma_start3A_245 = arith.constant 5 : i32
    %dma_start3A_246 = arith.constant 1 : i32
    %dma_start3A_247 = arith.constant 0 : i32
    %dma_start3A_248 = arith.constant 0 : i32
    %dma_start3A_249 = tpu.memref_slice %arg6[%dma_start3A_246, %dma_start3A_247, %dma_start3A_248] : memref<4x128x128xf32, #tpu.memory_space<vmem>> -> memref<1x128x128xf32, #tpu.memory_space<vmem>>
    %dma_start3A_250 = tpu.memref_squeeze %dma_start3A_249 : memref<1x128x128xf32, #tpu.memory_space<vmem>> -> memref<128x128xf32, #tpu.memory_space<vmem>>
    %dma_start3A_251 = arith.constant 0 : i32
    %dma_start3A_252 = tpu.memref_slice %arg5[%dma_start3A_244, %dma_start3A_245, %dma_start3A_251] : memref<2x8x128xi32, #tpu.memory_space<vmem>> -> memref<1x1x128xi32, #tpu.memory_space<vmem>>
    %dma_start3A_253 = tpu.memref_squeeze %dma_start3A_252 : memref<1x1x128xi32, #tpu.memory_space<vmem>> -> memref<128xi32, #tpu.memory_space<vmem>>
    %dma_start3A_254 = arith.constant 0 : i32
    %dma_start3A_255 = arith.constant 0 : i32
    %dma_start3A_256 = tpu.memref_slice %arg3[%dma_start3A_254, %dma_start3A_255] : memref<100000x128xf32, #tpu.memory_space<hbm>> -> memref<100000x128xf32, #tpu.memory_space<hbm>>
    tpu.enqueue_indirect_dma source(%dma_start3A_256 : memref<100000x128xf32, #tpu.memory_space<hbm>>) target(%dma_start3A_250 : memref<128x128xf32, #tpu.memory_space<vmem>>) offsets(%dma_start3A_253 : memref<128xi32, #tpu.memory_space<vmem>>) semaphore(%arg8 : memref<!tpu.dma_semaphore, #tpu.memory_space<semaphore_mem>>)
    %dma_wait3A_257 = arith.constant 3 : i32
    %dma_wait3A_258 = arith.constant 0 : i32
    %dma_wait3A_259 = arith.constant 0 : i32
    %dma_wait3A_260 = tpu.memref_slice %arg6[%dma_wait3A_257, %dma_wait3A_258, %dma_wait3A_259] : memref<4x128x128xf32, #tpu.memory_space<vmem>> -> memref<1x128x128xf32, #tpu.memory_space<vmem>>
    %dma_wait3A_261 = tpu.memref_squeeze %dma_wait3A_260 : memref<1x128x128xf32, #tpu.memory_space<vmem>> -> memref<128x128xf32, #tpu.memory_space<vmem>>
    %dma_wait3A_262 = arith.constant 0 : i32
    %dma_wait3A_263 = arith.constant 0 : i32
    %dma_wait3A_264 = tpu.memref_slice %arg4[%dma_wait3A_262, %dma_wait3A_263] : memref<3276800x128xf32, #tpu.memory_space<hbm>> -> memref<128x128xf32, #tpu.memory_space<hbm>>
    %dma_wait3A_265 = arith.constant 0 : i32
    %dma_wait3A_266 = arith.constant 0 : i32
    %dma_wait3A_267 = tpu.memref_slice %arg6[%dma_wait3A_257, %dma_wait3A_265, %dma_wait3A_266] : memref<4x128x128xf32, #tpu.memory_space<vmem>> -> memref<1x128x128xf32, #tpu.memory_space<vmem>>
    %dma_wait3A_268 = tpu.memref_squeeze %dma_wait3A_267 : memref<1x128x128xf32, #tpu.memory_space<vmem>> -> memref<128x128xf32, #tpu.memory_space<vmem>>
    %dma_wait3A_269 = arith.constant 0 : i32
    %dma_wait3A_270 = arith.constant 0 : i32
    %dma_wait3A_271 = tpu.memref_slice %arg4[%dma_wait3A_269, %dma_wait3A_270] : memref<3276800x128xf32, #tpu.memory_space<hbm>> -> memref<128x128xf32, #tpu.memory_space<hbm>>
    tpu.wait_dma2 semaphore(%arg10 : memref<!tpu.dma_semaphore, #tpu.memory_space<semaphore_mem>>) src(%dma_wait3A_271 : memref<128x128xf32, #tpu.memory_space<hbm>>) dst(%dma_wait3A_268 : memref<128x128xf32, #tpu.memory_space<vmem>>)
    %add3A_272 = arith.constant 5 : i32
    %add3A_273 = arith.addi %mul3A_2, %add3A_272 : i32
    %sub3A_274 = arith.constant 2 : i32
    %sub3A_275 = arith.subi %add3A_273, %sub3A_274 : i32
    %mul3A_276 = arith.constant 128 : i32
    %mul3A_277 = arith.muli %sub3A_275, %mul3A_276 : i32
    %multiple_of3A_278 = tpu.assume_multiple %mul3A_277, 128 : i32
    %dma_start3A_279 = arith.constant 3 : i32
    %dma_start3A_280 = arith.constant 0 : i32
    %dma_start3A_281 = arith.constant 0 : i32
    %dma_start3A_282 = tpu.memref_slice %arg6[%dma_start3A_279, %dma_start3A_280, %dma_start3A_281] : memref<4x128x128xf32, #tpu.memory_space<vmem>> -> memref<1x128x128xf32, #tpu.memory_space<vmem>>
    %dma_start3A_283 = tpu.memref_squeeze %dma_start3A_282 : memref<1x128x128xf32, #tpu.memory_space<vmem>> -> memref<128x128xf32, #tpu.memory_space<vmem>>
    %dma_start3A_284 = arith.constant 0 : i32
    %dma_start3A_285 = tpu.memref_slice %arg4[%multiple_of3A_278, %dma_start3A_284] : memref<3276800x128xf32, #tpu.memory_space<hbm>> -> memref<128x128xf32, #tpu.memory_space<hbm>>
    %dma_start3A_286 = arith.constant 0 : i32
    %dma_start3A_287 = tpu.memref_slice %arg4[%multiple_of3A_278, %dma_start3A_286] : memref<3276800x128xf32, #tpu.memory_space<hbm>> -> memref<128x128xf32, #tpu.memory_space<hbm>>
    %dma_start3A_288 = arith.constant 0 : i32
    %dma_start3A_289 = arith.constant 0 : i32
    %dma_start3A_290 = tpu.memref_slice %arg6[%dma_start3A_279, %dma_start3A_288, %dma_start3A_289] : memref<4x128x128xf32, #tpu.memory_space<vmem>> -> memref<1x128x128xf32, #tpu.memory_space<vmem>>
    %dma_start3A_291 = tpu.memref_squeeze %dma_start3A_290 : memref<1x128x128xf32, #tpu.memory_space<vmem>> -> memref<128x128xf32, #tpu.memory_space<vmem>>
    tpu.enqueue_dma source(%dma_start3A_291 : memref<128x128xf32, #tpu.memory_space<vmem>>) target(%dma_start3A_287 : memref<128x128xf32, #tpu.memory_space<hbm>>) target_semaphore(%arg14 : memref<!tpu.dma_semaphore, #tpu.memory_space<semaphore_mem>>)
    %dma_wait3A_292 = arith.constant 2 : i32
    %dma_wait3A_293 = arith.constant 0 : i32
    %dma_wait3A_294 = arith.constant 0 : i32
    %dma_wait3A_295 = tpu.memref_slice %arg6[%dma_wait3A_292, %dma_wait3A_293, %dma_wait3A_294] : memref<4x128x128xf32, #tpu.memory_space<vmem>> -> memref<1x128x128xf32, #tpu.memory_space<vmem>>
    %dma_wait3A_296 = tpu.memref_squeeze %dma_wait3A_295 : memref<1x128x128xf32, #tpu.memory_space<vmem>> -> memref<128x128xf32, #tpu.memory_space<vmem>>
    %dma_wait3A_297 = arith.constant 0 : i32
    %dma_wait3A_298 = arith.constant 0 : i32
    %dma_wait3A_299 = tpu.memref_slice %arg4[%dma_wait3A_297, %dma_wait3A_298] : memref<3276800x128xf32, #tpu.memory_space<hbm>> -> memref<128x128xf32, #tpu.memory_space<hbm>>
    %dma_wait3A_300 = arith.constant 0 : i32
    %dma_wait3A_301 = arith.constant 0 : i32
    %dma_wait3A_302 = tpu.memref_slice %arg4[%dma_wait3A_300, %dma_wait3A_301] : memref<3276800x128xf32, #tpu.memory_space<hbm>> -> memref<128x128xf32, #tpu.memory_space<hbm>>
    %dma_wait3A_303 = arith.constant 0 : i32
    %dma_wait3A_304 = arith.constant 0 : i32
    %dma_wait3A_305 = tpu.memref_slice %arg6[%dma_wait3A_292, %dma_wait3A_303, %dma_wait3A_304] : memref<4x128x128xf32, #tpu.memory_space<vmem>> -> memref<1x128x128xf32, #tpu.memory_space<vmem>>
    %dma_wait3A_306 = tpu.memref_squeeze %dma_wait3A_305 : memref<1x128x128xf32, #tpu.memory_space<vmem>> -> memref<128x128xf32, #tpu.memory_space<vmem>>
    tpu.wait_dma2 semaphore(%arg13 : memref<!tpu.dma_semaphore, #tpu.memory_space<semaphore_mem>>) src(%dma_wait3A_306 : memref<128x128xf32, #tpu.memory_space<vmem>>) dst(%dma_wait3A_302 : memref<128x128xf32, #tpu.memory_space<hbm>>)
    %dma_start3A_307 = arith.constant 0 : i32
    %dma_start3A_308 = arith.constant 6 : i32
    %dma_start3A_309 = arith.constant 2 : i32
    %dma_start3A_310 = arith.constant 0 : i32
    %dma_start3A_311 = arith.constant 0 : i32
    %dma_start3A_312 = tpu.memref_slice %arg6[%dma_start3A_309, %dma_start3A_310, %dma_start3A_311] : memref<4x128x128xf32, #tpu.memory_space<vmem>> -> memref<1x128x128xf32, #tpu.memory_space<vmem>>
    %dma_start3A_313 = tpu.memref_squeeze %dma_start3A_312 : memref<1x128x128xf32, #tpu.memory_space<vmem>> -> memref<128x128xf32, #tpu.memory_space<vmem>>
    %dma_start3A_314 = arith.constant 0 : i32
    %dma_start3A_315 = tpu.memref_slice %arg5[%dma_start3A_307, %dma_start3A_308, %dma_start3A_314] : memref<2x8x128xi32, #tpu.memory_space<vmem>> -> memref<1x1x128xi32, #tpu.memory_space<vmem>>
    %dma_start3A_316 = tpu.memref_squeeze %dma_start3A_315 : memref<1x1x128xi32, #tpu.memory_space<vmem>> -> memref<128xi32, #tpu.memory_space<vmem>>
    %dma_start3A_317 = arith.constant 0 : i32
    %dma_start3A_318 = arith.constant 0 : i32
    %dma_start3A_319 = tpu.memref_slice %arg3[%dma_start3A_317, %dma_start3A_318] : memref<100000x128xf32, #tpu.memory_space<hbm>> -> memref<100000x128xf32, #tpu.memory_space<hbm>>
    tpu.enqueue_indirect_dma source(%dma_start3A_319 : memref<100000x128xf32, #tpu.memory_space<hbm>>) target(%dma_start3A_313 : memref<128x128xf32, #tpu.memory_space<vmem>>) offsets(%dma_start3A_316 : memref<128xi32, #tpu.memory_space<vmem>>) semaphore(%arg9 : memref<!tpu.dma_semaphore, #tpu.memory_space<semaphore_mem>>)
    %dma_wait3A_320 = arith.constant 0 : i32
    %dma_wait3A_321 = arith.constant 0 : i32
    %dma_wait3A_322 = arith.constant 0 : i32
    %dma_wait3A_323 = tpu.memref_slice %arg6[%dma_wait3A_320, %dma_wait3A_321, %dma_wait3A_322] : memref<4x128x128xf32, #tpu.memory_space<vmem>> -> memref<1x128x128xf32, #tpu.memory_space<vmem>>
    %dma_wait3A_324 = tpu.memref_squeeze %dma_wait3A_323 : memref<1x128x128xf32, #tpu.memory_space<vmem>> -> memref<128x128xf32, #tpu.memory_space<vmem>>
    %dma_wait3A_325 = arith.constant 0 : i32
    %dma_wait3A_326 = arith.constant 0 : i32
    %dma_wait3A_327 = tpu.memref_slice %arg4[%dma_wait3A_325, %dma_wait3A_326] : memref<3276800x128xf32, #tpu.memory_space<hbm>> -> memref<128x128xf32, #tpu.memory_space<hbm>>
    %dma_wait3A_328 = arith.constant 0 : i32
    %dma_wait3A_329 = arith.constant 0 : i32
    %dma_wait3A_330 = tpu.memref_slice %arg6[%dma_wait3A_320, %dma_wait3A_328, %dma_wait3A_329] : memref<4x128x128xf32, #tpu.memory_space<vmem>> -> memref<1x128x128xf32, #tpu.memory_space<vmem>>
    %dma_wait3A_331 = tpu.memref_squeeze %dma_wait3A_330 : memref<1x128x128xf32, #tpu.memory_space<vmem>> -> memref<128x128xf32, #tpu.memory_space<vmem>>
    %dma_wait3A_332 = arith.constant 0 : i32
    %dma_wait3A_333 = arith.constant 0 : i32
    %dma_wait3A_334 = tpu.memref_slice %arg4[%dma_wait3A_332, %dma_wait3A_333] : memref<3276800x128xf32, #tpu.memory_space<hbm>> -> memref<128x128xf32, #tpu.memory_space<hbm>>
    tpu.wait_dma2 semaphore(%arg7 : memref<!tpu.dma_semaphore, #tpu.memory_space<semaphore_mem>>) src(%dma_wait3A_334 : memref<128x128xf32, #tpu.memory_space<hbm>>) dst(%dma_wait3A_331 : memref<128x128xf32, #tpu.memory_space<vmem>>)
    %add3A_335 = arith.constant 6 : i32
    %add3A_336 = arith.addi %mul3A_2, %add3A_335 : i32
    %sub3A_337 = arith.constant 2 : i32
    %sub3A_338 = arith.subi %add3A_336, %sub3A_337 : i32
    %mul3A_339 = arith.constant 128 : i32
    %mul3A_340 = arith.muli %sub3A_338, %mul3A_339 : i32
    %multiple_of3A_341 = tpu.assume_multiple %mul3A_340, 128 : i32
    %dma_start3A_342 = arith.constant 0 : i32
    %dma_start3A_343 = arith.constant 0 : i32
    %dma_start3A_344 = arith.constant 0 : i32
    %dma_start3A_345 = tpu.memref_slice %arg6[%dma_start3A_342, %dma_start3A_343, %dma_start3A_344] : memref<4x128x128xf32, #tpu.memory_space<vmem>> -> memref<1x128x128xf32, #tpu.memory_space<vmem>>
    %dma_start3A_346 = tpu.memref_squeeze %dma_start3A_345 : memref<1x128x128xf32, #tpu.memory_space<vmem>> -> memref<128x128xf32, #tpu.memory_space<vmem>>
    %dma_start3A_347 = arith.constant 0 : i32
    %dma_start3A_348 = tpu.memref_slice %arg4[%multiple_of3A_341, %dma_start3A_347] : memref<3276800x128xf32, #tpu.memory_space<hbm>> -> memref<128x128xf32, #tpu.memory_space<hbm>>
    %dma_start3A_349 = arith.constant 0 : i32
    %dma_start3A_350 = tpu.memref_slice %arg4[%multiple_of3A_341, %dma_start3A_349] : memref<3276800x128xf32, #tpu.memory_space<hbm>> -> memref<128x128xf32, #tpu.memory_space<hbm>>
    %dma_start3A_351 = arith.constant 0 : i32
    %dma_start3A_352 = arith.constant 0 : i32
    %dma_start3A_353 = tpu.memref_slice %arg6[%dma_start3A_342, %dma_start3A_351, %dma_start3A_352] : memref<4x128x128xf32, #tpu.memory_space<vmem>> -> memref<1x128x128xf32, #tpu.memory_space<vmem>>
    %dma_start3A_354 = tpu.memref_squeeze %dma_start3A_353 : memref<1x128x128xf32, #tpu.memory_space<vmem>> -> memref<128x128xf32, #tpu.memory_space<vmem>>
    tpu.enqueue_dma source(%dma_start3A_354 : memref<128x128xf32, #tpu.memory_space<vmem>>) target(%dma_start3A_350 : memref<128x128xf32, #tpu.memory_space<hbm>>) target_semaphore(%arg11 : memref<!tpu.dma_semaphore, #tpu.memory_space<semaphore_mem>>)
    %dma_wait3A_355 = arith.constant 3 : i32
    %dma_wait3A_356 = arith.constant 0 : i32
    %dma_wait3A_357 = arith.constant 0 : i32
    %dma_wait3A_358 = tpu.memref_slice %arg6[%dma_wait3A_355, %dma_wait3A_356, %dma_wait3A_357] : memref<4x128x128xf32, #tpu.memory_space<vmem>> -> memref<1x128x128xf32, #tpu.memory_space<vmem>>
    %dma_wait3A_359 = tpu.memref_squeeze %dma_wait3A_358 : memref<1x128x128xf32, #tpu.memory_space<vmem>> -> memref<128x128xf32, #tpu.memory_space<vmem>>
    %dma_wait3A_360 = arith.constant 0 : i32
    %dma_wait3A_361 = arith.constant 0 : i32
    %dma_wait3A_362 = tpu.memref_slice %arg4[%dma_wait3A_360, %dma_wait3A_361] : memref<3276800x128xf32, #tpu.memory_space<hbm>> -> memref<128x128xf32, #tpu.memory_space<hbm>>
    %dma_wait3A_363 = arith.constant 0 : i32
    %dma_wait3A_364 = arith.constant 0 : i32
    %dma_wait3A_365 = tpu.memref_slice %arg4[%dma_wait3A_363, %dma_wait3A_364] : memref<3276800x128xf32, #tpu.memory_space<hbm>> -> memref<128x128xf32, #tpu.memory_space<hbm>>
    %dma_wait3A_366 = arith.constant 0 : i32
    %dma_wait3A_367 = arith.constant 0 : i32
    %dma_wait3A_368 = tpu.memref_slice %arg6[%dma_wait3A_355, %dma_wait3A_366, %dma_wait3A_367] : memref<4x128x128xf32, #tpu.memory_space<vmem>> -> memref<1x128x128xf32, #tpu.memory_space<vmem>>
    %dma_wait3A_369 = tpu.memref_squeeze %dma_wait3A_368 : memref<1x128x128xf32, #tpu.memory_space<vmem>> -> memref<128x128xf32, #tpu.memory_space<vmem>>
    tpu.wait_dma2 semaphore(%arg14 : memref<!tpu.dma_semaphore, #tpu.memory_space<semaphore_mem>>) src(%dma_wait3A_369 : memref<128x128xf32, #tpu.memory_space<vmem>>) dst(%dma_wait3A_365 : memref<128x128xf32, #tpu.memory_space<hbm>>)
    %dma_start3A_370 = arith.constant 0 : i32
    %dma_start3A_371 = arith.constant 7 : i32
    %dma_start3A_372 = arith.constant 3 : i32
    %dma_start3A_373 = arith.constant 0 : i32
    %dma_start3A_374 = arith.constant 0 : i32
    %dma_start3A_375 = tpu.memref_slice %arg6[%dma_start3A_372, %dma_start3A_373, %dma_start3A_374] : memref<4x128x128xf32, #tpu.memory_space<vmem>> -> memref<1x128x128xf32, #tpu.memory_space<vmem>>
    %dma_start3A_376 = tpu.memref_squeeze %dma_start3A_375 : memref<1x128x128xf32, #tpu.memory_space<vmem>> -> memref<128x128xf32, #tpu.memory_space<vmem>>
    %dma_start3A_377 = arith.constant 0 : i32
    %dma_start3A_378 = tpu.memref_slice %arg5[%dma_start3A_370, %dma_start3A_371, %dma_start3A_377] : memref<2x8x128xi32, #tpu.memory_space<vmem>> -> memref<1x1x128xi32, #tpu.memory_space<vmem>>
    %dma_start3A_379 = tpu.memref_squeeze %dma_start3A_378 : memref<1x1x128xi32, #tpu.memory_space<vmem>> -> memref<128xi32, #tpu.memory_space<vmem>>
    %dma_start3A_380 = arith.constant 0 : i32
    %dma_start3A_381 = arith.constant 0 : i32
    %dma_start3A_382 = tpu.memref_slice %arg3[%dma_start3A_380, %dma_start3A_381] : memref<100000x128xf32, #tpu.memory_space<hbm>> -> memref<100000x128xf32, #tpu.memory_space<hbm>>
    tpu.enqueue_indirect_dma source(%dma_start3A_382 : memref<100000x128xf32, #tpu.memory_space<hbm>>) target(%dma_start3A_376 : memref<128x128xf32, #tpu.memory_space<vmem>>) offsets(%dma_start3A_379 : memref<128xi32, #tpu.memory_space<vmem>>) semaphore(%arg10 : memref<!tpu.dma_semaphore, #tpu.memory_space<semaphore_mem>>)
    %dma_wait3A_383 = arith.constant 1 : i32
    %dma_wait3A_384 = arith.constant 0 : i32
    %dma_wait3A_385 = arith.constant 0 : i32
    %dma_wait3A_386 = tpu.memref_slice %arg6[%dma_wait3A_383, %dma_wait3A_384, %dma_wait3A_385] : memref<4x128x128xf32, #tpu.memory_space<vmem>> -> memref<1x128x128xf32, #tpu.memory_space<vmem>>
    %dma_wait3A_387 = tpu.memref_squeeze %dma_wait3A_386 : memref<1x128x128xf32, #tpu.memory_space<vmem>> -> memref<128x128xf32, #tpu.memory_space<vmem>>
    %dma_wait3A_388 = arith.constant 0 : i32
    %dma_wait3A_389 = arith.constant 0 : i32
    %dma_wait3A_390 = tpu.memref_slice %arg4[%dma_wait3A_388, %dma_wait3A_389] : memref<3276800x128xf32, #tpu.memory_space<hbm>> -> memref<128x128xf32, #tpu.memory_space<hbm>>
    %dma_wait3A_391 = arith.constant 0 : i32
    %dma_wait3A_392 = arith.constant 0 : i32
    %dma_wait3A_393 = tpu.memref_slice %arg6[%dma_wait3A_383, %dma_wait3A_391, %dma_wait3A_392] : memref<4x128x128xf32, #tpu.memory_space<vmem>> -> memref<1x128x128xf32, #tpu.memory_space<vmem>>
    %dma_wait3A_394 = tpu.memref_squeeze %dma_wait3A_393 : memref<1x128x128xf32, #tpu.memory_space<vmem>> -> memref<128x128xf32, #tpu.memory_space<vmem>>
    %dma_wait3A_395 = arith.constant 0 : i32
    %dma_wait3A_396 = arith.constant 0 : i32
    %dma_wait3A_397 = tpu.memref_slice %arg4[%dma_wait3A_395, %dma_wait3A_396] : memref<3276800x128xf32, #tpu.memory_space<hbm>> -> memref<128x128xf32, #tpu.memory_space<hbm>>
    tpu.wait_dma2 semaphore(%arg8 : memref<!tpu.dma_semaphore, #tpu.memory_space<semaphore_mem>>) src(%dma_wait3A_397 : memref<128x128xf32, #tpu.memory_space<hbm>>) dst(%dma_wait3A_394 : memref<128x128xf32, #tpu.memory_space<vmem>>)
    %add3A_398 = arith.constant 7 : i32
    %add3A_399 = arith.addi %mul3A_2, %add3A_398 : i32
    %sub3A_400 = arith.constant 2 : i32
    %sub3A_401 = arith.subi %add3A_399, %sub3A_400 : i32
    %mul3A_402 = arith.constant 128 : i32
    %mul3A_403 = arith.muli %sub3A_401, %mul3A_402 : i32
    %multiple_of3A_404 = tpu.assume_multiple %mul3A_403, 128 : i32
    %dma_start3A_405 = arith.constant 1 : i32
    %dma_start3A_406 = arith.constant 0 : i32
    %dma_start3A_407 = arith.constant 0 : i32
    %dma_start3A_408 = tpu.memref_slice %arg6[%dma_start3A_405, %dma_start3A_406, %dma_start3A_407] : memref<4x128x128xf32, #tpu.memory_space<vmem>> -> memref<1x128x128xf32, #tpu.memory_space<vmem>>
    %dma_start3A_409 = tpu.memref_squeeze %dma_start3A_408 : memref<1x128x128xf32, #tpu.memory_space<vmem>> -> memref<128x128xf32, #tpu.memory_space<vmem>>
    %dma_start3A_410 = arith.constant 0 : i32
    %dma_start3A_411 = tpu.memref_slice %arg4[%multiple_of3A_404, %dma_start3A_410] : memref<3276800x128xf32, #tpu.memory_space<hbm>> -> memref<128x128xf32, #tpu.memory_space<hbm>>
    %dma_start3A_412 = arith.constant 0 : i32
    %dma_start3A_413 = tpu.memref_slice %arg4[%multiple_of3A_404, %dma_start3A_412] : memref<3276800x128xf32, #tpu.memory_space<hbm>> -> memref<128x128xf32, #tpu.memory_space<hbm>>
    %dma_start3A_414 = arith.constant 0 : i32
    %dma_start3A_415 = arith.constant 0 : i32
    %dma_start3A_416 = tpu.memref_slice %arg6[%dma_start3A_405, %dma_start3A_414, %dma_start3A_415] : memref<4x128x128xf32, #tpu.memory_space<vmem>> -> memref<1x128x128xf32, #tpu.memory_space<vmem>>
    %dma_start3A_417 = tpu.memref_squeeze %dma_start3A_416 : memref<1x128x128xf32, #tpu.memory_space<vmem>> -> memref<128x128xf32, #tpu.memory_space<vmem>>
    tpu.enqueue_dma source(%dma_start3A_417 : memref<128x128xf32, #tpu.memory_space<vmem>>) target(%dma_start3A_413 : memref<128x128xf32, #tpu.memory_space<hbm>>) target_semaphore(%arg12 : memref<!tpu.dma_semaphore, #tpu.memory_space<semaphore_mem>>)
    %dma_wait3A_418 = arith.constant 1 : i32
    %dma_wait3A_419 = arith.constant 0 : i32
    %dma_wait3A_420 = arith.constant 0 : i32
    %dma_wait3A_421 = tpu.memref_slice %arg5[%dma_wait3A_418, %dma_wait3A_419, %dma_wait3A_420] : memref<2x8x128xi32, #tpu.memory_space<vmem>> -> memref<1x8x128xi32, #tpu.memory_space<vmem>>
    %dma_wait3A_422 = tpu.memref_squeeze %dma_wait3A_421 : memref<1x8x128xi32, #tpu.memory_space<vmem>> -> memref<8x128xi32, #tpu.memory_space<vmem>>
    %dma_wait3A_423 = arith.constant 0 : i32
    %dma_wait3A_424 = arith.constant 0 : i32
    %dma_wait3A_425 = tpu.memref_slice %arg2[%dma_wait3A_423, %dma_wait3A_424] : memref<25600x128xi32, #tpu.memory_space<hbm>> -> memref<8x128xi32, #tpu.memory_space<hbm>>
    %dma_wait3A_426 = arith.constant 0 : i32
    %dma_wait3A_427 = arith.constant 0 : i32
    %dma_wait3A_428 = tpu.memref_slice %arg5[%dma_wait3A_418, %dma_wait3A_426, %dma_wait3A_427] : memref<2x8x128xi32, #tpu.memory_space<vmem>> -> memref<1x8x128xi32, #tpu.memory_space<vmem>>
    %dma_wait3A_429 = tpu.memref_squeeze %dma_wait3A_428 : memref<1x8x128xi32, #tpu.memory_space<vmem>> -> memref<8x128xi32, #tpu.memory_space<vmem>>
    %dma_wait3A_430 = arith.constant 0 : i32
    %dma_wait3A_431 = arith.constant 0 : i32
    %dma_wait3A_432 = tpu.memref_slice %arg2[%dma_wait3A_430, %dma_wait3A_431] : memref<25600x128xi32, #tpu.memory_space<hbm>> -> memref<8x128xi32, #tpu.memory_space<hbm>>
    tpu.wait_dma2 semaphore(%arg16 : memref<!tpu.dma_semaphore, #tpu.memory_space<semaphore_mem>>) src(%dma_wait3A_432 : memref<8x128xi32, #tpu.memory_space<hbm>>) dst(%dma_wait3A_429 : memref<8x128xi32, #tpu.memory_space<vmem>>)
    %add3A_433 = arith.constant 8 : i32
    %add3A_434 = arith.addi %mul3A_2, %add3A_433 : i32
    %dma_wait3A_435 = arith.constant 0 : i32
    %dma_wait3A_436 = arith.constant 0 : i32
    %dma_wait3A_437 = arith.constant 0 : i32
    %dma_wait3A_438 = tpu.memref_slice %arg6[%dma_wait3A_435, %dma_wait3A_436, %dma_wait3A_437] : memref<4x128x128xf32, #tpu.memory_space<vmem>> -> memref<1x128x128xf32, #tpu.memory_space<vmem>>
    %dma_wait3A_439 = tpu.memref_squeeze %dma_wait3A_438 : memref<1x128x128xf32, #tpu.memory_space<vmem>> -> memref<128x128xf32, #tpu.memory_space<vmem>>
    %dma_wait3A_440 = arith.constant 0 : i32
    %dma_wait3A_441 = arith.constant 0 : i32
    %dma_wait3A_442 = tpu.memref_slice %arg4[%dma_wait3A_440, %dma_wait3A_441] : memref<3276800x128xf32, #tpu.memory_space<hbm>> -> memref<128x128xf32, #tpu.memory_space<hbm>>
    %dma_wait3A_443 = arith.constant 0 : i32
    %dma_wait3A_444 = arith.constant 0 : i32
    %dma_wait3A_445 = tpu.memref_slice %arg4[%dma_wait3A_443, %dma_wait3A_444] : memref<3276800x128xf32, #tpu.memory_space<hbm>> -> memref<128x128xf32, #tpu.memory_space<hbm>>
    %dma_wait3A_446 = arith.constant 0 : i32
    %dma_wait3A_447 = arith.constant 0 : i32
    %dma_wait3A_448 = tpu.memref_slice %arg6[%dma_wait3A_435, %dma_wait3A_446, %dma_wait3A_447] : memref<4x128x128xf32, #tpu.memory_space<vmem>> -> memref<1x128x128xf32, #tpu.memory_space<vmem>>
    %dma_wait3A_449 = tpu.memref_squeeze %dma_wait3A_448 : memref<1x128x128xf32, #tpu.memory_space<vmem>> -> memref<128x128xf32, #tpu.memory_space<vmem>>
    tpu.wait_dma2 semaphore(%arg11 : memref<!tpu.dma_semaphore, #tpu.memory_space<semaphore_mem>>) src(%dma_wait3A_449 : memref<128x128xf32, #tpu.memory_space<vmem>>) dst(%dma_wait3A_445 : memref<128x128xf32, #tpu.memory_space<hbm>>)
    %dma_start3A_450 = arith.constant 1 : i32
    %dma_start3A_451 = arith.constant 0 : i32
    %dma_start3A_452 = arith.constant 0 : i32
    %dma_start3A_453 = arith.constant 0 : i32
    %dma_start3A_454 = arith.constant 0 : i32
    %dma_start3A_455 = tpu.memref_slice %arg6[%dma_start3A_452, %dma_start3A_453, %dma_start3A_454] : memref<4x128x128xf32, #tpu.memory_space<vmem>> -> memref<1x128x128xf32, #tpu.memory_space<vmem>>
    %dma_start3A_456 = tpu.memref_squeeze %dma_start3A_455 : memref<1x128x128xf32, #tpu.memory_space<vmem>> -> memref<128x128xf32, #tpu.memory_space<vmem>>
    %dma_start3A_457 = arith.constant 0 : i32
    %dma_start3A_458 = tpu.memref_slice %arg5[%dma_start3A_450, %dma_start3A_451, %dma_start3A_457] : memref<2x8x128xi32, #tpu.memory_space<vmem>> -> memref<1x1x128xi32, #tpu.memory_space<vmem>>
    %dma_start3A_459 = tpu.memref_squeeze %dma_start3A_458 : memref<1x1x128xi32, #tpu.memory_space<vmem>> -> memref<128xi32, #tpu.memory_space<vmem>>
    %dma_start3A_460 = arith.constant 0 : i32
    %dma_start3A_461 = arith.constant 0 : i32
    %dma_start3A_462 = tpu.memref_slice %arg3[%dma_start3A_460, %dma_start3A_461] : memref<100000x128xf32, #tpu.memory_space<hbm>> -> memref<100000x128xf32, #tpu.memory_space<hbm>>
    tpu.enqueue_indirect_dma source(%dma_start3A_462 : memref<100000x128xf32, #tpu.memory_space<hbm>>) target(%dma_start3A_456 : memref<128x128xf32, #tpu.memory_space<vmem>>) offsets(%dma_start3A_459 : memref<128xi32, #tpu.memory_space<vmem>>) semaphore(%arg7 : memref<!tpu.dma_semaphore, #tpu.memory_space<semaphore_mem>>)
    %dma_wait3A_463 = arith.constant 2 : i32
    %dma_wait3A_464 = arith.constant 0 : i32
    %dma_wait3A_465 = arith.constant 0 : i32
    %dma_wait3A_466 = tpu.memref_slice %arg6[%dma_wait3A_463, %dma_wait3A_464, %dma_wait3A_465] : memref<4x128x128xf32, #tpu.memory_space<vmem>> -> memref<1x128x128xf32, #tpu.memory_space<vmem>>
    %dma_wait3A_467 = tpu.memref_squeeze %dma_wait3A_466 : memref<1x128x128xf32, #tpu.memory_space<vmem>> -> memref<128x128xf32, #tpu.memory_space<vmem>>
    %dma_wait3A_468 = arith.constant 0 : i32
    %dma_wait3A_469 = arith.constant 0 : i32
    %dma_wait3A_470 = tpu.memref_slice %arg4[%dma_wait3A_468, %dma_wait3A_469] : memref<3276800x128xf32, #tpu.memory_space<hbm>> -> memref<128x128xf32, #tpu.memory_space<hbm>>
    %dma_wait3A_471 = arith.constant 0 : i32
    %dma_wait3A_472 = arith.constant 0 : i32
    %dma_wait3A_473 = tpu.memref_slice %arg6[%dma_wait3A_463, %dma_wait3A_471, %dma_wait3A_472] : memref<4x128x128xf32, #tpu.memory_space<vmem>> -> memref<1x128x128xf32, #tpu.memory_space<vmem>>
    %dma_wait3A_474 = tpu.memref_squeeze %dma_wait3A_473 : memref<1x128x128xf32, #tpu.memory_space<vmem>> -> memref<128x128xf32, #tpu.memory_space<vmem>>
    %dma_wait3A_475 = arith.constant 0 : i32
    %dma_wait3A_476 = arith.constant 0 : i32
    %dma_wait3A_477 = tpu.memref_slice %arg4[%dma_wait3A_475, %dma_wait3A_476] : memref<3276800x128xf32, #tpu.memory_space<hbm>> -> memref<128x128xf32, #tpu.memory_space<hbm>>
    tpu.wait_dma2 semaphore(%arg9 : memref<!tpu.dma_semaphore, #tpu.memory_space<semaphore_mem>>) src(%dma_wait3A_477 : memref<128x128xf32, #tpu.memory_space<hbm>>) dst(%dma_wait3A_474 : memref<128x128xf32, #tpu.memory_space<vmem>>)
    %add3A_478 = arith.constant 0 : i32
    %add3A_479 = arith.addi %add3A_434, %add3A_478 : i32
    %sub3A_480 = arith.constant 2 : i32
    %sub3A_481 = arith.subi %add3A_479, %sub3A_480 : i32
    %mul3A_482 = arith.constant 128 : i32
    %mul3A_483 = arith.muli %sub3A_481, %mul3A_482 : i32
    %multiple_of3A_484 = tpu.assume_multiple %mul3A_483, 128 : i32
    %dma_start3A_485 = arith.constant 2 : i32
    %dma_start3A_486 = arith.constant 0 : i32
    %dma_start3A_487 = arith.constant 0 : i32
    %dma_start3A_488 = tpu.memref_slice %arg6[%dma_start3A_485, %dma_start3A_486, %dma_start3A_487] : memref<4x128x128xf32, #tpu.memory_space<vmem>> -> memref<1x128x128xf32, #tpu.memory_space<vmem>>
    %dma_start3A_489 = tpu.memref_squeeze %dma_start3A_488 : memref<1x128x128xf32, #tpu.memory_space<vmem>> -> memref<128x128xf32, #tpu.memory_space<vmem>>
    %dma_start3A_490 = arith.constant 0 : i32
    %dma_start3A_491 = tpu.memref_slice %arg4[%multiple_of3A_484, %dma_start3A_490] : memref<3276800x128xf32, #tpu.memory_space<hbm>> -> memref<128x128xf32, #tpu.memory_space<hbm>>
    %dma_start3A_492 = arith.constant 0 : i32
    %dma_start3A_493 = tpu.memref_slice %arg4[%multiple_of3A_484, %dma_start3A_492] : memref<3276800x128xf32, #tpu.memory_space<hbm>> -> memref<128x128xf32, #tpu.memory_space<hbm>>
    %dma_start3A_494 = arith.constant 0 : i32
    %dma_start3A_495 = arith.constant 0 : i32
    %dma_start3A_496 = tpu.memref_slice %arg6[%dma_start3A_485, %dma_start3A_494, %dma_start3A_495] : memref<4x128x128xf32, #tpu.memory_space<vmem>> -> memref<1x128x128xf32, #tpu.memory_space<vmem>>
    %dma_start3A_497 = tpu.memref_squeeze %dma_start3A_496 : memref<1x128x128xf32, #tpu.memory_space<vmem>> -> memref<128x128xf32, #tpu.memory_space<vmem>>
    tpu.enqueue_dma source(%dma_start3A_497 : memref<128x128xf32, #tpu.memory_space<vmem>>) target(%dma_start3A_493 : memref<128x128xf32, #tpu.memory_space<hbm>>) target_semaphore(%arg13 : memref<!tpu.dma_semaphore, #tpu.memory_space<semaphore_mem>>)
    %dma_wait3A_498 = arith.constant 1 : i32
    %dma_wait3A_499 = arith.constant 0 : i32
    %dma_wait3A_500 = arith.constant 0 : i32
    %dma_wait3A_501 = tpu.memref_slice %arg6[%dma_wait3A_498, %dma_wait3A_499, %dma_wait3A_500] : memref<4x128x128xf32, #tpu.memory_space<vmem>> -> memref<1x128x128xf32, #tpu.memory_space<vmem>>
    %dma_wait3A_502 = tpu.memref_squeeze %dma_wait3A_501 : memref<1x128x128xf32, #tpu.memory_space<vmem>> -> memref<128x128xf32, #tpu.memory_space<vmem>>
    %dma_wait3A_503 = arith.constant 0 : i32
    %dma_wait3A_504 = arith.constant 0 : i32
    %dma_wait3A_505 = tpu.memref_slice %arg4[%dma_wait3A_503, %dma_wait3A_504] : memref<3276800x128xf32, #tpu.memory_space<hbm>> -> memref<128x128xf32, #tpu.memory_space<hbm>>
    %dma_wait3A_506 = arith.constant 0 : i32
    %dma_wait3A_507 = arith.constant 0 : i32
    %dma_wait3A_508 = tpu.memref_slice %arg4[%dma_wait3A_506, %dma_wait3A_507] : memref<3276800x128xf32, #tpu.memory_space<hbm>> -> memref<128x128xf32, #tpu.memory_space<hbm>>
    %dma_wait3A_509 = arith.constant 0 : i32
    %dma_wait3A_510 = arith.constant 0 : i32
    %dma_wait3A_511 = tpu.memref_slice %arg6[%dma_wait3A_498, %dma_wait3A_509, %dma_wait3A_510] : memref<4x128x128xf32, #tpu.memory_space<vmem>> -> memref<1x128x128xf32, #tpu.memory_space<vmem>>
    %dma_wait3A_512 = tpu.memref_squeeze %dma_wait3A_511 : memref<1x128x128xf32, #tpu.memory_space<vmem>> -> memref<128x128xf32, #tpu.memory_space<vmem>>
    tpu.wait_dma2 semaphore(%arg12 : memref<!tpu.dma_semaphore, #tpu.memory_space<semaphore_mem>>) src(%dma_wait3A_512 : memref<128x128xf32, #tpu.memory_space<vmem>>) dst(%dma_wait3A_508 : memref<128x128xf32, #tpu.memory_space<hbm>>)
    %dma_start3A_513 = arith.constant 1 : i32
    %dma_start3A_514 = arith.constant 1 : i32
    %dma_start3A_515 = arith.constant 1 : i32
    %dma_start3A_516 = arith.constant 0 : i32
    %dma_start3A_517 = arith.constant 0 : i32
    %dma_start3A_518 = tpu.memref_slice %arg6[%dma_start3A_515, %dma_start3A_516, %dma_start3A_517] : memref<4x128x128xf32, #tpu.memory_space<vmem>> -> memref<1x128x128xf32, #tpu.memory_space<vmem>>
    %dma_start3A_519 = tpu.memref_squeeze %dma_start3A_518 : memref<1x128x128xf32, #tpu.memory_space<vmem>> -> memref<128x128xf32, #tpu.memory_space<vmem>>
    %dma_start3A_520 = arith.constant 0 : i32
    %dma_start3A_521 = tpu.memref_slice %arg5[%dma_start3A_513, %dma_start3A_514, %dma_start3A_520] : memref<2x8x128xi32, #tpu.memory_space<vmem>> -> memref<1x1x128xi32, #tpu.memory_space<vmem>>
    %dma_start3A_522 = tpu.memref_squeeze %dma_start3A_521 : memref<1x1x128xi32, #tpu.memory_space<vmem>> -> memref<128xi32, #tpu.memory_space<vmem>>
    %dma_start3A_523 = arith.constant 0 : i32
    %dma_start3A_524 = arith.constant 0 : i32
    %dma_start3A_525 = tpu.memref_slice %arg3[%dma_start3A_523, %dma_start3A_524] : memref<100000x128xf32, #tpu.memory_space<hbm>> -> memref<100000x128xf32, #tpu.memory_space<hbm>>
    tpu.enqueue_indirect_dma source(%dma_start3A_525 : memref<100000x128xf32, #tpu.memory_space<hbm>>) target(%dma_start3A_519 : memref<128x128xf32, #tpu.memory_space<vmem>>) offsets(%dma_start3A_522 : memref<128xi32, #tpu.memory_space<vmem>>) semaphore(%arg8 : memref<!tpu.dma_semaphore, #tpu.memory_space<semaphore_mem>>)
    %dma_wait3A_526 = arith.constant 3 : i32
    %dma_wait3A_527 = arith.constant 0 : i32
    %dma_wait3A_528 = arith.constant 0 : i32
    %dma_wait3A_529 = tpu.memref_slice %arg6[%dma_wait3A_526, %dma_wait3A_527, %dma_wait3A_528] : memref<4x128x128xf32, #tpu.memory_space<vmem>> -> memref<1x128x128xf32, #tpu.memory_space<vmem>>
    %dma_wait3A_530 = tpu.memref_squeeze %dma_wait3A_529 : memref<1x128x128xf32, #tpu.memory_space<vmem>> -> memref<128x128xf32, #tpu.memory_space<vmem>>
    %dma_wait3A_531 = arith.constant 0 : i32
    %dma_wait3A_532 = arith.constant 0 : i32
    %dma_wait3A_533 = tpu.memref_slice %arg4[%dma_wait3A_531, %dma_wait3A_532] : memref<3276800x128xf32, #tpu.memory_space<hbm>> -> memref<128x128xf32, #tpu.memory_space<hbm>>
    %dma_wait3A_534 = arith.constant 0 : i32
    %dma_wait3A_535 = arith.constant 0 : i32
    %dma_wait3A_536 = tpu.memref_slice %arg6[%dma_wait3A_526, %dma_wait3A_534, %dma_wait3A_535] : memref<4x128x128xf32, #tpu.memory_space<vmem>> -> memref<1x128x128xf32, #tpu.memory_space<vmem>>
    %dma_wait3A_537 = tpu.memref_squeeze %dma_wait3A_536 : memref<1x128x128xf32, #tpu.memory_space<vmem>> -> memref<128x128xf32, #tpu.memory_space<vmem>>
    %dma_wait3A_538 = arith.constant 0 : i32
    %dma_wait3A_539 = arith.constant 0 : i32
    %dma_wait3A_540 = tpu.memref_slice %arg4[%dma_wait3A_538, %dma_wait3A_539] : memref<3276800x128xf32, #tpu.memory_space<hbm>> -> memref<128x128xf32, #tpu.memory_space<hbm>>
    tpu.wait_dma2 semaphore(%arg10 : memref<!tpu.dma_semaphore, #tpu.memory_space<semaphore_mem>>) src(%dma_wait3A_540 : memref<128x128xf32, #tpu.memory_space<hbm>>) dst(%dma_wait3A_537 : memref<128x128xf32, #tpu.memory_space<vmem>>)
    %add3A_541 = arith.constant 1 : i32
    %add3A_542 = arith.addi %add3A_434, %add3A_541 : i32
    %sub3A_543 = arith.constant 2 : i32
    %sub3A_544 = arith.subi %add3A_542, %sub3A_543 : i32
    %mul3A_545 = arith.constant 128 : i32
    %mul3A_546 = arith.muli %sub3A_544, %mul3A_545 : i32
    %multiple_of3A_547 = tpu.assume_multiple %mul3A_546, 128 : i32
    %dma_start3A_548 = arith.constant 3 : i32
    %dma_start3A_549 = arith.constant 0 : i32
    %dma_start3A_550 = arith.constant 0 : i32
    %dma_start3A_551 = tpu.memref_slice %arg6[%dma_start3A_548, %dma_start3A_549, %dma_start3A_550] : memref<4x128x128xf32, #tpu.memory_space<vmem>> -> memref<1x128x128xf32, #tpu.memory_space<vmem>>
    %dma_start3A_552 = tpu.memref_squeeze %dma_start3A_551 : memref<1x128x128xf32, #tpu.memory_space<vmem>> -> memref<128x128xf32, #tpu.memory_space<vmem>>
    %dma_start3A_553 = arith.constant 0 : i32
    %dma_start3A_554 = tpu.memref_slice %arg4[%multiple_of3A_547, %dma_start3A_553] : memref<3276800x128xf32, #tpu.memory_space<hbm>> -> memref<128x128xf32, #tpu.memory_space<hbm>>
    %dma_start3A_555 = arith.constant 0 : i32
    %dma_start3A_556 = tpu.memref_slice %arg4[%multiple_of3A_547, %dma_start3A_555] : memref<3276800x128xf32, #tpu.memory_space<hbm>> -> memref<128x128xf32, #tpu.memory_space<hbm>>
    %dma_start3A_557 = arith.constant 0 : i32
    %dma_start3A_558 = arith.constant 0 : i32
    %dma_start3A_559 = tpu.memref_slice %arg6[%dma_start3A_548, %dma_start3A_557, %dma_start3A_558] : memref<4x128x128xf32, #tpu.memory_space<vmem>> -> memref<1x128x128xf32, #tpu.memory_space<vmem>>
    %dma_start3A_560 = tpu.memref_squeeze %dma_start3A_559 : memref<1x128x128xf32, #tpu.memory_space<vmem>> -> memref<128x128xf32, #tpu.memory_space<vmem>>
    tpu.enqueue_dma source(%dma_start3A_560 : memref<128x128xf32, #tpu.memory_space<vmem>>) target(%dma_start3A_556 : memref<128x128xf32, #tpu.memory_space<hbm>>) target_semaphore(%arg14 : memref<!tpu.dma_semaphore, #tpu.memory_space<semaphore_mem>>)
    %add3A_561 = arith.constant 16 : i32
    %add3A_562 = arith.addi %mul3A_2, %add3A_561 : i32
    %dma_start3A_563 = arith.constant 0 : i32
    %dma_start3A_564 = arith.constant 0 : i32
    %dma_start3A_565 = arith.constant 0 : i32
    %dma_start3A_566 = tpu.memref_slice %arg5[%dma_start3A_563, %dma_start3A_564, %dma_start3A_565] : memref<2x8x128xi32, #tpu.memory_space<vmem>> -> memref<1x8x128xi32, #tpu.memory_space<vmem>>
    %dma_start3A_567 = tpu.memref_squeeze %dma_start3A_566 : memref<1x8x128xi32, #tpu.memory_space<vmem>> -> memref<8x128xi32, #tpu.memory_space<vmem>>
    %dma_start3A_568 = arith.constant 0 : i32
    %dma_start3A_569 = tpu.memref_slice %arg2[%add3A_562, %dma_start3A_568] : memref<25600x128xi32, #tpu.memory_space<hbm>> -> memref<8x128xi32, #tpu.memory_space<hbm>>
    %dma_start3A_570 = arith.constant 0 : i32
    %dma_start3A_571 = arith.constant 0 : i32
    %dma_start3A_572 = tpu.memref_slice %arg5[%dma_start3A_563, %dma_start3A_570, %dma_start3A_571] : memref<2x8x128xi32, #tpu.memory_space<vmem>> -> memref<1x8x128xi32, #tpu.memory_space<vmem>>
    %dma_start3A_573 = tpu.memref_squeeze %dma_start3A_572 : memref<1x8x128xi32, #tpu.memory_space<vmem>> -> memref<8x128xi32, #tpu.memory_space<vmem>>
    %dma_start3A_574 = arith.constant 0 : i32
    %dma_start3A_575 = tpu.memref_slice %arg2[%add3A_562, %dma_start3A_574] : memref<25600x128xi32, #tpu.memory_space<hbm>> -> memref<8x128xi32, #tpu.memory_space<hbm>>
    tpu.enqueue_dma source(%dma_start3A_575 : memref<8x128xi32, #tpu.memory_space<hbm>>) target(%dma_start3A_573 : memref<8x128xi32, #tpu.memory_space<vmem>>) target_semaphore(%arg15 : memref<!tpu.dma_semaphore, #tpu.memory_space<semaphore_mem>>)
    %dma_wait3A_576 = arith.constant 2 : i32
    %dma_wait3A_577 = arith.constant 0 : i32
    %dma_wait3A_578 = arith.constant 0 : i32
    %dma_wait3A_579 = tpu.memref_slice %arg6[%dma_wait3A_576, %dma_wait3A_577, %dma_wait3A_578] : memref<4x128x128xf32, #tpu.memory_space<vmem>> -> memref<1x128x128xf32, #tpu.memory_space<vmem>>
    %dma_wait3A_580 = tpu.memref_squeeze %dma_wait3A_579 : memref<1x128x128xf32, #tpu.memory_space<vmem>> -> memref<128x128xf32, #tpu.memory_space<vmem>>
    %dma_wait3A_581 = arith.constant 0 : i32
    %dma_wait3A_582 = arith.constant 0 : i32
    %dma_wait3A_583 = tpu.memref_slice %arg4[%dma_wait3A_581, %dma_wait3A_582] : memref<3276800x128xf32, #tpu.memory_space<hbm>> -> memref<128x128xf32, #tpu.memory_space<hbm>>
    %dma_wait3A_584 = arith.constant 0 : i32
    %dma_wait3A_585 = arith.constant 0 : i32
    %dma_wait3A_586 = tpu.memref_slice %arg4[%dma_wait3A_584, %dma_wait3A_585] : memref<3276800x128xf32, #tpu.memory_space<hbm>> -> memref<128x128xf32, #tpu.memory_space<hbm>>
    %dma_wait3A_587 = arith.constant 0 : i32
    %dma_wait3A_588 = arith.constant 0 : i32
    %dma_wait3A_589 = tpu.memref_slice %arg6[%dma_wait3A_576, %dma_wait3A_587, %dma_wait3A_588] : memref<4x128x128xf32, #tpu.memory_space<vmem>> -> memref<1x128x128xf32, #tpu.memory_space<vmem>>
    %dma_wait3A_590 = tpu.memref_squeeze %dma_wait3A_589 : memref<1x128x128xf32, #tpu.memory_space<vmem>> -> memref<128x128xf32, #tpu.memory_space<vmem>>
    tpu.wait_dma2 semaphore(%arg13 : memref<!tpu.dma_semaphore, #tpu.memory_space<semaphore_mem>>) src(%dma_wait3A_590 : memref<128x128xf32, #tpu.memory_space<vmem>>) dst(%dma_wait3A_586 : memref<128x128xf32, #tpu.memory_space<hbm>>)
    %dma_start3A_591 = arith.constant 1 : i32
    %dma_start3A_592 = arith.constant 2 : i32
    %dma_start3A_593 = arith.constant 2 : i32
    %dma_start3A_594 = arith.constant 0 : i32
    %dma_start3A_595 = arith.constant 0 : i32
    %dma_start3A_596 = tpu.memref_slice %arg6[%dma_start3A_593, %dma_start3A_594, %dma_start3A_595] : memref<4x128x128xf32, #tpu.memory_space<vmem>> -> memref<1x128x128xf32, #tpu.memory_space<vmem>>
    %dma_start3A_597 = tpu.memref_squeeze %dma_start3A_596 : memref<1x128x128xf32, #tpu.memory_space<vmem>> -> memref<128x128xf32, #tpu.memory_space<vmem>>
    %dma_start3A_598 = arith.constant 0 : i32
    %dma_start3A_599 = tpu.memref_slice %arg5[%dma_start3A_591, %dma_start3A_592, %dma_start3A_598] : memref<2x8x128xi32, #tpu.memory_space<vmem>> -> memref<1x1x128xi32, #tpu.memory_space<vmem>>
    %dma_start3A_600 = tpu.memref_squeeze %dma_start3A_599 : memref<1x1x128xi32, #tpu.memory_space<vmem>> -> memref<128xi32, #tpu.memory_space<vmem>>
    %dma_start3A_601 = arith.constant 0 : i32
    %dma_start3A_602 = arith.constant 0 : i32
    %dma_start3A_603 = tpu.memref_slice %arg3[%dma_start3A_601, %dma_start3A_602] : memref<100000x128xf32, #tpu.memory_space<hbm>> -> memref<100000x128xf32, #tpu.memory_space<hbm>>
    tpu.enqueue_indirect_dma source(%dma_start3A_603 : memref<100000x128xf32, #tpu.memory_space<hbm>>) target(%dma_start3A_597 : memref<128x128xf32, #tpu.memory_space<vmem>>) offsets(%dma_start3A_600 : memref<128xi32, #tpu.memory_space<vmem>>) semaphore(%arg9 : memref<!tpu.dma_semaphore, #tpu.memory_space<semaphore_mem>>)
    %dma_wait3A_604 = arith.constant 0 : i32
    %dma_wait3A_605 = arith.constant 0 : i32
    %dma_wait3A_606 = arith.constant 0 : i32
    %dma_wait3A_607 = tpu.memref_slice %arg6[%dma_wait3A_604, %dma_wait3A_605, %dma_wait3A_606] : memref<4x128x128xf32, #tpu.memory_space<vmem>> -> memref<1x128x128xf32, #tpu.memory_space<vmem>>
    %dma_wait3A_608 = tpu.memref_squeeze %dma_wait3A_607 : memref<1x128x128xf32, #tpu.memory_space<vmem>> -> memref<128x128xf32, #tpu.memory_space<vmem>>
    %dma_wait3A_609 = arith.constant 0 : i32
    %dma_wait3A_610 = arith.constant 0 : i32
    %dma_wait3A_611 = tpu.memref_slice %arg4[%dma_wait3A_609, %dma_wait3A_610] : memref<3276800x128xf32, #tpu.memory_space<hbm>> -> memref<128x128xf32, #tpu.memory_space<hbm>>
    %dma_wait3A_612 = arith.constant 0 : i32
    %dma_wait3A_613 = arith.constant 0 : i32
    %dma_wait3A_614 = tpu.memref_slice %arg6[%dma_wait3A_604, %dma_wait3A_612, %dma_wait3A_613] : memref<4x128x128xf32, #tpu.memory_space<vmem>> -> memref<1x128x128xf32, #tpu.memory_space<vmem>>
    %dma_wait3A_615 = tpu.memref_squeeze %dma_wait3A_614 : memref<1x128x128xf32, #tpu.memory_space<vmem>> -> memref<128x128xf32, #tpu.memory_space<vmem>>
    %dma_wait3A_616 = arith.constant 0 : i32
    %dma_wait3A_617 = arith.constant 0 : i32
    %dma_wait3A_618 = tpu.memref_slice %arg4[%dma_wait3A_616, %dma_wait3A_617] : memref<3276800x128xf32, #tpu.memory_space<hbm>> -> memref<128x128xf32, #tpu.memory_space<hbm>>
    tpu.wait_dma2 semaphore(%arg7 : memref<!tpu.dma_semaphore, #tpu.memory_space<semaphore_mem>>) src(%dma_wait3A_618 : memref<128x128xf32, #tpu.memory_space<hbm>>) dst(%dma_wait3A_615 : memref<128x128xf32, #tpu.memory_space<vmem>>)
    %add3A_619 = arith.constant 2 : i32
    %add3A_620 = arith.addi %add3A_434, %add3A_619 : i32
    %sub3A_621 = arith.constant 2 : i32
    %sub3A_622 = arith.subi %add3A_620, %sub3A_621 : i32
    %mul3A_623 = arith.constant 128 : i32
    %mul3A_624 = arith.muli %sub3A_622, %mul3A_623 : i32
    %multiple_of3A_625 = tpu.assume_multiple %mul3A_624, 128 : i32
    %dma_start3A_626 = arith.constant 0 : i32
    %dma_start3A_627 = arith.constant 0 : i32
    %dma_start3A_628 = arith.constant 0 : i32
    %dma_start3A_629 = tpu.memref_slice %arg6[%dma_start3A_626, %dma_start3A_627, %dma_start3A_628] : memref<4x128x128xf32, #tpu.memory_space<vmem>> -> memref<1x128x128xf32, #tpu.memory_space<vmem>>
    %dma_start3A_630 = tpu.memref_squeeze %dma_start3A_629 : memref<1x128x128xf32, #tpu.memory_space<vmem>> -> memref<128x128xf32, #tpu.memory_space<vmem>>
    %dma_start3A_631 = arith.constant 0 : i32
    %dma_start3A_632 = tpu.memref_slice %arg4[%multiple_of3A_625, %dma_start3A_631] : memref<3276800x128xf32, #tpu.memory_space<hbm>> -> memref<128x128xf32, #tpu.memory_space<hbm>>
    %dma_start3A_633 = arith.constant 0 : i32
    %dma_start3A_634 = tpu.memref_slice %arg4[%multiple_of3A_625, %dma_start3A_633] : memref<3276800x128xf32, #tpu.memory_space<hbm>> -> memref<128x128xf32, #tpu.memory_space<hbm>>
    %dma_start3A_635 = arith.constant 0 : i32
    %dma_start3A_636 = arith.constant 0 : i32
    %dma_start3A_637 = tpu.memref_slice %arg6[%dma_start3A_626, %dma_start3A_635, %dma_start3A_636] : memref<4x128x128xf32, #tpu.memory_space<vmem>> -> memref<1x128x128xf32, #tpu.memory_space<vmem>>
    %dma_start3A_638 = tpu.memref_squeeze %dma_start3A_637 : memref<1x128x128xf32, #tpu.memory_space<vmem>> -> memref<128x128xf32, #tpu.memory_space<vmem>>
    tpu.enqueue_dma source(%dma_start3A_638 : memref<128x128xf32, #tpu.memory_space<vmem>>) target(%dma_start3A_634 : memref<128x128xf32, #tpu.memory_space<hbm>>) target_semaphore(%arg11 : memref<!tpu.dma_semaphore, #tpu.memory_space<semaphore_mem>>)
    %dma_wait3A_639 = arith.constant 3 : i32
    %dma_wait3A_640 = arith.constant 0 : i32
    %dma_wait3A_641 = arith.constant 0 : i32
    %dma_wait3A_642 = tpu.memref_slice %arg6[%dma_wait3A_639, %dma_wait3A_640, %dma_wait3A_641] : memref<4x128x128xf32, #tpu.memory_space<vmem>> -> memref<1x128x128xf32, #tpu.memory_space<vmem>>
    %dma_wait3A_643 = tpu.memref_squeeze %dma_wait3A_642 : memref<1x128x128xf32, #tpu.memory_space<vmem>> -> memref<128x128xf32, #tpu.memory_space<vmem>>
    %dma_wait3A_644 = arith.constant 0 : i32
    %dma_wait3A_645 = arith.constant 0 : i32
    %dma_wait3A_646 = tpu.memref_slice %arg4[%dma_wait3A_644, %dma_wait3A_645] : memref<3276800x128xf32, #tpu.memory_space<hbm>> -> memref<128x128xf32, #tpu.memory_space<hbm>>
    %dma_wait3A_647 = arith.constant 0 : i32
    %dma_wait3A_648 = arith.constant 0 : i32
    %dma_wait3A_649 = tpu.memref_slice %arg4[%dma_wait3A_647, %dma_wait3A_648] : memref<3276800x128xf32, #tpu.memory_space<hbm>> -> memref<128x128xf32, #tpu.memory_space<hbm>>
    %dma_wait3A_650 = arith.constant 0 : i32
    %dma_wait3A_651 = arith.constant 0 : i32
    %dma_wait3A_652 = tpu.memref_slice %arg6[%dma_wait3A_639, %dma_wait3A_650, %dma_wait3A_651] : memref<4x128x128xf32, #tpu.memory_space<vmem>> -> memref<1x128x128xf32, #tpu.memory_space<vmem>>
    %dma_wait3A_653 = tpu.memref_squeeze %dma_wait3A_652 : memref<1x128x128xf32, #tpu.memory_space<vmem>> -> memref<128x128xf32, #tpu.memory_space<vmem>>
    tpu.wait_dma2 semaphore(%arg14 : memref<!tpu.dma_semaphore, #tpu.memory_space<semaphore_mem>>) src(%dma_wait3A_653 : memref<128x128xf32, #tpu.memory_space<vmem>>) dst(%dma_wait3A_649 : memref<128x128xf32, #tpu.memory_space<hbm>>)
    %dma_start3A_654 = arith.constant 1 : i32
    %dma_start3A_655 = arith.constant 3 : i32
    %dma_start3A_656 = arith.constant 3 : i32
    %dma_start3A_657 = arith.constant 0 : i32
    %dma_start3A_658 = arith.constant 0 : i32
    %dma_start3A_659 = tpu.memref_slice %arg6[%dma_start3A_656, %dma_start3A_657, %dma_start3A_658] : memref<4x128x128xf32, #tpu.memory_space<vmem>> -> memref<1x128x128xf32, #tpu.memory_space<vmem>>
    %dma_start3A_660 = tpu.memref_squeeze %dma_start3A_659 : memref<1x128x128xf32, #tpu.memory_space<vmem>> -> memref<128x128xf32, #tpu.memory_space<vmem>>
    %dma_start3A_661 = arith.constant 0 : i32
    %dma_start3A_662 = tpu.memref_slice %arg5[%dma_start3A_654, %dma_start3A_655, %dma_start3A_661] : memref<2x8x128xi32, #tpu.memory_space<vmem>> -> memref<1x1x128xi32, #tpu.memory_space<vmem>>
    %dma_start3A_663 = tpu.memref_squeeze %dma_start3A_662 : memref<1x1x128xi32, #tpu.memory_space<vmem>> -> memref<128xi32, #tpu.memory_space<vmem>>
    %dma_start3A_664 = arith.constant 0 : i32
    %dma_start3A_665 = arith.constant 0 : i32
    %dma_start3A_666 = tpu.memref_slice %arg3[%dma_start3A_664, %dma_start3A_665] : memref<100000x128xf32, #tpu.memory_space<hbm>> -> memref<100000x128xf32, #tpu.memory_space<hbm>>
    tpu.enqueue_indirect_dma source(%dma_start3A_666 : memref<100000x128xf32, #tpu.memory_space<hbm>>) target(%dma_start3A_660 : memref<128x128xf32, #tpu.memory_space<vmem>>) offsets(%dma_start3A_663 : memref<128xi32, #tpu.memory_space<vmem>>) semaphore(%arg10 : memref<!tpu.dma_semaphore, #tpu.memory_space<semaphore_mem>>)
    %dma_wait3A_667 = arith.constant 1 : i32
    %dma_wait3A_668 = arith.constant 0 : i32
    %dma_wait3A_669 = arith.constant 0 : i32
    %dma_wait3A_670 = tpu.memref_slice %arg6[%dma_wait3A_667, %dma_wait3A_668, %dma_wait3A_669] : memref<4x128x128xf32, #tpu.memory_space<vmem>> -> memref<1x128x128xf32, #tpu.memory_space<vmem>>
    %dma_wait3A_671 = tpu.memref_squeeze %dma_wait3A_670 : memref<1x128x128xf32, #tpu.memory_space<vmem>> -> memref<128x128xf32, #tpu.memory_space<vmem>>
    %dma_wait3A_672 = arith.constant 0 : i32
    %dma_wait3A_673 = arith.constant 0 : i32
    %dma_wait3A_674 = tpu.memref_slice %arg4[%dma_wait3A_672, %dma_wait3A_673] : memref<3276800x128xf32, #tpu.memory_space<hbm>> -> memref<128x128xf32, #tpu.memory_space<hbm>>
    %dma_wait3A_675 = arith.constant 0 : i32
    %dma_wait3A_676 = arith.constant 0 : i32
    %dma_wait3A_677 = tpu.memref_slice %arg6[%dma_wait3A_667, %dma_wait3A_675, %dma_wait3A_676] : memref<4x128x128xf32, #tpu.memory_space<vmem>> -> memref<1x128x128xf32, #tpu.memory_space<vmem>>
    %dma_wait3A_678 = tpu.memref_squeeze %dma_wait3A_677 : memref<1x128x128xf32, #tpu.memory_space<vmem>> -> memref<128x128xf32, #tpu.memory_space<vmem>>
    %dma_wait3A_679 = arith.constant 0 : i32
    %dma_wait3A_680 = arith.constant 0 : i32
    %dma_wait3A_681 = tpu.memref_slice %arg4[%dma_wait3A_679, %dma_wait3A_680] : memref<3276800x128xf32, #tpu.memory_space<hbm>> -> memref<128x128xf32, #tpu.memory_space<hbm>>
    tpu.wait_dma2 semaphore(%arg8 : memref<!tpu.dma_semaphore, #tpu.memory_space<semaphore_mem>>) src(%dma_wait3A_681 : memref<128x128xf32, #tpu.memory_space<hbm>>) dst(%dma_wait3A_678 : memref<128x128xf32, #tpu.memory_space<vmem>>)
    %add3A_682 = arith.constant 3 : i32
    %add3A_683 = arith.addi %add3A_434, %add3A_682 : i32
    %sub3A_684 = arith.constant 2 : i32
    %sub3A_685 = arith.subi %add3A_683, %sub3A_684 : i32
    %mul3A_686 = arith.constant 128 : i32
    %mul3A_687 = arith.muli %sub3A_685, %mul3A_686 : i32
    %multiple_of3A_688 = tpu.assume_multiple %mul3A_687, 128 : i32
    %dma_start3A_689 = arith.constant 1 : i32
    %dma_start3A_690 = arith.constant 0 : i32
    %dma_start3A_691 = arith.constant 0 : i32
    %dma_start3A_692 = tpu.memref_slice %arg6[%dma_start3A_689, %dma_start3A_690, %dma_start3A_691] : memref<4x128x128xf32, #tpu.memory_space<vmem>> -> memref<1x128x128xf32, #tpu.memory_space<vmem>>
    %dma_start3A_693 = tpu.memref_squeeze %dma_start3A_692 : memref<1x128x128xf32, #tpu.memory_space<vmem>> -> memref<128x128xf32, #tpu.memory_space<vmem>>
    %dma_start3A_694 = arith.constant 0 : i32
    %dma_start3A_695 = tpu.memref_slice %arg4[%multiple_of3A_688, %dma_start3A_694] : memref<3276800x128xf32, #tpu.memory_space<hbm>> -> memref<128x128xf32, #tpu.memory_space<hbm>>
    %dma_start3A_696 = arith.constant 0 : i32
    %dma_start3A_697 = tpu.memref_slice %arg4[%multiple_of3A_688, %dma_start3A_696] : memref<3276800x128xf32, #tpu.memory_space<hbm>> -> memref<128x128xf32, #tpu.memory_space<hbm>>
    %dma_start3A_698 = arith.constant 0 : i32
    %dma_start3A_699 = arith.constant 0 : i32
    %dma_start3A_700 = tpu.memref_slice %arg6[%dma_start3A_689, %dma_start3A_698, %dma_start3A_699] : memref<4x128x128xf32, #tpu.memory_space<vmem>> -> memref<1x128x128xf32, #tpu.memory_space<vmem>>
    %dma_start3A_701 = tpu.memref_squeeze %dma_start3A_700 : memref<1x128x128xf32, #tpu.memory_space<vmem>> -> memref<128x128xf32, #tpu.memory_space<vmem>>
    tpu.enqueue_dma source(%dma_start3A_701 : memref<128x128xf32, #tpu.memory_space<vmem>>) target(%dma_start3A_697 : memref<128x128xf32, #tpu.memory_space<hbm>>) target_semaphore(%arg12 : memref<!tpu.dma_semaphore, #tpu.memory_space<semaphore_mem>>)
    %dma_wait3A_702 = arith.constant 0 : i32
    %dma_wait3A_703 = arith.constant 0 : i32
    %dma_wait3A_704 = arith.constant 0 : i32
    %dma_wait3A_705 = tpu.memref_slice %arg6[%dma_wait3A_702, %dma_wait3A_703, %dma_wait3A_704] : memref<4x128x128xf32, #tpu.memory_space<vmem>> -> memref<1x128x128xf32, #tpu.memory_space<vmem>>
    %dma_wait3A_706 = tpu.memref_squeeze %dma_wait3A_705 : memref<1x128x128xf32, #tpu.memory_space<vmem>> -> memref<128x128xf32, #tpu.memory_space<vmem>>
    %dma_wait3A_707 = arith.constant 0 : i32
    %dma_wait3A_708 = arith.constant 0 : i32
    %dma_wait3A_709 = tpu.memref_slice %arg4[%dma_wait3A_707, %dma_wait3A_708] : memref<3276800x128xf32, #tpu.memory_space<hbm>> -> memref<128x128xf32, #tpu.memory_space<hbm>>
    %dma_wait3A_710 = arith.constant 0 : i32
    %dma_wait3A_711 = arith.constant 0 : i32
    %dma_wait3A_712 = tpu.memref_slice %arg4[%dma_wait3A_710, %dma_wait3A_711] : memref<3276800x128xf32, #tpu.memory_space<hbm>> -> memref<128x128xf32, #tpu.memory_space<hbm>>
    %dma_wait3A_713 = arith.constant 0 : i32
    %dma_wait3A_714 = arith.constant 0 : i32
    %dma_wait3A_715 = tpu.memref_slice %arg6[%dma_wait3A_702, %dma_wait3A_713, %dma_wait3A_714] : memref<4x128x128xf32, #tpu.memory_space<vmem>> -> memref<1x128x128xf32, #tpu.memory_space<vmem>>
    %dma_wait3A_716 = tpu.memref_squeeze %dma_wait3A_715 : memref<1x128x128xf32, #tpu.memory_space<vmem>> -> memref<128x128xf32, #tpu.memory_space<vmem>>
    tpu.wait_dma2 semaphore(%arg11 : memref<!tpu.dma_semaphore, #tpu.memory_space<semaphore_mem>>) src(%dma_wait3A_716 : memref<128x128xf32, #tpu.memory_space<vmem>>) dst(%dma_wait3A_712 : memref<128x128xf32, #tpu.memory_space<hbm>>)
    %dma_start3A_717 = arith.constant 1 : i32
    %dma_start3A_718 = arith.constant 4 : i32
    %dma_start3A_719 = arith.constant 0 : i32
    %dma_start3A_720 = arith.constant 0 : i32
    %dma_start3A_721 = arith.constant 0 : i32
    %dma_start3A_722 = tpu.memref_slice %arg6[%dma_start3A_719, %dma_start3A_720, %dma_start3A_721] : memref<4x128x128xf32, #tpu.memory_space<vmem>> -> memref<1x128x128xf32, #tpu.memory_space<vmem>>
    %dma_start3A_723 = tpu.memref_squeeze %dma_start3A_722 : memref<1x128x128xf32, #tpu.memory_space<vmem>> -> memref<128x128xf32, #tpu.memory_space<vmem>>
    %dma_start3A_724 = arith.constant 0 : i32
    %dma_start3A_725 = tpu.memref_slice %arg5[%dma_start3A_717, %dma_start3A_718, %dma_start3A_724] : memref<2x8x128xi32, #tpu.memory_space<vmem>> -> memref<1x1x128xi32, #tpu.memory_space<vmem>>
    %dma_start3A_726 = tpu.memref_squeeze %dma_start3A_725 : memref<1x1x128xi32, #tpu.memory_space<vmem>> -> memref<128xi32, #tpu.memory_space<vmem>>
    %dma_start3A_727 = arith.constant 0 : i32
    %dma_start3A_728 = arith.constant 0 : i32
    %dma_start3A_729 = tpu.memref_slice %arg3[%dma_start3A_727, %dma_start3A_728] : memref<100000x128xf32, #tpu.memory_space<hbm>> -> memref<100000x128xf32, #tpu.memory_space<hbm>>
    tpu.enqueue_indirect_dma source(%dma_start3A_729 : memref<100000x128xf32, #tpu.memory_space<hbm>>) target(%dma_start3A_723 : memref<128x128xf32, #tpu.memory_space<vmem>>) offsets(%dma_start3A_726 : memref<128xi32, #tpu.memory_space<vmem>>) semaphore(%arg7 : memref<!tpu.dma_semaphore, #tpu.memory_space<semaphore_mem>>)
    %dma_wait3A_730 = arith.constant 2 : i32
    %dma_wait3A_731 = arith.constant 0 : i32
    %dma_wait3A_732 = arith.constant 0 : i32
    %dma_wait3A_733 = tpu.memref_slice %arg6[%dma_wait3A_730, %dma_wait3A_731, %dma_wait3A_732] : memref<4x128x128xf32, #tpu.memory_space<vmem>> -> memref<1x128x128xf32, #tpu.memory_space<vmem>>
    %dma_wait3A_734 = tpu.memref_squeeze %dma_wait3A_733 : memref<1x128x128xf32, #tpu.memory_space<vmem>> -> memref<128x128xf32, #tpu.memory_space<vmem>>
    %dma_wait3A_735 = arith.constant 0 : i32
    %dma_wait3A_736 = arith.constant 0 : i32
    %dma_wait3A_737 = tpu.memref_slice %arg4[%dma_wait3A_735, %dma_wait3A_736] : memref<3276800x128xf32, #tpu.memory_space<hbm>> -> memref<128x128xf32, #tpu.memory_space<hbm>>
    %dma_wait3A_738 = arith.constant 0 : i32
    %dma_wait3A_739 = arith.constant 0 : i32
    %dma_wait3A_740 = tpu.memref_slice %arg6[%dma_wait3A_730, %dma_wait3A_738, %dma_wait3A_739] : memref<4x128x128xf32, #tpu.memory_space<vmem>> -> memref<1x128x128xf32, #tpu.memory_space<vmem>>
    %dma_wait3A_741 = tpu.memref_squeeze %dma_wait3A_740 : memref<1x128x128xf32, #tpu.memory_space<vmem>> -> memref<128x128xf32, #tpu.memory_space<vmem>>
    %dma_wait3A_742 = arith.constant 0 : i32
    %dma_wait3A_743 = arith.constant 0 : i32
    %dma_wait3A_744 = tpu.memref_slice %arg4[%dma_wait3A_742, %dma_wait3A_743] : memref<3276800x128xf32, #tpu.memory_space<hbm>> -> memref<128x128xf32, #tpu.memory_space<hbm>>
    tpu.wait_dma2 semaphore(%arg9 : memref<!tpu.dma_semaphore, #tpu.memory_space<semaphore_mem>>) src(%dma_wait3A_744 : memref<128x128xf32, #tpu.memory_space<hbm>>) dst(%dma_wait3A_741 : memref<128x128xf32, #tpu.memory_space<vmem>>)
    %add3A_745 = arith.constant 4 : i32
    %add3A_746 = arith.addi %add3A_434, %add3A_745 : i32
    %sub3A_747 = arith.constant 2 : i32
    %sub3A_748 = arith.subi %add3A_746, %sub3A_747 : i32
    %mul3A_749 = arith.constant 128 : i32
    %mul3A_750 = arith.muli %sub3A_748, %mul3A_749 : i32
    %multiple_of3A_751 = tpu.assume_multiple %mul3A_750, 128 : i32
    %dma_start3A_752 = arith.constant 2 : i32
    %dma_start3A_753 = arith.constant 0 : i32
    %dma_start3A_754 = arith.constant 0 : i32
    %dma_start3A_755 = tpu.memref_slice %arg6[%dma_start3A_752, %dma_start3A_753, %dma_start3A_754] : memref<4x128x128xf32, #tpu.memory_space<vmem>> -> memref<1x128x128xf32, #tpu.memory_space<vmem>>
    %dma_start3A_756 = tpu.memref_squeeze %dma_start3A_755 : memref<1x128x128xf32, #tpu.memory_space<vmem>> -> memref<128x128xf32, #tpu.memory_space<vmem>>
    %dma_start3A_757 = arith.constant 0 : i32
    %dma_start3A_758 = tpu.memref_slice %arg4[%multiple_of3A_751, %dma_start3A_757] : memref<3276800x128xf32, #tpu.memory_space<hbm>> -> memref<128x128xf32, #tpu.memory_space<hbm>>
    %dma_start3A_759 = arith.constant 0 : i32
    %dma_start3A_760 = tpu.memref_slice %arg4[%multiple_of3A_751, %dma_start3A_759] : memref<3276800x128xf32, #tpu.memory_space<hbm>> -> memref<128x128xf32, #tpu.memory_space<hbm>>
    %dma_start3A_761 = arith.constant 0 : i32
    %dma_start3A_762 = arith.constant 0 : i32
    %dma_start3A_763 = tpu.memref_slice %arg6[%dma_start3A_752, %dma_start3A_761, %dma_start3A_762] : memref<4x128x128xf32, #tpu.memory_space<vmem>> -> memref<1x128x128xf32, #tpu.memory_space<vmem>>
    %dma_start3A_764 = tpu.memref_squeeze %dma_start3A_763 : memref<1x128x128xf32, #tpu.memory_space<vmem>> -> memref<128x128xf32, #tpu.memory_space<vmem>>
    tpu.enqueue_dma source(%dma_start3A_764 : memref<128x128xf32, #tpu.memory_space<vmem>>) target(%dma_start3A_760 : memref<128x128xf32, #tpu.memory_space<hbm>>) target_semaphore(%arg13 : memref<!tpu.dma_semaphore, #tpu.memory_space<semaphore_mem>>)
    %dma_wait3A_765 = arith.constant 1 : i32
    %dma_wait3A_766 = arith.constant 0 : i32
    %dma_wait3A_767 = arith.constant 0 : i32
    %dma_wait3A_768 = tpu.memref_slice %arg6[%dma_wait3A_765, %dma_wait3A_766, %dma_wait3A_767] : memref<4x128x128xf32, #tpu.memory_space<vmem>> -> memref<1x128x128xf32, #tpu.memory_space<vmem>>
    %dma_wait3A_769 = tpu.memref_squeeze %dma_wait3A_768 : memref<1x128x128xf32, #tpu.memory_space<vmem>> -> memref<128x128xf32, #tpu.memory_space<vmem>>
    %dma_wait3A_770 = arith.constant 0 : i32
    %dma_wait3A_771 = arith.constant 0 : i32
    %dma_wait3A_772 = tpu.memref_slice %arg4[%dma_wait3A_770, %dma_wait3A_771] : memref<3276800x128xf32, #tpu.memory_space<hbm>> -> memref<128x128xf32, #tpu.memory_space<hbm>>
    %dma_wait3A_773 = arith.constant 0 : i32
    %dma_wait3A_774 = arith.constant 0 : i32
    %dma_wait3A_775 = tpu.memref_slice %arg4[%dma_wait3A_773, %dma_wait3A_774] : memref<3276800x128xf32, #tpu.memory_space<hbm>> -> memref<128x128xf32, #tpu.memory_space<hbm>>
    %dma_wait3A_776 = arith.constant 0 : i32
    %dma_wait3A_777 = arith.constant 0 : i32
    %dma_wait3A_778 = tpu.memref_slice %arg6[%dma_wait3A_765, %dma_wait3A_776, %dma_wait3A_777] : memref<4x128x128xf32, #tpu.memory_space<vmem>> -> memref<1x128x128xf32, #tpu.memory_space<vmem>>
    %dma_wait3A_779 = tpu.memref_squeeze %dma_wait3A_778 : memref<1x128x128xf32, #tpu.memory_space<vmem>> -> memref<128x128xf32, #tpu.memory_space<vmem>>
    tpu.wait_dma2 semaphore(%arg12 : memref<!tpu.dma_semaphore, #tpu.memory_space<semaphore_mem>>) src(%dma_wait3A_779 : memref<128x128xf32, #tpu.memory_space<vmem>>) dst(%dma_wait3A_775 : memref<128x128xf32, #tpu.memory_space<hbm>>)
    %dma_start3A_780 = arith.constant 1 : i32
    %dma_start3A_781 = arith.constant 5 : i32
    %dma_start3A_782 = arith.constant 1 : i32
    %dma_start3A_783 = arith.constant 0 : i32
    %dma_start3A_784 = arith.constant 0 : i32
    %dma_start3A_785 = tpu.memref_slice %arg6[%dma_start3A_782, %dma_start3A_783, %dma_start3A_784] : memref<4x128x128xf32, #tpu.memory_space<vmem>> -> memref<1x128x128xf32, #tpu.memory_space<vmem>>
    %dma_start3A_786 = tpu.memref_squeeze %dma_start3A_785 : memref<1x128x128xf32, #tpu.memory_space<vmem>> -> memref<128x128xf32, #tpu.memory_space<vmem>>
    %dma_start3A_787 = arith.constant 0 : i32
    %dma_start3A_788 = tpu.memref_slice %arg5[%dma_start3A_780, %dma_start3A_781, %dma_start3A_787] : memref<2x8x128xi32, #tpu.memory_space<vmem>> -> memref<1x1x128xi32, #tpu.memory_space<vmem>>
    %dma_start3A_789 = tpu.memref_squeeze %dma_start3A_788 : memref<1x1x128xi32, #tpu.memory_space<vmem>> -> memref<128xi32, #tpu.memory_space<vmem>>
    %dma_start3A_790 = arith.constant 0 : i32
    %dma_start3A_791 = arith.constant 0 : i32
    %dma_start3A_792 = tpu.memref_slice %arg3[%dma_start3A_790, %dma_start3A_791] : memref<100000x128xf32, #tpu.memory_space<hbm>> -> memref<100000x128xf32, #tpu.memory_space<hbm>>
    tpu.enqueue_indirect_dma source(%dma_start3A_792 : memref<100000x128xf32, #tpu.memory_space<hbm>>) target(%dma_start3A_786 : memref<128x128xf32, #tpu.memory_space<vmem>>) offsets(%dma_start3A_789 : memref<128xi32, #tpu.memory_space<vmem>>) semaphore(%arg8 : memref<!tpu.dma_semaphore, #tpu.memory_space<semaphore_mem>>)
    %dma_wait3A_793 = arith.constant 3 : i32
    %dma_wait3A_794 = arith.constant 0 : i32
    %dma_wait3A_795 = arith.constant 0 : i32
    %dma_wait3A_796 = tpu.memref_slice %arg6[%dma_wait3A_793, %dma_wait3A_794, %dma_wait3A_795] : memref<4x128x128xf32, #tpu.memory_space<vmem>> -> memref<1x128x128xf32, #tpu.memory_space<vmem>>
    %dma_wait3A_797 = tpu.memref_squeeze %dma_wait3A_796 : memref<1x128x128xf32, #tpu.memory_space<vmem>> -> memref<128x128xf32, #tpu.memory_space<vmem>>
    %dma_wait3A_798 = arith.constant 0 : i32
    %dma_wait3A_799 = arith.constant 0 : i32
    %dma_wait3A_800 = tpu.memref_slice %arg4[%dma_wait3A_798, %dma_wait3A_799] : memref<3276800x128xf32, #tpu.memory_space<hbm>> -> memref<128x128xf32, #tpu.memory_space<hbm>>
    %dma_wait3A_801 = arith.constant 0 : i32
    %dma_wait3A_802 = arith.constant 0 : i32
    %dma_wait3A_803 = tpu.memref_slice %arg6[%dma_wait3A_793, %dma_wait3A_801, %dma_wait3A_802] : memref<4x128x128xf32, #tpu.memory_space<vmem>> -> memref<1x128x128xf32, #tpu.memory_space<vmem>>
    %dma_wait3A_804 = tpu.memref_squeeze %dma_wait3A_803 : memref<1x128x128xf32, #tpu.memory_space<vmem>> -> memref<128x128xf32, #tpu.memory_space<vmem>>
    %dma_wait3A_805 = arith.constant 0 : i32
    %dma_wait3A_806 = arith.constant 0 : i32
    %dma_wait3A_807 = tpu.memref_slice %arg4[%dma_wait3A_805, %dma_wait3A_806] : memref<3276800x128xf32, #tpu.memory_space<hbm>> -> memref<128x128xf32, #tpu.memory_space<hbm>>
    tpu.wait_dma2 semaphore(%arg10 : memref<!tpu.dma_semaphore, #tpu.memory_space<semaphore_mem>>) src(%dma_wait3A_807 : memref<128x128xf32, #tpu.memory_space<hbm>>) dst(%dma_wait3A_804 : memref<128x128xf32, #tpu.memory_space<vmem>>)
    %add3A_808 = arith.constant 5 : i32
    %add3A_809 = arith.addi %add3A_434, %add3A_808 : i32
    %sub3A_810 = arith.constant 2 : i32
    %sub3A_811 = arith.subi %add3A_809, %sub3A_810 : i32
    %mul3A_812 = arith.constant 128 : i32
    %mul3A_813 = arith.muli %sub3A_811, %mul3A_812 : i32
    %multiple_of3A_814 = tpu.assume_multiple %mul3A_813, 128 : i32
    %dma_start3A_815 = arith.constant 3 : i32
    %dma_start3A_816 = arith.constant 0 : i32
    %dma_start3A_817 = arith.constant 0 : i32
    %dma_start3A_818 = tpu.memref_slice %arg6[%dma_start3A_815, %dma_start3A_816, %dma_start3A_817] : memref<4x128x128xf32, #tpu.memory_space<vmem>> -> memref<1x128x128xf32, #tpu.memory_space<vmem>>
    %dma_start3A_819 = tpu.memref_squeeze %dma_start3A_818 : memref<1x128x128xf32, #tpu.memory_space<vmem>> -> memref<128x128xf32, #tpu.memory_space<vmem>>
    %dma_start3A_820 = arith.constant 0 : i32
    %dma_start3A_821 = tpu.memref_slice %arg4[%multiple_of3A_814, %dma_start3A_820] : memref<3276800x128xf32, #tpu.memory_space<hbm>> -> memref<128x128xf32, #tpu.memory_space<hbm>>
    %dma_start3A_822 = arith.constant 0 : i32
    %dma_start3A_823 = tpu.memref_slice %arg4[%multiple_of3A_814, %dma_start3A_822] : memref<3276800x128xf32, #tpu.memory_space<hbm>> -> memref<128x128xf32, #tpu.memory_space<hbm>>
    %dma_start3A_824 = arith.constant 0 : i32
    %dma_start3A_825 = arith.constant 0 : i32
    %dma_start3A_826 = tpu.memref_slice %arg6[%dma_start3A_815, %dma_start3A_824, %dma_start3A_825] : memref<4x128x128xf32, #tpu.memory_space<vmem>> -> memref<1x128x128xf32, #tpu.memory_space<vmem>>
    %dma_start3A_827 = tpu.memref_squeeze %dma_start3A_826 : memref<1x128x128xf32, #tpu.memory_space<vmem>> -> memref<128x128xf32, #tpu.memory_space<vmem>>
    tpu.enqueue_dma source(%dma_start3A_827 : memref<128x128xf32, #tpu.memory_space<vmem>>) target(%dma_start3A_823 : memref<128x128xf32, #tpu.memory_space<hbm>>) target_semaphore(%arg14 : memref<!tpu.dma_semaphore, #tpu.memory_space<semaphore_mem>>)
    %dma_wait3A_828 = arith.constant 2 : i32
    %dma_wait3A_829 = arith.constant 0 : i32
    %dma_wait3A_830 = arith.constant 0 : i32
    %dma_wait3A_831 = tpu.memref_slice %arg6[%dma_wait3A_828, %dma_wait3A_829, %dma_wait3A_830] : memref<4x128x128xf32, #tpu.memory_space<vmem>> -> memref<1x128x128xf32, #tpu.memory_space<vmem>>
    %dma_wait3A_832 = tpu.memref_squeeze %dma_wait3A_831 : memref<1x128x128xf32, #tpu.memory_space<vmem>> -> memref<128x128xf32, #tpu.memory_space<vmem>>
    %dma_wait3A_833 = arith.constant 0 : i32
    %dma_wait3A_834 = arith.constant 0 : i32
    %dma_wait3A_835 = tpu.memref_slice %arg4[%dma_wait3A_833, %dma_wait3A_834] : memref<3276800x128xf32, #tpu.memory_space<hbm>> -> memref<128x128xf32, #tpu.memory_space<hbm>>
    %dma_wait3A_836 = arith.constant 0 : i32
    %dma_wait3A_837 = arith.constant 0 : i32
    %dma_wait3A_838 = tpu.memref_slice %arg4[%dma_wait3A_836, %dma_wait3A_837] : memref<3276800x128xf32, #tpu.memory_space<hbm>> -> memref<128x128xf32, #tpu.memory_space<hbm>>
    %dma_wait3A_839 = arith.constant 0 : i32
    %dma_wait3A_840 = arith.constant 0 : i32
    %dma_wait3A_841 = tpu.memref_slice %arg6[%dma_wait3A_828, %dma_wait3A_839, %dma_wait3A_840] : memref<4x128x128xf32, #tpu.memory_space<vmem>> -> memref<1x128x128xf32, #tpu.memory_space<vmem>>
    %dma_wait3A_842 = tpu.memref_squeeze %dma_wait3A_841 : memref<1x128x128xf32, #tpu.memory_space<vmem>> -> memref<128x128xf32, #tpu.memory_space<vmem>>
    tpu.wait_dma2 semaphore(%arg13 : memref<!tpu.dma_semaphore, #tpu.memory_space<semaphore_mem>>) src(%dma_wait3A_842 : memref<128x128xf32, #tpu.memory_space<vmem>>) dst(%dma_wait3A_838 : memref<128x128xf32, #tpu.memory_space<hbm>>)
    %dma_start3A_843 = arith.constant 1 : i32
    %dma_start3A_844 = arith.constant 6 : i32
    %dma_start3A_845 = arith.constant 2 : i32
    %dma_start3A_846 = arith.constant 0 : i32
    %dma_start3A_847 = arith.constant 0 : i32
    %dma_start3A_848 = tpu.memref_slice %arg6[%dma_start3A_845, %dma_start3A_846, %dma_start3A_847] : memref<4x128x128xf32, #tpu.memory_space<vmem>> -> memref<1x128x128xf32, #tpu.memory_space<vmem>>
    %dma_start3A_849 = tpu.memref_squeeze %dma_start3A_848 : memref<1x128x128xf32, #tpu.memory_space<vmem>> -> memref<128x128xf32, #tpu.memory_space<vmem>>
    %dma_start3A_850 = arith.constant 0 : i32
    %dma_start3A_851 = tpu.memref_slice %arg5[%dma_start3A_843, %dma_start3A_844, %dma_start3A_850] : memref<2x8x128xi32, #tpu.memory_space<vmem>> -> memref<1x1x128xi32, #tpu.memory_space<vmem>>
    %dma_start3A_852 = tpu.memref_squeeze %dma_start3A_851 : memref<1x1x128xi32, #tpu.memory_space<vmem>> -> memref<128xi32, #tpu.memory_space<vmem>>
    %dma_start3A_853 = arith.constant 0 : i32
    %dma_start3A_854 = arith.constant 0 : i32
    %dma_start3A_855 = tpu.memref_slice %arg3[%dma_start3A_853, %dma_start3A_854] : memref<100000x128xf32, #tpu.memory_space<hbm>> -> memref<100000x128xf32, #tpu.memory_space<hbm>>
    tpu.enqueue_indirect_dma source(%dma_start3A_855 : memref<100000x128xf32, #tpu.memory_space<hbm>>) target(%dma_start3A_849 : memref<128x128xf32, #tpu.memory_space<vmem>>) offsets(%dma_start3A_852 : memref<128xi32, #tpu.memory_space<vmem>>) semaphore(%arg9 : memref<!tpu.dma_semaphore, #tpu.memory_space<semaphore_mem>>)
    %dma_wait3A_856 = arith.constant 0 : i32
    %dma_wait3A_857 = arith.constant 0 : i32
    %dma_wait3A_858 = arith.constant 0 : i32
    %dma_wait3A_859 = tpu.memref_slice %arg6[%dma_wait3A_856, %dma_wait3A_857, %dma_wait3A_858] : memref<4x128x128xf32, #tpu.memory_space<vmem>> -> memref<1x128x128xf32, #tpu.memory_space<vmem>>
    %dma_wait3A_860 = tpu.memref_squeeze %dma_wait3A_859 : memref<1x128x128xf32, #tpu.memory_space<vmem>> -> memref<128x128xf32, #tpu.memory_space<vmem>>
    %dma_wait3A_861 = arith.constant 0 : i32
    %dma_wait3A_862 = arith.constant 0 : i32
    %dma_wait3A_863 = tpu.memref_slice %arg4[%dma_wait3A_861, %dma_wait3A_862] : memref<3276800x128xf32, #tpu.memory_space<hbm>> -> memref<128x128xf32, #tpu.memory_space<hbm>>
    %dma_wait3A_864 = arith.constant 0 : i32
    %dma_wait3A_865 = arith.constant 0 : i32
    %dma_wait3A_866 = tpu.memref_slice %arg6[%dma_wait3A_856, %dma_wait3A_864, %dma_wait3A_865] : memref<4x128x128xf32, #tpu.memory_space<vmem>> -> memref<1x128x128xf32, #tpu.memory_space<vmem>>
    %dma_wait3A_867 = tpu.memref_squeeze %dma_wait3A_866 : memref<1x128x128xf32, #tpu.memory_space<vmem>> -> memref<128x128xf32, #tpu.memory_space<vmem>>
    %dma_wait3A_868 = arith.constant 0 : i32
    %dma_wait3A_869 = arith.constant 0 : i32
    %dma_wait3A_870 = tpu.memref_slice %arg4[%dma_wait3A_868, %dma_wait3A_869] : memref<3276800x128xf32, #tpu.memory_space<hbm>> -> memref<128x128xf32, #tpu.memory_space<hbm>>
    tpu.wait_dma2 semaphore(%arg7 : memref<!tpu.dma_semaphore, #tpu.memory_space<semaphore_mem>>) src(%dma_wait3A_870 : memref<128x128xf32, #tpu.memory_space<hbm>>) dst(%dma_wait3A_867 : memref<128x128xf32, #tpu.memory_space<vmem>>)
    %add3A_871 = arith.constant 6 : i32
    %add3A_872 = arith.addi %add3A_434, %add3A_871 : i32
    %sub3A_873 = arith.constant 2 : i32
    %sub3A_874 = arith.subi %add3A_872, %sub3A_873 : i32
    %mul3A_875 = arith.constant 128 : i32
    %mul3A_876 = arith.muli %sub3A_874, %mul3A_875 : i32
    %multiple_of3A_877 = tpu.assume_multiple %mul3A_876, 128 : i32
    %dma_start3A_878 = arith.constant 0 : i32
    %dma_start3A_879 = arith.constant 0 : i32
    %dma_start3A_880 = arith.constant 0 : i32
    %dma_start3A_881 = tpu.memref_slice %arg6[%dma_start3A_878, %dma_start3A_879, %dma_start3A_880] : memref<4x128x128xf32, #tpu.memory_space<vmem>> -> memref<1x128x128xf32, #tpu.memory_space<vmem>>
    %dma_start3A_882 = tpu.memref_squeeze %dma_start3A_881 : memref<1x128x128xf32, #tpu.memory_space<vmem>> -> memref<128x128xf32, #tpu.memory_space<vmem>>
    %dma_start3A_883 = arith.constant 0 : i32
    %dma_start3A_884 = tpu.memref_slice %arg4[%multiple_of3A_877, %dma_start3A_883] : memref<3276800x128xf32, #tpu.memory_space<hbm>> -> memref<128x128xf32, #tpu.memory_space<hbm>>
    %dma_start3A_885 = arith.constant 0 : i32
    %dma_start3A_886 = tpu.memref_slice %arg4[%multiple_of3A_877, %dma_start3A_885] : memref<3276800x128xf32, #tpu.memory_space<hbm>> -> memref<128x128xf32, #tpu.memory_space<hbm>>
    %dma_start3A_887 = arith.constant 0 : i32
    %dma_start3A_888 = arith.constant 0 : i32
    %dma_start3A_889 = tpu.memref_slice %arg6[%dma_start3A_878, %dma_start3A_887, %dma_start3A_888] : memref<4x128x128xf32, #tpu.memory_space<vmem>> -> memref<1x128x128xf32, #tpu.memory_space<vmem>>
    %dma_start3A_890 = tpu.memref_squeeze %dma_start3A_889 : memref<1x128x128xf32, #tpu.memory_space<vmem>> -> memref<128x128xf32, #tpu.memory_space<vmem>>
    tpu.enqueue_dma source(%dma_start3A_890 : memref<128x128xf32, #tpu.memory_space<vmem>>) target(%dma_start3A_886 : memref<128x128xf32, #tpu.memory_space<hbm>>) target_semaphore(%arg11 : memref<!tpu.dma_semaphore, #tpu.memory_space<semaphore_mem>>)
    %dma_wait3A_891 = arith.constant 3 : i32
    %dma_wait3A_892 = arith.constant 0 : i32
    %dma_wait3A_893 = arith.constant 0 : i32
    %dma_wait3A_894 = tpu.memref_slice %arg6[%dma_wait3A_891, %dma_wait3A_892, %dma_wait3A_893] : memref<4x128x128xf32, #tpu.memory_space<vmem>> -> memref<1x128x128xf32, #tpu.memory_space<vmem>>
    %dma_wait3A_895 = tpu.memref_squeeze %dma_wait3A_894 : memref<1x128x128xf32, #tpu.memory_space<vmem>> -> memref<128x128xf32, #tpu.memory_space<vmem>>
    %dma_wait3A_896 = arith.constant 0 : i32
    %dma_wait3A_897 = arith.constant 0 : i32
    %dma_wait3A_898 = tpu.memref_slice %arg4[%dma_wait3A_896, %dma_wait3A_897] : memref<3276800x128xf32, #tpu.memory_space<hbm>> -> memref<128x128xf32, #tpu.memory_space<hbm>>
    %dma_wait3A_899 = arith.constant 0 : i32
    %dma_wait3A_900 = arith.constant 0 : i32
    %dma_wait3A_901 = tpu.memref_slice %arg4[%dma_wait3A_899, %dma_wait3A_900] : memref<3276800x128xf32, #tpu.memory_space<hbm>> -> memref<128x128xf32, #tpu.memory_space<hbm>>
    %dma_wait3A_902 = arith.constant 0 : i32
    %dma_wait3A_903 = arith.constant 0 : i32
    %dma_wait3A_904 = tpu.memref_slice %arg6[%dma_wait3A_891, %dma_wait3A_902, %dma_wait3A_903] : memref<4x128x128xf32, #tpu.memory_space<vmem>> -> memref<1x128x128xf32, #tpu.memory_space<vmem>>
    %dma_wait3A_905 = tpu.memref_squeeze %dma_wait3A_904 : memref<1x128x128xf32, #tpu.memory_space<vmem>> -> memref<128x128xf32, #tpu.memory_space<vmem>>
    tpu.wait_dma2 semaphore(%arg14 : memref<!tpu.dma_semaphore, #tpu.memory_space<semaphore_mem>>) src(%dma_wait3A_905 : memref<128x128xf32, #tpu.memory_space<vmem>>) dst(%dma_wait3A_901 : memref<128x128xf32, #tpu.memory_space<hbm>>)
    %dma_start3A_906 = arith.constant 1 : i32
    %dma_start3A_907 = arith.constant 7 : i32
    %dma_start3A_908 = arith.constant 3 : i32
    %dma_start3A_909 = arith.constant 0 : i32
    %dma_start3A_910 = arith.constant 0 : i32
    %dma_start3A_911 = tpu.memref_slice %arg6[%dma_start3A_908, %dma_start3A_909, %dma_start3A_910] : memref<4x128x128xf32, #tpu.memory_space<vmem>> -> memref<1x128x128xf32, #tpu.memory_space<vmem>>
    %dma_start3A_912 = tpu.memref_squeeze %dma_start3A_911 : memref<1x128x128xf32, #tpu.memory_space<vmem>> -> memref<128x128xf32, #tpu.memory_space<vmem>>
    %dma_start3A_913 = arith.constant 0 : i32
    %dma_start3A_914 = tpu.memref_slice %arg5[%dma_start3A_906, %dma_start3A_907, %dma_start3A_913] : memref<2x8x128xi32, #tpu.memory_space<vmem>> -> memref<1x1x128xi32, #tpu.memory_space<vmem>>
    %dma_start3A_915 = tpu.memref_squeeze %dma_start3A_914 : memref<1x1x128xi32, #tpu.memory_space<vmem>> -> memref<128xi32, #tpu.memory_space<vmem>>
    %dma_start3A_916 = arith.constant 0 : i32
    %dma_start3A_917 = arith.constant 0 : i32
    %dma_start3A_918 = tpu.memref_slice %arg3[%dma_start3A_916, %dma_start3A_917] : memref<100000x128xf32, #tpu.memory_space<hbm>> -> memref<100000x128xf32, #tpu.memory_space<hbm>>
    tpu.enqueue_indirect_dma source(%dma_start3A_918 : memref<100000x128xf32, #tpu.memory_space<hbm>>) target(%dma_start3A_912 : memref<128x128xf32, #tpu.memory_space<vmem>>) offsets(%dma_start3A_915 : memref<128xi32, #tpu.memory_space<vmem>>) semaphore(%arg10 : memref<!tpu.dma_semaphore, #tpu.memory_space<semaphore_mem>>)
    %dma_wait3A_919 = arith.constant 1 : i32
    %dma_wait3A_920 = arith.constant 0 : i32
    %dma_wait3A_921 = arith.constant 0 : i32
    %dma_wait3A_922 = tpu.memref_slice %arg6[%dma_wait3A_919, %dma_wait3A_920, %dma_wait3A_921] : memref<4x128x128xf32, #tpu.memory_space<vmem>> -> memref<1x128x128xf32, #tpu.memory_space<vmem>>
    %dma_wait3A_923 = tpu.memref_squeeze %dma_wait3A_922 : memref<1x128x128xf32, #tpu.memory_space<vmem>> -> memref<128x128xf32, #tpu.memory_space<vmem>>
    %dma_wait3A_924 = arith.constant 0 : i32
    %dma_wait3A_925 = arith.constant 0 : i32
    %dma_wait3A_926 = tpu.memref_slice %arg4[%dma_wait3A_924, %dma_wait3A_925] : memref<3276800x128xf32, #tpu.memory_space<hbm>> -> memref<128x128xf32, #tpu.memory_space<hbm>>
    %dma_wait3A_927 = arith.constant 0 : i32
    %dma_wait3A_928 = arith.constant 0 : i32
    %dma_wait3A_929 = tpu.memref_slice %arg6[%dma_wait3A_919, %dma_wait3A_927, %dma_wait3A_928] : memref<4x128x128xf32, #tpu.memory_space<vmem>> -> memref<1x128x128xf32, #tpu.memory_space<vmem>>
    %dma_wait3A_930 = tpu.memref_squeeze %dma_wait3A_929 : memref<1x128x128xf32, #tpu.memory_space<vmem>> -> memref<128x128xf32, #tpu.memory_space<vmem>>
    %dma_wait3A_931 = arith.constant 0 : i32
    %dma_wait3A_932 = arith.constant 0 : i32
    %dma_wait3A_933 = tpu.memref_slice %arg4[%dma_wait3A_931, %dma_wait3A_932] : memref<3276800x128xf32, #tpu.memory_space<hbm>> -> memref<128x128xf32, #tpu.memory_space<hbm>>
    tpu.wait_dma2 semaphore(%arg8 : memref<!tpu.dma_semaphore, #tpu.memory_space<semaphore_mem>>) src(%dma_wait3A_933 : memref<128x128xf32, #tpu.memory_space<hbm>>) dst(%dma_wait3A_930 : memref<128x128xf32, #tpu.memory_space<vmem>>)
    %add3A_934 = arith.constant 7 : i32
    %add3A_935 = arith.addi %add3A_434, %add3A_934 : i32
    %sub3A_936 = arith.constant 2 : i32
    %sub3A_937 = arith.subi %add3A_935, %sub3A_936 : i32
    %mul3A_938 = arith.constant 128 : i32
    %mul3A_939 = arith.muli %sub3A_937, %mul3A_938 : i32
    %multiple_of3A_940 = tpu.assume_multiple %mul3A_939, 128 : i32
    %dma_start3A_941 = arith.constant 1 : i32
    %dma_start3A_942 = arith.constant 0 : i32
    %dma_start3A_943 = arith.constant 0 : i32
    %dma_start3A_944 = tpu.memref_slice %arg6[%dma_start3A_941, %dma_start3A_942, %dma_start3A_943] : memref<4x128x128xf32, #tpu.memory_space<vmem>> -> memref<1x128x128xf32, #tpu.memory_space<vmem>>
    %dma_start3A_945 = tpu.memref_squeeze %dma_start3A_944 : memref<1x128x128xf32, #tpu.memory_space<vmem>> -> memref<128x128xf32, #tpu.memory_space<vmem>>
    %dma_start3A_946 = arith.constant 0 : i32
    %dma_start3A_947 = tpu.memref_slice %arg4[%multiple_of3A_940, %dma_start3A_946] : memref<3276800x128xf32, #tpu.memory_space<hbm>> -> memref<128x128xf32, #tpu.memory_space<hbm>>
    %dma_start3A_948 = arith.constant 0 : i32
    %dma_start3A_949 = tpu.memref_slice %arg4[%multiple_of3A_940, %dma_start3A_948] : memref<3276800x128xf32, #tpu.memory_space<hbm>> -> memref<128x128xf32, #tpu.memory_space<hbm>>
    %dma_start3A_950 = arith.constant 0 : i32
    %dma_start3A_951 = arith.constant 0 : i32
    %dma_start3A_952 = tpu.memref_slice %arg6[%dma_start3A_941, %dma_start3A_950, %dma_start3A_951] : memref<4x128x128xf32, #tpu.memory_space<vmem>> -> memref<1x128x128xf32, #tpu.memory_space<vmem>>
    %dma_start3A_953 = tpu.memref_squeeze %dma_start3A_952 : memref<1x128x128xf32, #tpu.memory_space<vmem>> -> memref<128x128xf32, #tpu.memory_space<vmem>>
    tpu.enqueue_dma source(%dma_start3A_953 : memref<128x128xf32, #tpu.memory_space<vmem>>) target(%dma_start3A_949 : memref<128x128xf32, #tpu.memory_space<hbm>>) target_semaphore(%arg12 : memref<!tpu.dma_semaphore, #tpu.memory_space<semaphore_mem>>)
    %scan3A = arith.constant 0 : i32
    %scan3A_954 = arith.constant 1 : i32
    %scan3A_955 = arith.constant 49 : i32
    %scan3A_956 = arith.addi %scan3A_954, %scan3A_955 : i32
    %scan3A_957 = arith.constant 1 : i32
    scf.for %scan3A_1108 = %scan3A_954 to %scan3A_956 step %scan3A_957  : i32 {
      %mul3A_1109 = arith.constant 2 : i32
      %mul3A_1110 = arith.muli %mul3A_1109, %scan3A_1108 : i32
      %mul3A_1111 = arith.constant 8 : i32
      %mul3A_1112 = arith.muli %mul3A_1110, %mul3A_1111 : i32
      %add3A_1113 = arith.addi %mul3A_2, %mul3A_1112 : i32
      %dma_wait3A_1114 = arith.constant 0 : i32
      %dma_wait3A_1115 = arith.constant 0 : i32
      %dma_wait3A_1116 = arith.constant 0 : i32
      %dma_wait3A_1117 = tpu.memref_slice %arg5[%dma_wait3A_1114, %dma_wait3A_1115, %dma_wait3A_1116] : memref<2x8x128xi32, #tpu.memory_space<vmem>> -> memref<1x8x128xi32, #tpu.memory_space<vmem>>
      %dma_wait3A_1118 = tpu.memref_squeeze %dma_wait3A_1117 : memref<1x8x128xi32, #tpu.memory_space<vmem>> -> memref<8x128xi32, #tpu.memory_space<vmem>>
      %dma_wait3A_1119 = arith.constant 0 : i32
      %dma_wait3A_1120 = arith.constant 0 : i32
      %dma_wait3A_1121 = tpu.memref_slice %arg2[%dma_wait3A_1119, %dma_wait3A_1120] : memref<25600x128xi32, #tpu.memory_space<hbm>> -> memref<8x128xi32, #tpu.memory_space<hbm>>
      %dma_wait3A_1122 = arith.constant 0 : i32
      %dma_wait3A_1123 = arith.constant 0 : i32
      %dma_wait3A_1124 = tpu.memref_slice %arg5[%dma_wait3A_1114, %dma_wait3A_1122, %dma_wait3A_1123] : memref<2x8x128xi32, #tpu.memory_space<vmem>> -> memref<1x8x128xi32, #tpu.memory_space<vmem>>
      %dma_wait3A_1125 = tpu.memref_squeeze %dma_wait3A_1124 : memref<1x8x128xi32, #tpu.memory_space<vmem>> -> memref<8x128xi32, #tpu.memory_space<vmem>>
      %dma_wait3A_1126 = arith.constant 0 : i32
      %dma_wait3A_1127 = arith.constant 0 : i32
      %dma_wait3A_1128 = tpu.memref_slice %arg2[%dma_wait3A_1126, %dma_wait3A_1127] : memref<25600x128xi32, #tpu.memory_space<hbm>> -> memref<8x128xi32, #tpu.memory_space<hbm>>
      tpu.wait_dma2 semaphore(%arg15 : memref<!tpu.dma_semaphore, #tpu.memory_space<semaphore_mem>>) src(%dma_wait3A_1128 : memref<8x128xi32, #tpu.memory_space<hbm>>) dst(%dma_wait3A_1125 : memref<8x128xi32, #tpu.memory_space<vmem>>)
      %add3A_1129 = arith.constant 1 : i32
      %add3A_1130 = arith.addi %mul3A_1110, %add3A_1129 : i32
      %min3A = arith.constant 99 : i32
      %min3A_1131 = arith.minsi %add3A_1130, %min3A : i32
      %dma_wait3A_1132 = arith.constant 0 : i32
      %dma_wait3A_1133 = arith.constant 0 : i32
      %dma_wait3A_1134 = arith.constant 0 : i32
      %dma_wait3A_1135 = tpu.memref_slice %arg6[%dma_wait3A_1132, %dma_wait3A_1133, %dma_wait3A_1134] : memref<4x128x128xf32, #tpu.memory_space<vmem>> -> memref<1x128x128xf32, #tpu.memory_space<vmem>>
      %dma_wait3A_1136 = tpu.memref_squeeze %dma_wait3A_1135 : memref<1x128x128xf32, #tpu.memory_space<vmem>> -> memref<128x128xf32, #tpu.memory_space<vmem>>
      %dma_wait3A_1137 = arith.constant 0 : i32
      %dma_wait3A_1138 = arith.constant 0 : i32
      %dma_wait3A_1139 = tpu.memref_slice %arg4[%dma_wait3A_1137, %dma_wait3A_1138] : memref<3276800x128xf32, #tpu.memory_space<hbm>> -> memref<128x128xf32, #tpu.memory_space<hbm>>
      %dma_wait3A_1140 = arith.constant 0 : i32
      %dma_wait3A_1141 = arith.constant 0 : i32
      %dma_wait3A_1142 = tpu.memref_slice %arg4[%dma_wait3A_1140, %dma_wait3A_1141] : memref<3276800x128xf32, #tpu.memory_space<hbm>> -> memref<128x128xf32, #tpu.memory_space<hbm>>
      %dma_wait3A_1143 = arith.constant 0 : i32
      %dma_wait3A_1144 = arith.constant 0 : i32
      %dma_wait3A_1145 = tpu.memref_slice %arg6[%dma_wait3A_1132, %dma_wait3A_1143, %dma_wait3A_1144] : memref<4x128x128xf32, #tpu.memory_space<vmem>> -> memref<1x128x128xf32, #tpu.memory_space<vmem>>
      %dma_wait3A_1146 = tpu.memref_squeeze %dma_wait3A_1145 : memref<1x128x128xf32, #tpu.memory_space<vmem>> -> memref<128x128xf32, #tpu.memory_space<vmem>>
      tpu.wait_dma2 semaphore(%arg11 : memref<!tpu.dma_semaphore, #tpu.memory_space<semaphore_mem>>) src(%dma_wait3A_1146 : memref<128x128xf32, #tpu.memory_space<vmem>>) dst(%dma_wait3A_1142 : memref<128x128xf32, #tpu.memory_space<hbm>>)
      %dma_start3A_1147 = arith.constant 0 : i32
      %dma_start3A_1148 = arith.constant 0 : i32
      %dma_start3A_1149 = arith.constant 0 : i32
      %dma_start3A_1150 = arith.constant 0 : i32
      %dma_start3A_1151 = arith.constant 0 : i32
      %dma_start3A_1152 = tpu.memref_slice %arg6[%dma_start3A_1149, %dma_start3A_1150, %dma_start3A_1151] : memref<4x128x128xf32, #tpu.memory_space<vmem>> -> memref<1x128x128xf32, #tpu.memory_space<vmem>>
      %dma_start3A_1153 = tpu.memref_squeeze %dma_start3A_1152 : memref<1x128x128xf32, #tpu.memory_space<vmem>> -> memref<128x128xf32, #tpu.memory_space<vmem>>
      %dma_start3A_1154 = arith.constant 0 : i32
      %dma_start3A_1155 = tpu.memref_slice %arg5[%dma_start3A_1147, %dma_start3A_1148, %dma_start3A_1154] : memref<2x8x128xi32, #tpu.memory_space<vmem>> -> memref<1x1x128xi32, #tpu.memory_space<vmem>>
      %dma_start3A_1156 = tpu.memref_squeeze %dma_start3A_1155 : memref<1x1x128xi32, #tpu.memory_space<vmem>> -> memref<128xi32, #tpu.memory_space<vmem>>
      %dma_start3A_1157 = arith.constant 0 : i32
      %dma_start3A_1158 = arith.constant 0 : i32
      %dma_start3A_1159 = tpu.memref_slice %arg3[%dma_start3A_1157, %dma_start3A_1158] : memref<100000x128xf32, #tpu.memory_space<hbm>> -> memref<100000x128xf32, #tpu.memory_space<hbm>>
      tpu.enqueue_indirect_dma source(%dma_start3A_1159 : memref<100000x128xf32, #tpu.memory_space<hbm>>) target(%dma_start3A_1153 : memref<128x128xf32, #tpu.memory_space<vmem>>) offsets(%dma_start3A_1156 : memref<128xi32, #tpu.memory_space<vmem>>) semaphore(%arg7 : memref<!tpu.dma_semaphore, #tpu.memory_space<semaphore_mem>>)
      %dma_wait3A_1160 = arith.constant 2 : i32
      %dma_wait3A_1161 = arith.constant 0 : i32
      %dma_wait3A_1162 = arith.constant 0 : i32
      %dma_wait3A_1163 = tpu.memref_slice %arg6[%dma_wait3A_1160, %dma_wait3A_1161, %dma_wait3A_1162] : memref<4x128x128xf32, #tpu.memory_space<vmem>> -> memref<1x128x128xf32, #tpu.memory_space<vmem>>
      %dma_wait3A_1164 = tpu.memref_squeeze %dma_wait3A_1163 : memref<1x128x128xf32, #tpu.memory_space<vmem>> -> memref<128x128xf32, #tpu.memory_space<vmem>>
      %dma_wait3A_1165 = arith.constant 0 : i32
      %dma_wait3A_1166 = arith.constant 0 : i32
      %dma_wait3A_1167 = tpu.memref_slice %arg4[%dma_wait3A_1165, %dma_wait3A_1166] : memref<3276800x128xf32, #tpu.memory_space<hbm>> -> memref<128x128xf32, #tpu.memory_space<hbm>>
      %dma_wait3A_1168 = arith.constant 0 : i32
      %dma_wait3A_1169 = arith.constant 0 : i32
      %dma_wait3A_1170 = tpu.memref_slice %arg6[%dma_wait3A_1160, %dma_wait3A_1168, %dma_wait3A_1169] : memref<4x128x128xf32, #tpu.memory_space<vmem>> -> memref<1x128x128xf32, #tpu.memory_space<vmem>>
      %dma_wait3A_1171 = tpu.memref_squeeze %dma_wait3A_1170 : memref<1x128x128xf32, #tpu.memory_space<vmem>> -> memref<128x128xf32, #tpu.memory_space<vmem>>
      %dma_wait3A_1172 = arith.constant 0 : i32
      %dma_wait3A_1173 = arith.constant 0 : i32
      %dma_wait3A_1174 = tpu.memref_slice %arg4[%dma_wait3A_1172, %dma_wait3A_1173] : memref<3276800x128xf32, #tpu.memory_space<hbm>> -> memref<128x128xf32, #tpu.memory_space<hbm>>
      tpu.wait_dma2 semaphore(%arg9 : memref<!tpu.dma_semaphore, #tpu.memory_space<semaphore_mem>>) src(%dma_wait3A_1174 : memref<128x128xf32, #tpu.memory_space<hbm>>) dst(%dma_wait3A_1171 : memref<128x128xf32, #tpu.memory_space<vmem>>)
      %add3A_1175 = arith.constant 0 : i32
      %add3A_1176 = arith.addi %add3A_1113, %add3A_1175 : i32
      %sub3A_1177 = arith.constant 2 : i32
      %sub3A_1178 = arith.subi %add3A_1176, %sub3A_1177 : i32
      %mul3A_1179 = arith.constant 128 : i32
      %mul3A_1180 = arith.muli %sub3A_1178, %mul3A_1179 : i32
      %multiple_of3A_1181 = tpu.assume_multiple %mul3A_1180, 128 : i32
      %dma_start3A_1182 = arith.constant 2 : i32
      %dma_start3A_1183 = arith.constant 0 : i32
      %dma_start3A_1184 = arith.constant 0 : i32
      %dma_start3A_1185 = tpu.memref_slice %arg6[%dma_start3A_1182, %dma_start3A_1183, %dma_start3A_1184] : memref<4x128x128xf32, #tpu.memory_space<vmem>> -> memref<1x128x128xf32, #tpu.memory_space<vmem>>
      %dma_start3A_1186 = tpu.memref_squeeze %dma_start3A_1185 : memref<1x128x128xf32, #tpu.memory_space<vmem>> -> memref<128x128xf32, #tpu.memory_space<vmem>>
      %dma_start3A_1187 = arith.constant 0 : i32
      %dma_start3A_1188 = tpu.memref_slice %arg4[%multiple_of3A_1181, %dma_start3A_1187] : memref<3276800x128xf32, #tpu.memory_space<hbm>> -> memref<128x128xf32, #tpu.memory_space<hbm>>
      %dma_start3A_1189 = arith.constant 0 : i32
      %dma_start3A_1190 = tpu.memref_slice %arg4[%multiple_of3A_1181, %dma_start3A_1189] : memref<3276800x128xf32, #tpu.memory_space<hbm>> -> memref<128x128xf32, #tpu.memory_space<hbm>>
      %dma_start3A_1191 = arith.constant 0 : i32
      %dma_start3A_1192 = arith.constant 0 : i32
      %dma_start3A_1193 = tpu.memref_slice %arg6[%dma_start3A_1182, %dma_start3A_1191, %dma_start3A_1192] : memref<4x128x128xf32, #tpu.memory_space<vmem>> -> memref<1x128x128xf32, #tpu.memory_space<vmem>>
      %dma_start3A_1194 = tpu.memref_squeeze %dma_start3A_1193 : memref<1x128x128xf32, #tpu.memory_space<vmem>> -> memref<128x128xf32, #tpu.memory_space<vmem>>
      tpu.enqueue_dma source(%dma_start3A_1194 : memref<128x128xf32, #tpu.memory_space<vmem>>) target(%dma_start3A_1190 : memref<128x128xf32, #tpu.memory_space<hbm>>) target_semaphore(%arg13 : memref<!tpu.dma_semaphore, #tpu.memory_space<semaphore_mem>>)
      %dma_wait3A_1195 = arith.constant 1 : i32
      %dma_wait3A_1196 = arith.constant 0 : i32
      %dma_wait3A_1197 = arith.constant 0 : i32
      %dma_wait3A_1198 = tpu.memref_slice %arg6[%dma_wait3A_1195, %dma_wait3A_1196, %dma_wait3A_1197] : memref<4x128x128xf32, #tpu.memory_space<vmem>> -> memref<1x128x128xf32, #tpu.memory_space<vmem>>
      %dma_wait3A_1199 = tpu.memref_squeeze %dma_wait3A_1198 : memref<1x128x128xf32, #tpu.memory_space<vmem>> -> memref<128x128xf32, #tpu.memory_space<vmem>>
      %dma_wait3A_1200 = arith.constant 0 : i32
      %dma_wait3A_1201 = arith.constant 0 : i32
      %dma_wait3A_1202 = tpu.memref_slice %arg4[%dma_wait3A_1200, %dma_wait3A_1201] : memref<3276800x128xf32, #tpu.memory_space<hbm>> -> memref<128x128xf32, #tpu.memory_space<hbm>>
      %dma_wait3A_1203 = arith.constant 0 : i32
      %dma_wait3A_1204 = arith.constant 0 : i32
      %dma_wait3A_1205 = tpu.memref_slice %arg4[%dma_wait3A_1203, %dma_wait3A_1204] : memref<3276800x128xf32, #tpu.memory_space<hbm>> -> memref<128x128xf32, #tpu.memory_space<hbm>>
      %dma_wait3A_1206 = arith.constant 0 : i32
      %dma_wait3A_1207 = arith.constant 0 : i32
      %dma_wait3A_1208 = tpu.memref_slice %arg6[%dma_wait3A_1195, %dma_wait3A_1206, %dma_wait3A_1207] : memref<4x128x128xf32, #tpu.memory_space<vmem>> -> memref<1x128x128xf32, #tpu.memory_space<vmem>>
      %dma_wait3A_1209 = tpu.memref_squeeze %dma_wait3A_1208 : memref<1x128x128xf32, #tpu.memory_space<vmem>> -> memref<128x128xf32, #tpu.memory_space<vmem>>
      tpu.wait_dma2 semaphore(%arg12 : memref<!tpu.dma_semaphore, #tpu.memory_space<semaphore_mem>>) src(%dma_wait3A_1209 : memref<128x128xf32, #tpu.memory_space<vmem>>) dst(%dma_wait3A_1205 : memref<128x128xf32, #tpu.memory_space<hbm>>)
      %dma_start3A_1210 = arith.constant 0 : i32
      %dma_start3A_1211 = arith.constant 1 : i32
      %dma_start3A_1212 = arith.constant 1 : i32
      %dma_start3A_1213 = arith.constant 0 : i32
      %dma_start3A_1214 = arith.constant 0 : i32
      %dma_start3A_1215 = tpu.memref_slice %arg6[%dma_start3A_1212, %dma_start3A_1213, %dma_start3A_1214] : memref<4x128x128xf32, #tpu.memory_space<vmem>> -> memref<1x128x128xf32, #tpu.memory_space<vmem>>
      %dma_start3A_1216 = tpu.memref_squeeze %dma_start3A_1215 : memref<1x128x128xf32, #tpu.memory_space<vmem>> -> memref<128x128xf32, #tpu.memory_space<vmem>>
      %dma_start3A_1217 = arith.constant 0 : i32
      %dma_start3A_1218 = tpu.memref_slice %arg5[%dma_start3A_1210, %dma_start3A_1211, %dma_start3A_1217] : memref<2x8x128xi32, #tpu.memory_space<vmem>> -> memref<1x1x128xi32, #tpu.memory_space<vmem>>
      %dma_start3A_1219 = tpu.memref_squeeze %dma_start3A_1218 : memref<1x1x128xi32, #tpu.memory_space<vmem>> -> memref<128xi32, #tpu.memory_space<vmem>>
      %dma_start3A_1220 = arith.constant 0 : i32
      %dma_start3A_1221 = arith.constant 0 : i32
      %dma_start3A_1222 = tpu.memref_slice %arg3[%dma_start3A_1220, %dma_start3A_1221] : memref<100000x128xf32, #tpu.memory_space<hbm>> -> memref<100000x128xf32, #tpu.memory_space<hbm>>
      tpu.enqueue_indirect_dma source(%dma_start3A_1222 : memref<100000x128xf32, #tpu.memory_space<hbm>>) target(%dma_start3A_1216 : memref<128x128xf32, #tpu.memory_space<vmem>>) offsets(%dma_start3A_1219 : memref<128xi32, #tpu.memory_space<vmem>>) semaphore(%arg8 : memref<!tpu.dma_semaphore, #tpu.memory_space<semaphore_mem>>)
      %dma_wait3A_1223 = arith.constant 3 : i32
      %dma_wait3A_1224 = arith.constant 0 : i32
      %dma_wait3A_1225 = arith.constant 0 : i32
      %dma_wait3A_1226 = tpu.memref_slice %arg6[%dma_wait3A_1223, %dma_wait3A_1224, %dma_wait3A_1225] : memref<4x128x128xf32, #tpu.memory_space<vmem>> -> memref<1x128x128xf32, #tpu.memory_space<vmem>>
      %dma_wait3A_1227 = tpu.memref_squeeze %dma_wait3A_1226 : memref<1x128x128xf32, #tpu.memory_space<vmem>> -> memref<128x128xf32, #tpu.memory_space<vmem>>
      %dma_wait3A_1228 = arith.constant 0 : i32
      %dma_wait3A_1229 = arith.constant 0 : i32
      %dma_wait3A_1230 = tpu.memref_slice %arg4[%dma_wait3A_1228, %dma_wait3A_1229] : memref<3276800x128xf32, #tpu.memory_space<hbm>> -> memref<128x128xf32, #tpu.memory_space<hbm>>
      %dma_wait3A_1231 = arith.constant 0 : i32
      %dma_wait3A_1232 = arith.constant 0 : i32
      %dma_wait3A_1233 = tpu.memref_slice %arg6[%dma_wait3A_1223, %dma_wait3A_1231, %dma_wait3A_1232] : memref<4x128x128xf32, #tpu.memory_space<vmem>> -> memref<1x128x128xf32, #tpu.memory_space<vmem>>
      %dma_wait3A_1234 = tpu.memref_squeeze %dma_wait3A_1233 : memref<1x128x128xf32, #tpu.memory_space<vmem>> -> memref<128x128xf32, #tpu.memory_space<vmem>>
      %dma_wait3A_1235 = arith.constant 0 : i32
      %dma_wait3A_1236 = arith.constant 0 : i32
      %dma_wait3A_1237 = tpu.memref_slice %arg4[%dma_wait3A_1235, %dma_wait3A_1236] : memref<3276800x128xf32, #tpu.memory_space<hbm>> -> memref<128x128xf32, #tpu.memory_space<hbm>>
      tpu.wait_dma2 semaphore(%arg10 : memref<!tpu.dma_semaphore, #tpu.memory_space<semaphore_mem>>) src(%dma_wait3A_1237 : memref<128x128xf32, #tpu.memory_space<hbm>>) dst(%dma_wait3A_1234 : memref<128x128xf32, #tpu.memory_space<vmem>>)
      %add3A_1238 = arith.constant 1 : i32
      %add3A_1239 = arith.addi %add3A_1113, %add3A_1238 : i32
      %sub3A_1240 = arith.constant 2 : i32
      %sub3A_1241 = arith.subi %add3A_1239, %sub3A_1240 : i32
      %mul3A_1242 = arith.constant 128 : i32
      %mul3A_1243 = arith.muli %sub3A_1241, %mul3A_1242 : i32
      %multiple_of3A_1244 = tpu.assume_multiple %mul3A_1243, 128 : i32
      %dma_start3A_1245 = arith.constant 3 : i32
      %dma_start3A_1246 = arith.constant 0 : i32
      %dma_start3A_1247 = arith.constant 0 : i32
      %dma_start3A_1248 = tpu.memref_slice %arg6[%dma_start3A_1245, %dma_start3A_1246, %dma_start3A_1247] : memref<4x128x128xf32, #tpu.memory_space<vmem>> -> memref<1x128x128xf32, #tpu.memory_space<vmem>>
      %dma_start3A_1249 = tpu.memref_squeeze %dma_start3A_1248 : memref<1x128x128xf32, #tpu.memory_space<vmem>> -> memref<128x128xf32, #tpu.memory_space<vmem>>
      %dma_start3A_1250 = arith.constant 0 : i32
      %dma_start3A_1251 = tpu.memref_slice %arg4[%multiple_of3A_1244, %dma_start3A_1250] : memref<3276800x128xf32, #tpu.memory_space<hbm>> -> memref<128x128xf32, #tpu.memory_space<hbm>>
      %dma_start3A_1252 = arith.constant 0 : i32
      %dma_start3A_1253 = tpu.memref_slice %arg4[%multiple_of3A_1244, %dma_start3A_1252] : memref<3276800x128xf32, #tpu.memory_space<hbm>> -> memref<128x128xf32, #tpu.memory_space<hbm>>
      %dma_start3A_1254 = arith.constant 0 : i32
      %dma_start3A_1255 = arith.constant 0 : i32
      %dma_start3A_1256 = tpu.memref_slice %arg6[%dma_start3A_1245, %dma_start3A_1254, %dma_start3A_1255] : memref<4x128x128xf32, #tpu.memory_space<vmem>> -> memref<1x128x128xf32, #tpu.memory_space<vmem>>
      %dma_start3A_1257 = tpu.memref_squeeze %dma_start3A_1256 : memref<1x128x128xf32, #tpu.memory_space<vmem>> -> memref<128x128xf32, #tpu.memory_space<vmem>>
      tpu.enqueue_dma source(%dma_start3A_1257 : memref<128x128xf32, #tpu.memory_space<vmem>>) target(%dma_start3A_1253 : memref<128x128xf32, #tpu.memory_space<hbm>>) target_semaphore(%arg14 : memref<!tpu.dma_semaphore, #tpu.memory_space<semaphore_mem>>)
      %mul3A_1258 = arith.constant 8 : i32
      %mul3A_1259 = arith.muli %min3A_1131, %mul3A_1258 : i32
      %add3A_1260 = arith.addi %mul3A_2, %mul3A_1259 : i32
      %dma_start3A_1261 = arith.constant 1 : i32
      %dma_start3A_1262 = arith.constant 0 : i32
      %dma_start3A_1263 = arith.constant 0 : i32
      %dma_start3A_1264 = tpu.memref_slice %arg5[%dma_start3A_1261, %dma_start3A_1262, %dma_start3A_1263] : memref<2x8x128xi32, #tpu.memory_space<vmem>> -> memref<1x8x128xi32, #tpu.memory_space<vmem>>
      %dma_start3A_1265 = tpu.memref_squeeze %dma_start3A_1264 : memref<1x8x128xi32, #tpu.memory_space<vmem>> -> memref<8x128xi32, #tpu.memory_space<vmem>>
      %dma_start3A_1266 = arith.constant 0 : i32
      %dma_start3A_1267 = tpu.memref_slice %arg2[%add3A_1260, %dma_start3A_1266] : memref<25600x128xi32, #tpu.memory_space<hbm>> -> memref<8x128xi32, #tpu.memory_space<hbm>>
      %dma_start3A_1268 = arith.constant 0 : i32
      %dma_start3A_1269 = arith.constant 0 : i32
      %dma_start3A_1270 = tpu.memref_slice %arg5[%dma_start3A_1261, %dma_start3A_1268, %dma_start3A_1269] : memref<2x8x128xi32, #tpu.memory_space<vmem>> -> memref<1x8x128xi32, #tpu.memory_space<vmem>>
      %dma_start3A_1271 = tpu.memref_squeeze %dma_start3A_1270 : memref<1x8x128xi32, #tpu.memory_space<vmem>> -> memref<8x128xi32, #tpu.memory_space<vmem>>
      %dma_start3A_1272 = arith.constant 0 : i32
      %dma_start3A_1273 = tpu.memref_slice %arg2[%add3A_1260, %dma_start3A_1272] : memref<25600x128xi32, #tpu.memory_space<hbm>> -> memref<8x128xi32, #tpu.memory_space<hbm>>
      tpu.enqueue_dma source(%dma_start3A_1273 : memref<8x128xi32, #tpu.memory_space<hbm>>) target(%dma_start3A_1271 : memref<8x128xi32, #tpu.memory_space<vmem>>) target_semaphore(%arg16 : memref<!tpu.dma_semaphore, #tpu.memory_space<semaphore_mem>>)
      %dma_wait3A_1274 = arith.constant 2 : i32
      %dma_wait3A_1275 = arith.constant 0 : i32
      %dma_wait3A_1276 = arith.constant 0 : i32
      %dma_wait3A_1277 = tpu.memref_slice %arg6[%dma_wait3A_1274, %dma_wait3A_1275, %dma_wait3A_1276] : memref<4x128x128xf32, #tpu.memory_space<vmem>> -> memref<1x128x128xf32, #tpu.memory_space<vmem>>
      %dma_wait3A_1278 = tpu.memref_squeeze %dma_wait3A_1277 : memref<1x128x128xf32, #tpu.memory_space<vmem>> -> memref<128x128xf32, #tpu.memory_space<vmem>>
      %dma_wait3A_1279 = arith.constant 0 : i32
      %dma_wait3A_1280 = arith.constant 0 : i32
      %dma_wait3A_1281 = tpu.memref_slice %arg4[%dma_wait3A_1279, %dma_wait3A_1280] : memref<3276800x128xf32, #tpu.memory_space<hbm>> -> memref<128x128xf32, #tpu.memory_space<hbm>>
      %dma_wait3A_1282 = arith.constant 0 : i32
      %dma_wait3A_1283 = arith.constant 0 : i32
      %dma_wait3A_1284 = tpu.memref_slice %arg4[%dma_wait3A_1282, %dma_wait3A_1283] : memref<3276800x128xf32, #tpu.memory_space<hbm>> -> memref<128x128xf32, #tpu.memory_space<hbm>>
      %dma_wait3A_1285 = arith.constant 0 : i32
      %dma_wait3A_1286 = arith.constant 0 : i32
      %dma_wait3A_1287 = tpu.memref_slice %arg6[%dma_wait3A_1274, %dma_wait3A_1285, %dma_wait3A_1286] : memref<4x128x128xf32, #tpu.memory_space<vmem>> -> memref<1x128x128xf32, #tpu.memory_space<vmem>>
      %dma_wait3A_1288 = tpu.memref_squeeze %dma_wait3A_1287 : memref<1x128x128xf32, #tpu.memory_space<vmem>> -> memref<128x128xf32, #tpu.memory_space<vmem>>
      tpu.wait_dma2 semaphore(%arg13 : memref<!tpu.dma_semaphore, #tpu.memory_space<semaphore_mem>>) src(%dma_wait3A_1288 : memref<128x128xf32, #tpu.memory_space<vmem>>) dst(%dma_wait3A_1284 : memref<128x128xf32, #tpu.memory_space<hbm>>)
      %dma_start3A_1289 = arith.constant 0 : i32
      %dma_start3A_1290 = arith.constant 2 : i32
      %dma_start3A_1291 = arith.constant 2 : i32
      %dma_start3A_1292 = arith.constant 0 : i32
      %dma_start3A_1293 = arith.constant 0 : i32
      %dma_start3A_1294 = tpu.memref_slice %arg6[%dma_start3A_1291, %dma_start3A_1292, %dma_start3A_1293] : memref<4x128x128xf32, #tpu.memory_space<vmem>> -> memref<1x128x128xf32, #tpu.memory_space<vmem>>
      %dma_start3A_1295 = tpu.memref_squeeze %dma_start3A_1294 : memref<1x128x128xf32, #tpu.memory_space<vmem>> -> memref<128x128xf32, #tpu.memory_space<vmem>>
      %dma_start3A_1296 = arith.constant 0 : i32
      %dma_start3A_1297 = tpu.memref_slice %arg5[%dma_start3A_1289, %dma_start3A_1290, %dma_start3A_1296] : memref<2x8x128xi32, #tpu.memory_space<vmem>> -> memref<1x1x128xi32, #tpu.memory_space<vmem>>
      %dma_start3A_1298 = tpu.memref_squeeze %dma_start3A_1297 : memref<1x1x128xi32, #tpu.memory_space<vmem>> -> memref<128xi32, #tpu.memory_space<vmem>>
      %dma_start3A_1299 = arith.constant 0 : i32
      %dma_start3A_1300 = arith.constant 0 : i32
      %dma_start3A_1301 = tpu.memref_slice %arg3[%dma_start3A_1299, %dma_start3A_1300] : memref<100000x128xf32, #tpu.memory_space<hbm>> -> memref<100000x128xf32, #tpu.memory_space<hbm>>
      tpu.enqueue_indirect_dma source(%dma_start3A_1301 : memref<100000x128xf32, #tpu.memory_space<hbm>>) target(%dma_start3A_1295 : memref<128x128xf32, #tpu.memory_space<vmem>>) offsets(%dma_start3A_1298 : memref<128xi32, #tpu.memory_space<vmem>>) semaphore(%arg9 : memref<!tpu.dma_semaphore, #tpu.memory_space<semaphore_mem>>)
      %dma_wait3A_1302 = arith.constant 0 : i32
      %dma_wait3A_1303 = arith.constant 0 : i32
      %dma_wait3A_1304 = arith.constant 0 : i32
      %dma_wait3A_1305 = tpu.memref_slice %arg6[%dma_wait3A_1302, %dma_wait3A_1303, %dma_wait3A_1304] : memref<4x128x128xf32, #tpu.memory_space<vmem>> -> memref<1x128x128xf32, #tpu.memory_space<vmem>>
      %dma_wait3A_1306 = tpu.memref_squeeze %dma_wait3A_1305 : memref<1x128x128xf32, #tpu.memory_space<vmem>> -> memref<128x128xf32, #tpu.memory_space<vmem>>
      %dma_wait3A_1307 = arith.constant 0 : i32
      %dma_wait3A_1308 = arith.constant 0 : i32
      %dma_wait3A_1309 = tpu.memref_slice %arg4[%dma_wait3A_1307, %dma_wait3A_1308] : memref<3276800x128xf32, #tpu.memory_space<hbm>> -> memref<128x128xf32, #tpu.memory_space<hbm>>
      %dma_wait3A_1310 = arith.constant 0 : i32
      %dma_wait3A_1311 = arith.constant 0 : i32
      %dma_wait3A_1312 = tpu.memref_slice %arg6[%dma_wait3A_1302, %dma_wait3A_1310, %dma_wait3A_1311] : memref<4x128x128xf32, #tpu.memory_space<vmem>> -> memref<1x128x128xf32, #tpu.memory_space<vmem>>
      %dma_wait3A_1313 = tpu.memref_squeeze %dma_wait3A_1312 : memref<1x128x128xf32, #tpu.memory_space<vmem>> -> memref<128x128xf32, #tpu.memory_space<vmem>>
      %dma_wait3A_1314 = arith.constant 0 : i32
      %dma_wait3A_1315 = arith.constant 0 : i32
      %dma_wait3A_1316 = tpu.memref_slice %arg4[%dma_wait3A_1314, %dma_wait3A_1315] : memref<3276800x128xf32, #tpu.memory_space<hbm>> -> memref<128x128xf32, #tpu.memory_space<hbm>>
      tpu.wait_dma2 semaphore(%arg7 : memref<!tpu.dma_semaphore, #tpu.memory_space<semaphore_mem>>) src(%dma_wait3A_1316 : memref<128x128xf32, #tpu.memory_space<hbm>>) dst(%dma_wait3A_1313 : memref<128x128xf32, #tpu.memory_space<vmem>>)
      %add3A_1317 = arith.constant 2 : i32
      %add3A_1318 = arith.addi %add3A_1113, %add3A_1317 : i32
      %sub3A_1319 = arith.constant 2 : i32
      %sub3A_1320 = arith.subi %add3A_1318, %sub3A_1319 : i32
      %mul3A_1321 = arith.constant 128 : i32
      %mul3A_1322 = arith.muli %sub3A_1320, %mul3A_1321 : i32
      %multiple_of3A_1323 = tpu.assume_multiple %mul3A_1322, 128 : i32
      %dma_start3A_1324 = arith.constant 0 : i32
      %dma_start3A_1325 = arith.constant 0 : i32
      %dma_start3A_1326 = arith.constant 0 : i32
      %dma_start3A_1327 = tpu.memref_slice %arg6[%dma_start3A_1324, %dma_start3A_1325, %dma_start3A_1326] : memref<4x128x128xf32, #tpu.memory_space<vmem>> -> memref<1x128x128xf32, #tpu.memory_space<vmem>>
      %dma_start3A_1328 = tpu.memref_squeeze %dma_start3A_1327 : memref<1x128x128xf32, #tpu.memory_space<vmem>> -> memref<128x128xf32, #tpu.memory_space<vmem>>
      %dma_start3A_1329 = arith.constant 0 : i32
      %dma_start3A_1330 = tpu.memref_slice %arg4[%multiple_of3A_1323, %dma_start3A_1329] : memref<3276800x128xf32, #tpu.memory_space<hbm>> -> memref<128x128xf32, #tpu.memory_space<hbm>>
      %dma_start3A_1331 = arith.constant 0 : i32
      %dma_start3A_1332 = tpu.memref_slice %arg4[%multiple_of3A_1323, %dma_start3A_1331] : memref<3276800x128xf32, #tpu.memory_space<hbm>> -> memref<128x128xf32, #tpu.memory_space<hbm>>
      %dma_start3A_1333 = arith.constant 0 : i32
      %dma_start3A_1334 = arith.constant 0 : i32
      %dma_start3A_1335 = tpu.memref_slice %arg6[%dma_start3A_1324, %dma_start3A_1333, %dma_start3A_1334] : memref<4x128x128xf32, #tpu.memory_space<vmem>> -> memref<1x128x128xf32, #tpu.memory_space<vmem>>
      %dma_start3A_1336 = tpu.memref_squeeze %dma_start3A_1335 : memref<1x128x128xf32, #tpu.memory_space<vmem>> -> memref<128x128xf32, #tpu.memory_space<vmem>>
      tpu.enqueue_dma source(%dma_start3A_1336 : memref<128x128xf32, #tpu.memory_space<vmem>>) target(%dma_start3A_1332 : memref<128x128xf32, #tpu.memory_space<hbm>>) target_semaphore(%arg11 : memref<!tpu.dma_semaphore, #tpu.memory_space<semaphore_mem>>)
      %dma_wait3A_1337 = arith.constant 3 : i32
      %dma_wait3A_1338 = arith.constant 0 : i32
      %dma_wait3A_1339 = arith.constant 0 : i32
      %dma_wait3A_1340 = tpu.memref_slice %arg6[%dma_wait3A_1337, %dma_wait3A_1338, %dma_wait3A_1339] : memref<4x128x128xf32, #tpu.memory_space<vmem>> -> memref<1x128x128xf32, #tpu.memory_space<vmem>>
      %dma_wait3A_1341 = tpu.memref_squeeze %dma_wait3A_1340 : memref<1x128x128xf32, #tpu.memory_space<vmem>> -> memref<128x128xf32, #tpu.memory_space<vmem>>
      %dma_wait3A_1342 = arith.constant 0 : i32
      %dma_wait3A_1343 = arith.constant 0 : i32
      %dma_wait3A_1344 = tpu.memref_slice %arg4[%dma_wait3A_1342, %dma_wait3A_1343] : memref<3276800x128xf32, #tpu.memory_space<hbm>> -> memref<128x128xf32, #tpu.memory_space<hbm>>
      %dma_wait3A_1345 = arith.constant 0 : i32
      %dma_wait3A_1346 = arith.constant 0 : i32
      %dma_wait3A_1347 = tpu.memref_slice %arg4[%dma_wait3A_1345, %dma_wait3A_1346] : memref<3276800x128xf32, #tpu.memory_space<hbm>> -> memref<128x128xf32, #tpu.memory_space<hbm>>
      %dma_wait3A_1348 = arith.constant 0 : i32
      %dma_wait3A_1349 = arith.constant 0 : i32
      %dma_wait3A_1350 = tpu.memref_slice %arg6[%dma_wait3A_1337, %dma_wait3A_1348, %dma_wait3A_1349] : memref<4x128x128xf32, #tpu.memory_space<vmem>> -> memref<1x128x128xf32, #tpu.memory_space<vmem>>
      %dma_wait3A_1351 = tpu.memref_squeeze %dma_wait3A_1350 : memref<1x128x128xf32, #tpu.memory_space<vmem>> -> memref<128x128xf32, #tpu.memory_space<vmem>>
      tpu.wait_dma2 semaphore(%arg14 : memref<!tpu.dma_semaphore, #tpu.memory_space<semaphore_mem>>) src(%dma_wait3A_1351 : memref<128x128xf32, #tpu.memory_space<vmem>>) dst(%dma_wait3A_1347 : memref<128x128xf32, #tpu.memory_space<hbm>>)
      %dma_start3A_1352 = arith.constant 0 : i32
      %dma_start3A_1353 = arith.constant 3 : i32
      %dma_start3A_1354 = arith.constant 3 : i32
      %dma_start3A_1355 = arith.constant 0 : i32
      %dma_start3A_1356 = arith.constant 0 : i32
      %dma_start3A_1357 = tpu.memref_slice %arg6[%dma_start3A_1354, %dma_start3A_1355, %dma_start3A_1356] : memref<4x128x128xf32, #tpu.memory_space<vmem>> -> memref<1x128x128xf32, #tpu.memory_space<vmem>>
      %dma_start3A_1358 = tpu.memref_squeeze %dma_start3A_1357 : memref<1x128x128xf32, #tpu.memory_space<vmem>> -> memref<128x128xf32, #tpu.memory_space<vmem>>
      %dma_start3A_1359 = arith.constant 0 : i32
      %dma_start3A_1360 = tpu.memref_slice %arg5[%dma_start3A_1352, %dma_start3A_1353, %dma_start3A_1359] : memref<2x8x128xi32, #tpu.memory_space<vmem>> -> memref<1x1x128xi32, #tpu.memory_space<vmem>>
      %dma_start3A_1361 = tpu.memref_squeeze %dma_start3A_1360 : memref<1x1x128xi32, #tpu.memory_space<vmem>> -> memref<128xi32, #tpu.memory_space<vmem>>
      %dma_start3A_1362 = arith.constant 0 : i32
      %dma_start3A_1363 = arith.constant 0 : i32
      %dma_start3A_1364 = tpu.memref_slice %arg3[%dma_start3A_1362, %dma_start3A_1363] : memref<100000x128xf32, #tpu.memory_space<hbm>> -> memref<100000x128xf32, #tpu.memory_space<hbm>>
      tpu.enqueue_indirect_dma source(%dma_start3A_1364 : memref<100000x128xf32, #tpu.memory_space<hbm>>) target(%dma_start3A_1358 : memref<128x128xf32, #tpu.memory_space<vmem>>) offsets(%dma_start3A_1361 : memref<128xi32, #tpu.memory_space<vmem>>) semaphore(%arg10 : memref<!tpu.dma_semaphore, #tpu.memory_space<semaphore_mem>>)
      %dma_wait3A_1365 = arith.constant 1 : i32
      %dma_wait3A_1366 = arith.constant 0 : i32
      %dma_wait3A_1367 = arith.constant 0 : i32
      %dma_wait3A_1368 = tpu.memref_slice %arg6[%dma_wait3A_1365, %dma_wait3A_1366, %dma_wait3A_1367] : memref<4x128x128xf32, #tpu.memory_space<vmem>> -> memref<1x128x128xf32, #tpu.memory_space<vmem>>
      %dma_wait3A_1369 = tpu.memref_squeeze %dma_wait3A_1368 : memref<1x128x128xf32, #tpu.memory_space<vmem>> -> memref<128x128xf32, #tpu.memory_space<vmem>>
      %dma_wait3A_1370 = arith.constant 0 : i32
      %dma_wait3A_1371 = arith.constant 0 : i32
      %dma_wait3A_1372 = tpu.memref_slice %arg4[%dma_wait3A_1370, %dma_wait3A_1371] : memref<3276800x128xf32, #tpu.memory_space<hbm>> -> memref<128x128xf32, #tpu.memory_space<hbm>>
      %dma_wait3A_1373 = arith.constant 0 : i32
      %dma_wait3A_1374 = arith.constant 0 : i32
      %dma_wait3A_1375 = tpu.memref_slice %arg6[%dma_wait3A_1365, %dma_wait3A_1373, %dma_wait3A_1374] : memref<4x128x128xf32, #tpu.memory_space<vmem>> -> memref<1x128x128xf32, #tpu.memory_space<vmem>>
      %dma_wait3A_1376 = tpu.memref_squeeze %dma_wait3A_1375 : memref<1x128x128xf32, #tpu.memory_space<vmem>> -> memref<128x128xf32, #tpu.memory_space<vmem>>
      %dma_wait3A_1377 = arith.constant 0 : i32
      %dma_wait3A_1378 = arith.constant 0 : i32
      %dma_wait3A_1379 = tpu.memref_slice %arg4[%dma_wait3A_1377, %dma_wait3A_1378] : memref<3276800x128xf32, #tpu.memory_space<hbm>> -> memref<128x128xf32, #tpu.memory_space<hbm>>
      tpu.wait_dma2 semaphore(%arg8 : memref<!tpu.dma_semaphore, #tpu.memory_space<semaphore_mem>>) src(%dma_wait3A_1379 : memref<128x128xf32, #tpu.memory_space<hbm>>) dst(%dma_wait3A_1376 : memref<128x128xf32, #tpu.memory_space<vmem>>)
      %add3A_1380 = arith.constant 3 : i32
      %add3A_1381 = arith.addi %add3A_1113, %add3A_1380 : i32
      %sub3A_1382 = arith.constant 2 : i32
      %sub3A_1383 = arith.subi %add3A_1381, %sub3A_1382 : i32
      %mul3A_1384 = arith.constant 128 : i32
      %mul3A_1385 = arith.muli %sub3A_1383, %mul3A_1384 : i32
      %multiple_of3A_1386 = tpu.assume_multiple %mul3A_1385, 128 : i32
      %dma_start3A_1387 = arith.constant 1 : i32
      %dma_start3A_1388 = arith.constant 0 : i32
      %dma_start3A_1389 = arith.constant 0 : i32
      %dma_start3A_1390 = tpu.memref_slice %arg6[%dma_start3A_1387, %dma_start3A_1388, %dma_start3A_1389] : memref<4x128x128xf32, #tpu.memory_space<vmem>> -> memref<1x128x128xf32, #tpu.memory_space<vmem>>
      %dma_start3A_1391 = tpu.memref_squeeze %dma_start3A_1390 : memref<1x128x128xf32, #tpu.memory_space<vmem>> -> memref<128x128xf32, #tpu.memory_space<vmem>>
      %dma_start3A_1392 = arith.constant 0 : i32
      %dma_start3A_1393 = tpu.memref_slice %arg4[%multiple_of3A_1386, %dma_start3A_1392] : memref<3276800x128xf32, #tpu.memory_space<hbm>> -> memref<128x128xf32, #tpu.memory_space<hbm>>
      %dma_start3A_1394 = arith.constant 0 : i32
      %dma_start3A_1395 = tpu.memref_slice %arg4[%multiple_of3A_1386, %dma_start3A_1394] : memref<3276800x128xf32, #tpu.memory_space<hbm>> -> memref<128x128xf32, #tpu.memory_space<hbm>>
      %dma_start3A_1396 = arith.constant 0 : i32
      %dma_start3A_1397 = arith.constant 0 : i32
      %dma_start3A_1398 = tpu.memref_slice %arg6[%dma_start3A_1387, %dma_start3A_1396, %dma_start3A_1397] : memref<4x128x128xf32, #tpu.memory_space<vmem>> -> memref<1x128x128xf32, #tpu.memory_space<vmem>>
      %dma_start3A_1399 = tpu.memref_squeeze %dma_start3A_1398 : memref<1x128x128xf32, #tpu.memory_space<vmem>> -> memref<128x128xf32, #tpu.memory_space<vmem>>
      tpu.enqueue_dma source(%dma_start3A_1399 : memref<128x128xf32, #tpu.memory_space<vmem>>) target(%dma_start3A_1395 : memref<128x128xf32, #tpu.memory_space<hbm>>) target_semaphore(%arg12 : memref<!tpu.dma_semaphore, #tpu.memory_space<semaphore_mem>>)
      %dma_wait3A_1400 = arith.constant 0 : i32
      %dma_wait3A_1401 = arith.constant 0 : i32
      %dma_wait3A_1402 = arith.constant 0 : i32
      %dma_wait3A_1403 = tpu.memref_slice %arg6[%dma_wait3A_1400, %dma_wait3A_1401, %dma_wait3A_1402] : memref<4x128x128xf32, #tpu.memory_space<vmem>> -> memref<1x128x128xf32, #tpu.memory_space<vmem>>
      %dma_wait3A_1404 = tpu.memref_squeeze %dma_wait3A_1403 : memref<1x128x128xf32, #tpu.memory_space<vmem>> -> memref<128x128xf32, #tpu.memory_space<vmem>>
      %dma_wait3A_1405 = arith.constant 0 : i32
      %dma_wait3A_1406 = arith.constant 0 : i32
      %dma_wait3A_1407 = tpu.memref_slice %arg4[%dma_wait3A_1405, %dma_wait3A_1406] : memref<3276800x128xf32, #tpu.memory_space<hbm>> -> memref<128x128xf32, #tpu.memory_space<hbm>>
      %dma_wait3A_1408 = arith.constant 0 : i32
      %dma_wait3A_1409 = arith.constant 0 : i32
      %dma_wait3A_1410 = tpu.memref_slice %arg4[%dma_wait3A_1408, %dma_wait3A_1409] : memref<3276800x128xf32, #tpu.memory_space<hbm>> -> memref<128x128xf32, #tpu.memory_space<hbm>>
      %dma_wait3A_1411 = arith.constant 0 : i32
      %dma_wait3A_1412 = arith.constant 0 : i32
      %dma_wait3A_1413 = tpu.memref_slice %arg6[%dma_wait3A_1400, %dma_wait3A_1411, %dma_wait3A_1412] : memref<4x128x128xf32, #tpu.memory_space<vmem>> -> memref<1x128x128xf32, #tpu.memory_space<vmem>>
      %dma_wait3A_1414 = tpu.memref_squeeze %dma_wait3A_1413 : memref<1x128x128xf32, #tpu.memory_space<vmem>> -> memref<128x128xf32, #tpu.memory_space<vmem>>
      tpu.wait_dma2 semaphore(%arg11 : memref<!tpu.dma_semaphore, #tpu.memory_space<semaphore_mem>>) src(%dma_wait3A_1414 : memref<128x128xf32, #tpu.memory_space<vmem>>) dst(%dma_wait3A_1410 : memref<128x128xf32, #tpu.memory_space<hbm>>)
      %dma_start3A_1415 = arith.constant 0 : i32
      %dma_start3A_1416 = arith.constant 4 : i32
      %dma_start3A_1417 = arith.constant 0 : i32
      %dma_start3A_1418 = arith.constant 0 : i32
      %dma_start3A_1419 = arith.constant 0 : i32
      %dma_start3A_1420 = tpu.memref_slice %arg6[%dma_start3A_1417, %dma_start3A_1418, %dma_start3A_1419] : memref<4x128x128xf32, #tpu.memory_space<vmem>> -> memref<1x128x128xf32, #tpu.memory_space<vmem>>
      %dma_start3A_1421 = tpu.memref_squeeze %dma_start3A_1420 : memref<1x128x128xf32, #tpu.memory_space<vmem>> -> memref<128x128xf32, #tpu.memory_space<vmem>>
      %dma_start3A_1422 = arith.constant 0 : i32
      %dma_start3A_1423 = tpu.memref_slice %arg5[%dma_start3A_1415, %dma_start3A_1416, %dma_start3A_1422] : memref<2x8x128xi32, #tpu.memory_space<vmem>> -> memref<1x1x128xi32, #tpu.memory_space<vmem>>
      %dma_start3A_1424 = tpu.memref_squeeze %dma_start3A_1423 : memref<1x1x128xi32, #tpu.memory_space<vmem>> -> memref<128xi32, #tpu.memory_space<vmem>>
      %dma_start3A_1425 = arith.constant 0 : i32
      %dma_start3A_1426 = arith.constant 0 : i32
      %dma_start3A_1427 = tpu.memref_slice %arg3[%dma_start3A_1425, %dma_start3A_1426] : memref<100000x128xf32, #tpu.memory_space<hbm>> -> memref<100000x128xf32, #tpu.memory_space<hbm>>
      tpu.enqueue_indirect_dma source(%dma_start3A_1427 : memref<100000x128xf32, #tpu.memory_space<hbm>>) target(%dma_start3A_1421 : memref<128x128xf32, #tpu.memory_space<vmem>>) offsets(%dma_start3A_1424 : memref<128xi32, #tpu.memory_space<vmem>>) semaphore(%arg7 : memref<!tpu.dma_semaphore, #tpu.memory_space<semaphore_mem>>)
      %dma_wait3A_1428 = arith.constant 2 : i32
      %dma_wait3A_1429 = arith.constant 0 : i32
      %dma_wait3A_1430 = arith.constant 0 : i32
      %dma_wait3A_1431 = tpu.memref_slice %arg6[%dma_wait3A_1428, %dma_wait3A_1429, %dma_wait3A_1430] : memref<4x128x128xf32, #tpu.memory_space<vmem>> -> memref<1x128x128xf32, #tpu.memory_space<vmem>>
      %dma_wait3A_1432 = tpu.memref_squeeze %dma_wait3A_1431 : memref<1x128x128xf32, #tpu.memory_space<vmem>> -> memref<128x128xf32, #tpu.memory_space<vmem>>
      %dma_wait3A_1433 = arith.constant 0 : i32
      %dma_wait3A_1434 = arith.constant 0 : i32
      %dma_wait3A_1435 = tpu.memref_slice %arg4[%dma_wait3A_1433, %dma_wait3A_1434] : memref<3276800x128xf32, #tpu.memory_space<hbm>> -> memref<128x128xf32, #tpu.memory_space<hbm>>
      %dma_wait3A_1436 = arith.constant 0 : i32
      %dma_wait3A_1437 = arith.constant 0 : i32
      %dma_wait3A_1438 = tpu.memref_slice %arg6[%dma_wait3A_1428, %dma_wait3A_1436, %dma_wait3A_1437] : memref<4x128x128xf32, #tpu.memory_space<vmem>> -> memref<1x128x128xf32, #tpu.memory_space<vmem>>
      %dma_wait3A_1439 = tpu.memref_squeeze %dma_wait3A_1438 : memref<1x128x128xf32, #tpu.memory_space<vmem>> -> memref<128x128xf32, #tpu.memory_space<vmem>>
      %dma_wait3A_1440 = arith.constant 0 : i32
      %dma_wait3A_1441 = arith.constant 0 : i32
      %dma_wait3A_1442 = tpu.memref_slice %arg4[%dma_wait3A_1440, %dma_wait3A_1441] : memref<3276800x128xf32, #tpu.memory_space<hbm>> -> memref<128x128xf32, #tpu.memory_space<hbm>>
      tpu.wait_dma2 semaphore(%arg9 : memref<!tpu.dma_semaphore, #tpu.memory_space<semaphore_mem>>) src(%dma_wait3A_1442 : memref<128x128xf32, #tpu.memory_space<hbm>>) dst(%dma_wait3A_1439 : memref<128x128xf32, #tpu.memory_space<vmem>>)
      %add3A_1443 = arith.constant 4 : i32
      %add3A_1444 = arith.addi %add3A_1113, %add3A_1443 : i32
      %sub3A_1445 = arith.constant 2 : i32
      %sub3A_1446 = arith.subi %add3A_1444, %sub3A_1445 : i32
      %mul3A_1447 = arith.constant 128 : i32
      %mul3A_1448 = arith.muli %sub3A_1446, %mul3A_1447 : i32
      %multiple_of3A_1449 = tpu.assume_multiple %mul3A_1448, 128 : i32
      %dma_start3A_1450 = arith.constant 2 : i32
      %dma_start3A_1451 = arith.constant 0 : i32
      %dma_start3A_1452 = arith.constant 0 : i32
      %dma_start3A_1453 = tpu.memref_slice %arg6[%dma_start3A_1450, %dma_start3A_1451, %dma_start3A_1452] : memref<4x128x128xf32, #tpu.memory_space<vmem>> -> memref<1x128x128xf32, #tpu.memory_space<vmem>>
      %dma_start3A_1454 = tpu.memref_squeeze %dma_start3A_1453 : memref<1x128x128xf32, #tpu.memory_space<vmem>> -> memref<128x128xf32, #tpu.memory_space<vmem>>
      %dma_start3A_1455 = arith.constant 0 : i32
      %dma_start3A_1456 = tpu.memref_slice %arg4[%multiple_of3A_1449, %dma_start3A_1455] : memref<3276800x128xf32, #tpu.memory_space<hbm>> -> memref<128x128xf32, #tpu.memory_space<hbm>>
      %dma_start3A_1457 = arith.constant 0 : i32
      %dma_start3A_1458 = tpu.memref_slice %arg4[%multiple_of3A_1449, %dma_start3A_1457] : memref<3276800x128xf32, #tpu.memory_space<hbm>> -> memref<128x128xf32, #tpu.memory_space<hbm>>
      %dma_start3A_1459 = arith.constant 0 : i32
      %dma_start3A_1460 = arith.constant 0 : i32
      %dma_start3A_1461 = tpu.memref_slice %arg6[%dma_start3A_1450, %dma_start3A_1459, %dma_start3A_1460] : memref<4x128x128xf32, #tpu.memory_space<vmem>> -> memref<1x128x128xf32, #tpu.memory_space<vmem>>
      %dma_start3A_1462 = tpu.memref_squeeze %dma_start3A_1461 : memref<1x128x128xf32, #tpu.memory_space<vmem>> -> memref<128x128xf32, #tpu.memory_space<vmem>>
      tpu.enqueue_dma source(%dma_start3A_1462 : memref<128x128xf32, #tpu.memory_space<vmem>>) target(%dma_start3A_1458 : memref<128x128xf32, #tpu.memory_space<hbm>>) target_semaphore(%arg13 : memref<!tpu.dma_semaphore, #tpu.memory_space<semaphore_mem>>)
      %dma_wait3A_1463 = arith.constant 1 : i32
      %dma_wait3A_1464 = arith.constant 0 : i32
      %dma_wait3A_1465 = arith.constant 0 : i32
      %dma_wait3A_1466 = tpu.memref_slice %arg6[%dma_wait3A_1463, %dma_wait3A_1464, %dma_wait3A_1465] : memref<4x128x128xf32, #tpu.memory_space<vmem>> -> memref<1x128x128xf32, #tpu.memory_space<vmem>>
      %dma_wait3A_1467 = tpu.memref_squeeze %dma_wait3A_1466 : memref<1x128x128xf32, #tpu.memory_space<vmem>> -> memref<128x128xf32, #tpu.memory_space<vmem>>
      %dma_wait3A_1468 = arith.constant 0 : i32
      %dma_wait3A_1469 = arith.constant 0 : i32
      %dma_wait3A_1470 = tpu.memref_slice %arg4[%dma_wait3A_1468, %dma_wait3A_1469] : memref<3276800x128xf32, #tpu.memory_space<hbm>> -> memref<128x128xf32, #tpu.memory_space<hbm>>
      %dma_wait3A_1471 = arith.constant 0 : i32
      %dma_wait3A_1472 = arith.constant 0 : i32
      %dma_wait3A_1473 = tpu.memref_slice %arg4[%dma_wait3A_1471, %dma_wait3A_1472] : memref<3276800x128xf32, #tpu.memory_space<hbm>> -> memref<128x128xf32, #tpu.memory_space<hbm>>
      %dma_wait3A_1474 = arith.constant 0 : i32
      %dma_wait3A_1475 = arith.constant 0 : i32
      %dma_wait3A_1476 = tpu.memref_slice %arg6[%dma_wait3A_1463, %dma_wait3A_1474, %dma_wait3A_1475] : memref<4x128x128xf32, #tpu.memory_space<vmem>> -> memref<1x128x128xf32, #tpu.memory_space<vmem>>
      %dma_wait3A_1477 = tpu.memref_squeeze %dma_wait3A_1476 : memref<1x128x128xf32, #tpu.memory_space<vmem>> -> memref<128x128xf32, #tpu.memory_space<vmem>>
      tpu.wait_dma2 semaphore(%arg12 : memref<!tpu.dma_semaphore, #tpu.memory_space<semaphore_mem>>) src(%dma_wait3A_1477 : memref<128x128xf32, #tpu.memory_space<vmem>>) dst(%dma_wait3A_1473 : memref<128x128xf32, #tpu.memory_space<hbm>>)
      %dma_start3A_1478 = arith.constant 0 : i32
      %dma_start3A_1479 = arith.constant 5 : i32
      %dma_start3A_1480 = arith.constant 1 : i32
      %dma_start3A_1481 = arith.constant 0 : i32
      %dma_start3A_1482 = arith.constant 0 : i32
      %dma_start3A_1483 = tpu.memref_slice %arg6[%dma_start3A_1480, %dma_start3A_1481, %dma_start3A_1482] : memref<4x128x128xf32, #tpu.memory_space<vmem>> -> memref<1x128x128xf32, #tpu.memory_space<vmem>>
      %dma_start3A_1484 = tpu.memref_squeeze %dma_start3A_1483 : memref<1x128x128xf32, #tpu.memory_space<vmem>> -> memref<128x128xf32, #tpu.memory_space<vmem>>
      %dma_start3A_1485 = arith.constant 0 : i32
      %dma_start3A_1486 = tpu.memref_slice %arg5[%dma_start3A_1478, %dma_start3A_1479, %dma_start3A_1485] : memref<2x8x128xi32, #tpu.memory_space<vmem>> -> memref<1x1x128xi32, #tpu.memory_space<vmem>>
      %dma_start3A_1487 = tpu.memref_squeeze %dma_start3A_1486 : memref<1x1x128xi32, #tpu.memory_space<vmem>> -> memref<128xi32, #tpu.memory_space<vmem>>
      %dma_start3A_1488 = arith.constant 0 : i32
      %dma_start3A_1489 = arith.constant 0 : i32
      %dma_start3A_1490 = tpu.memref_slice %arg3[%dma_start3A_1488, %dma_start3A_1489] : memref<100000x128xf32, #tpu.memory_space<hbm>> -> memref<100000x128xf32, #tpu.memory_space<hbm>>
      tpu.enqueue_indirect_dma source(%dma_start3A_1490 : memref<100000x128xf32, #tpu.memory_space<hbm>>) target(%dma_start3A_1484 : memref<128x128xf32, #tpu.memory_space<vmem>>) offsets(%dma_start3A_1487 : memref<128xi32, #tpu.memory_space<vmem>>) semaphore(%arg8 : memref<!tpu.dma_semaphore, #tpu.memory_space<semaphore_mem>>)
      %dma_wait3A_1491 = arith.constant 3 : i32
      %dma_wait3A_1492 = arith.constant 0 : i32
      %dma_wait3A_1493 = arith.constant 0 : i32
      %dma_wait3A_1494 = tpu.memref_slice %arg6[%dma_wait3A_1491, %dma_wait3A_1492, %dma_wait3A_1493] : memref<4x128x128xf32, #tpu.memory_space<vmem>> -> memref<1x128x128xf32, #tpu.memory_space<vmem>>
      %dma_wait3A_1495 = tpu.memref_squeeze %dma_wait3A_1494 : memref<1x128x128xf32, #tpu.memory_space<vmem>> -> memref<128x128xf32, #tpu.memory_space<vmem>>
      %dma_wait3A_1496 = arith.constant 0 : i32
      %dma_wait3A_1497 = arith.constant 0 : i32
      %dma_wait3A_1498 = tpu.memref_slice %arg4[%dma_wait3A_1496, %dma_wait3A_1497] : memref<3276800x128xf32, #tpu.memory_space<hbm>> -> memref<128x128xf32, #tpu.memory_space<hbm>>
      %dma_wait3A_1499 = arith.constant 0 : i32
      %dma_wait3A_1500 = arith.constant 0 : i32
      %dma_wait3A_1501 = tpu.memref_slice %arg6[%dma_wait3A_1491, %dma_wait3A_1499, %dma_wait3A_1500] : memref<4x128x128xf32, #tpu.memory_space<vmem>> -> memref<1x128x128xf32, #tpu.memory_space<vmem>>
      %dma_wait3A_1502 = tpu.memref_squeeze %dma_wait3A_1501 : memref<1x128x128xf32, #tpu.memory_space<vmem>> -> memref<128x128xf32, #tpu.memory_space<vmem>>
      %dma_wait3A_1503 = arith.constant 0 : i32
      %dma_wait3A_1504 = arith.constant 0 : i32
      %dma_wait3A_1505 = tpu.memref_slice %arg4[%dma_wait3A_1503, %dma_wait3A_1504] : memref<3276800x128xf32, #tpu.memory_space<hbm>> -> memref<128x128xf32, #tpu.memory_space<hbm>>
      tpu.wait_dma2 semaphore(%arg10 : memref<!tpu.dma_semaphore, #tpu.memory_space<semaphore_mem>>) src(%dma_wait3A_1505 : memref<128x128xf32, #tpu.memory_space<hbm>>) dst(%dma_wait3A_1502 : memref<128x128xf32, #tpu.memory_space<vmem>>)
      %add3A_1506 = arith.constant 5 : i32
      %add3A_1507 = arith.addi %add3A_1113, %add3A_1506 : i32
      %sub3A_1508 = arith.constant 2 : i32
      %sub3A_1509 = arith.subi %add3A_1507, %sub3A_1508 : i32
      %mul3A_1510 = arith.constant 128 : i32
      %mul3A_1511 = arith.muli %sub3A_1509, %mul3A_1510 : i32
      %multiple_of3A_1512 = tpu.assume_multiple %mul3A_1511, 128 : i32
      %dma_start3A_1513 = arith.constant 3 : i32
      %dma_start3A_1514 = arith.constant 0 : i32
      %dma_start3A_1515 = arith.constant 0 : i32
      %dma_start3A_1516 = tpu.memref_slice %arg6[%dma_start3A_1513, %dma_start3A_1514, %dma_start3A_1515] : memref<4x128x128xf32, #tpu.memory_space<vmem>> -> memref<1x128x128xf32, #tpu.memory_space<vmem>>
      %dma_start3A_1517 = tpu.memref_squeeze %dma_start3A_1516 : memref<1x128x128xf32, #tpu.memory_space<vmem>> -> memref<128x128xf32, #tpu.memory_space<vmem>>
      %dma_start3A_1518 = arith.constant 0 : i32
      %dma_start3A_1519 = tpu.memref_slice %arg4[%multiple_of3A_1512, %dma_start3A_1518] : memref<3276800x128xf32, #tpu.memory_space<hbm>> -> memref<128x128xf32, #tpu.memory_space<hbm>>
      %dma_start3A_1520 = arith.constant 0 : i32
      %dma_start3A_1521 = tpu.memref_slice %arg4[%multiple_of3A_1512, %dma_start3A_1520] : memref<3276800x128xf32, #tpu.memory_space<hbm>> -> memref<128x128xf32, #tpu.memory_space<hbm>>
      %dma_start3A_1522 = arith.constant 0 : i32
      %dma_start3A_1523 = arith.constant 0 : i32
      %dma_start3A_1524 = tpu.memref_slice %arg6[%dma_start3A_1513, %dma_start3A_1522, %dma_start3A_1523] : memref<4x128x128xf32, #tpu.memory_space<vmem>> -> memref<1x128x128xf32, #tpu.memory_space<vmem>>
      %dma_start3A_1525 = tpu.memref_squeeze %dma_start3A_1524 : memref<1x128x128xf32, #tpu.memory_space<vmem>> -> memref<128x128xf32, #tpu.memory_space<vmem>>
      tpu.enqueue_dma source(%dma_start3A_1525 : memref<128x128xf32, #tpu.memory_space<vmem>>) target(%dma_start3A_1521 : memref<128x128xf32, #tpu.memory_space<hbm>>) target_semaphore(%arg14 : memref<!tpu.dma_semaphore, #tpu.memory_space<semaphore_mem>>)
      %dma_wait3A_1526 = arith.constant 2 : i32
      %dma_wait3A_1527 = arith.constant 0 : i32
      %dma_wait3A_1528 = arith.constant 0 : i32
      %dma_wait3A_1529 = tpu.memref_slice %arg6[%dma_wait3A_1526, %dma_wait3A_1527, %dma_wait3A_1528] : memref<4x128x128xf32, #tpu.memory_space<vmem>> -> memref<1x128x128xf32, #tpu.memory_space<vmem>>
      %dma_wait3A_1530 = tpu.memref_squeeze %dma_wait3A_1529 : memref<1x128x128xf32, #tpu.memory_space<vmem>> -> memref<128x128xf32, #tpu.memory_space<vmem>>
      %dma_wait3A_1531 = arith.constant 0 : i32
      %dma_wait3A_1532 = arith.constant 0 : i32
      %dma_wait3A_1533 = tpu.memref_slice %arg4[%dma_wait3A_1531, %dma_wait3A_1532] : memref<3276800x128xf32, #tpu.memory_space<hbm>> -> memref<128x128xf32, #tpu.memory_space<hbm>>
      %dma_wait3A_1534 = arith.constant 0 : i32
      %dma_wait3A_1535 = arith.constant 0 : i32
      %dma_wait3A_1536 = tpu.memref_slice %arg4[%dma_wait3A_1534, %dma_wait3A_1535] : memref<3276800x128xf32, #tpu.memory_space<hbm>> -> memref<128x128xf32, #tpu.memory_space<hbm>>
      %dma_wait3A_1537 = arith.constant 0 : i32
      %dma_wait3A_1538 = arith.constant 0 : i32
      %dma_wait3A_1539 = tpu.memref_slice %arg6[%dma_wait3A_1526, %dma_wait3A_1537, %dma_wait3A_1538] : memref<4x128x128xf32, #tpu.memory_space<vmem>> -> memref<1x128x128xf32, #tpu.memory_space<vmem>>
      %dma_wait3A_1540 = tpu.memref_squeeze %dma_wait3A_1539 : memref<1x128x128xf32, #tpu.memory_space<vmem>> -> memref<128x128xf32, #tpu.memory_space<vmem>>
      tpu.wait_dma2 semaphore(%arg13 : memref<!tpu.dma_semaphore, #tpu.memory_space<semaphore_mem>>) src(%dma_wait3A_1540 : memref<128x128xf32, #tpu.memory_space<vmem>>) dst(%dma_wait3A_1536 : memref<128x128xf32, #tpu.memory_space<hbm>>)
      %dma_start3A_1541 = arith.constant 0 : i32
      %dma_start3A_1542 = arith.constant 6 : i32
      %dma_start3A_1543 = arith.constant 2 : i32
      %dma_start3A_1544 = arith.constant 0 : i32
      %dma_start3A_1545 = arith.constant 0 : i32
      %dma_start3A_1546 = tpu.memref_slice %arg6[%dma_start3A_1543, %dma_start3A_1544, %dma_start3A_1545] : memref<4x128x128xf32, #tpu.memory_space<vmem>> -> memref<1x128x128xf32, #tpu.memory_space<vmem>>
      %dma_start3A_1547 = tpu.memref_squeeze %dma_start3A_1546 : memref<1x128x128xf32, #tpu.memory_space<vmem>> -> memref<128x128xf32, #tpu.memory_space<vmem>>
      %dma_start3A_1548 = arith.constant 0 : i32
      %dma_start3A_1549 = tpu.memref_slice %arg5[%dma_start3A_1541, %dma_start3A_1542, %dma_start3A_1548] : memref<2x8x128xi32, #tpu.memory_space<vmem>> -> memref<1x1x128xi32, #tpu.memory_space<vmem>>
      %dma_start3A_1550 = tpu.memref_squeeze %dma_start3A_1549 : memref<1x1x128xi32, #tpu.memory_space<vmem>> -> memref<128xi32, #tpu.memory_space<vmem>>
      %dma_start3A_1551 = arith.constant 0 : i32
      %dma_start3A_1552 = arith.constant 0 : i32
      %dma_start3A_1553 = tpu.memref_slice %arg3[%dma_start3A_1551, %dma_start3A_1552] : memref<100000x128xf32, #tpu.memory_space<hbm>> -> memref<100000x128xf32, #tpu.memory_space<hbm>>
      tpu.enqueue_indirect_dma source(%dma_start3A_1553 : memref<100000x128xf32, #tpu.memory_space<hbm>>) target(%dma_start3A_1547 : memref<128x128xf32, #tpu.memory_space<vmem>>) offsets(%dma_start3A_1550 : memref<128xi32, #tpu.memory_space<vmem>>) semaphore(%arg9 : memref<!tpu.dma_semaphore, #tpu.memory_space<semaphore_mem>>)
      %dma_wait3A_1554 = arith.constant 0 : i32
      %dma_wait3A_1555 = arith.constant 0 : i32
      %dma_wait3A_1556 = arith.constant 0 : i32
      %dma_wait3A_1557 = tpu.memref_slice %arg6[%dma_wait3A_1554, %dma_wait3A_1555, %dma_wait3A_1556] : memref<4x128x128xf32, #tpu.memory_space<vmem>> -> memref<1x128x128xf32, #tpu.memory_space<vmem>>
      %dma_wait3A_1558 = tpu.memref_squeeze %dma_wait3A_1557 : memref<1x128x128xf32, #tpu.memory_space<vmem>> -> memref<128x128xf32, #tpu.memory_space<vmem>>
      %dma_wait3A_1559 = arith.constant 0 : i32
      %dma_wait3A_1560 = arith.constant 0 : i32
      %dma_wait3A_1561 = tpu.memref_slice %arg4[%dma_wait3A_1559, %dma_wait3A_1560] : memref<3276800x128xf32, #tpu.memory_space<hbm>> -> memref<128x128xf32, #tpu.memory_space<hbm>>
      %dma_wait3A_1562 = arith.constant 0 : i32
      %dma_wait3A_1563 = arith.constant 0 : i32
      %dma_wait3A_1564 = tpu.memref_slice %arg6[%dma_wait3A_1554, %dma_wait3A_1562, %dma_wait3A_1563] : memref<4x128x128xf32, #tpu.memory_space<vmem>> -> memref<1x128x128xf32, #tpu.memory_space<vmem>>
      %dma_wait3A_1565 = tpu.memref_squeeze %dma_wait3A_1564 : memref<1x128x128xf32, #tpu.memory_space<vmem>> -> memref<128x128xf32, #tpu.memory_space<vmem>>
      %dma_wait3A_1566 = arith.constant 0 : i32
      %dma_wait3A_1567 = arith.constant 0 : i32
      %dma_wait3A_1568 = tpu.memref_slice %arg4[%dma_wait3A_1566, %dma_wait3A_1567] : memref<3276800x128xf32, #tpu.memory_space<hbm>> -> memref<128x128xf32, #tpu.memory_space<hbm>>
      tpu.wait_dma2 semaphore(%arg7 : memref<!tpu.dma_semaphore, #tpu.memory_space<semaphore_mem>>) src(%dma_wait3A_1568 : memref<128x128xf32, #tpu.memory_space<hbm>>) dst(%dma_wait3A_1565 : memref<128x128xf32, #tpu.memory_space<vmem>>)
      %add3A_1569 = arith.constant 6 : i32
      %add3A_1570 = arith.addi %add3A_1113, %add3A_1569 : i32
      %sub3A_1571 = arith.constant 2 : i32
      %sub3A_1572 = arith.subi %add3A_1570, %sub3A_1571 : i32
      %mul3A_1573 = arith.constant 128 : i32
      %mul3A_1574 = arith.muli %sub3A_1572, %mul3A_1573 : i32
      %multiple_of3A_1575 = tpu.assume_multiple %mul3A_1574, 128 : i32
      %dma_start3A_1576 = arith.constant 0 : i32
      %dma_start3A_1577 = arith.constant 0 : i32
      %dma_start3A_1578 = arith.constant 0 : i32
      %dma_start3A_1579 = tpu.memref_slice %arg6[%dma_start3A_1576, %dma_start3A_1577, %dma_start3A_1578] : memref<4x128x128xf32, #tpu.memory_space<vmem>> -> memref<1x128x128xf32, #tpu.memory_space<vmem>>
      %dma_start3A_1580 = tpu.memref_squeeze %dma_start3A_1579 : memref<1x128x128xf32, #tpu.memory_space<vmem>> -> memref<128x128xf32, #tpu.memory_space<vmem>>
      %dma_start3A_1581 = arith.constant 0 : i32
      %dma_start3A_1582 = tpu.memref_slice %arg4[%multiple_of3A_1575, %dma_start3A_1581] : memref<3276800x128xf32, #tpu.memory_space<hbm>> -> memref<128x128xf32, #tpu.memory_space<hbm>>
      %dma_start3A_1583 = arith.constant 0 : i32
      %dma_start3A_1584 = tpu.memref_slice %arg4[%multiple_of3A_1575, %dma_start3A_1583] : memref<3276800x128xf32, #tpu.memory_space<hbm>> -> memref<128x128xf32, #tpu.memory_space<hbm>>
      %dma_start3A_1585 = arith.constant 0 : i32
      %dma_start3A_1586 = arith.constant 0 : i32
      %dma_start3A_1587 = tpu.memref_slice %arg6[%dma_start3A_1576, %dma_start3A_1585, %dma_start3A_1586] : memref<4x128x128xf32, #tpu.memory_space<vmem>> -> memref<1x128x128xf32, #tpu.memory_space<vmem>>
      %dma_start3A_1588 = tpu.memref_squeeze %dma_start3A_1587 : memref<1x128x128xf32, #tpu.memory_space<vmem>> -> memref<128x128xf32, #tpu.memory_space<vmem>>
      tpu.enqueue_dma source(%dma_start3A_1588 : memref<128x128xf32, #tpu.memory_space<vmem>>) target(%dma_start3A_1584 : memref<128x128xf32, #tpu.memory_space<hbm>>) target_semaphore(%arg11 : memref<!tpu.dma_semaphore, #tpu.memory_space<semaphore_mem>>)
      %dma_wait3A_1589 = arith.constant 3 : i32
      %dma_wait3A_1590 = arith.constant 0 : i32
      %dma_wait3A_1591 = arith.constant 0 : i32
      %dma_wait3A_1592 = tpu.memref_slice %arg6[%dma_wait3A_1589, %dma_wait3A_1590, %dma_wait3A_1591] : memref<4x128x128xf32, #tpu.memory_space<vmem>> -> memref<1x128x128xf32, #tpu.memory_space<vmem>>
      %dma_wait3A_1593 = tpu.memref_squeeze %dma_wait3A_1592 : memref<1x128x128xf32, #tpu.memory_space<vmem>> -> memref<128x128xf32, #tpu.memory_space<vmem>>
      %dma_wait3A_1594 = arith.constant 0 : i32
      %dma_wait3A_1595 = arith.constant 0 : i32
      %dma_wait3A_1596 = tpu.memref_slice %arg4[%dma_wait3A_1594, %dma_wait3A_1595] : memref<3276800x128xf32, #tpu.memory_space<hbm>> -> memref<128x128xf32, #tpu.memory_space<hbm>>
      %dma_wait3A_1597 = arith.constant 0 : i32
      %dma_wait3A_1598 = arith.constant 0 : i32
      %dma_wait3A_1599 = tpu.memref_slice %arg4[%dma_wait3A_1597, %dma_wait3A_1598] : memref<3276800x128xf32, #tpu.memory_space<hbm>> -> memref<128x128xf32, #tpu.memory_space<hbm>>
      %dma_wait3A_1600 = arith.constant 0 : i32
      %dma_wait3A_1601 = arith.constant 0 : i32
      %dma_wait3A_1602 = tpu.memref_slice %arg6[%dma_wait3A_1589, %dma_wait3A_1600, %dma_wait3A_1601] : memref<4x128x128xf32, #tpu.memory_space<vmem>> -> memref<1x128x128xf32, #tpu.memory_space<vmem>>
      %dma_wait3A_1603 = tpu.memref_squeeze %dma_wait3A_1602 : memref<1x128x128xf32, #tpu.memory_space<vmem>> -> memref<128x128xf32, #tpu.memory_space<vmem>>
      tpu.wait_dma2 semaphore(%arg14 : memref<!tpu.dma_semaphore, #tpu.memory_space<semaphore_mem>>) src(%dma_wait3A_1603 : memref<128x128xf32, #tpu.memory_space<vmem>>) dst(%dma_wait3A_1599 : memref<128x128xf32, #tpu.memory_space<hbm>>)
      %dma_start3A_1604 = arith.constant 0 : i32
      %dma_start3A_1605 = arith.constant 7 : i32
      %dma_start3A_1606 = arith.constant 3 : i32
      %dma_start3A_1607 = arith.constant 0 : i32
      %dma_start3A_1608 = arith.constant 0 : i32
      %dma_start3A_1609 = tpu.memref_slice %arg6[%dma_start3A_1606, %dma_start3A_1607, %dma_start3A_1608] : memref<4x128x128xf32, #tpu.memory_space<vmem>> -> memref<1x128x128xf32, #tpu.memory_space<vmem>>
      %dma_start3A_1610 = tpu.memref_squeeze %dma_start3A_1609 : memref<1x128x128xf32, #tpu.memory_space<vmem>> -> memref<128x128xf32, #tpu.memory_space<vmem>>
      %dma_start3A_1611 = arith.constant 0 : i32
      %dma_start3A_1612 = tpu.memref_slice %arg5[%dma_start3A_1604, %dma_start3A_1605, %dma_start3A_1611] : memref<2x8x128xi32, #tpu.memory_space<vmem>> -> memref<1x1x128xi32, #tpu.memory_space<vmem>>
      %dma_start3A_1613 = tpu.memref_squeeze %dma_start3A_1612 : memref<1x1x128xi32, #tpu.memory_space<vmem>> -> memref<128xi32, #tpu.memory_space<vmem>>
      %dma_start3A_1614 = arith.constant 0 : i32
      %dma_start3A_1615 = arith.constant 0 : i32
      %dma_start3A_1616 = tpu.memref_slice %arg3[%dma_start3A_1614, %dma_start3A_1615] : memref<100000x128xf32, #tpu.memory_space<hbm>> -> memref<100000x128xf32, #tpu.memory_space<hbm>>
      tpu.enqueue_indirect_dma source(%dma_start3A_1616 : memref<100000x128xf32, #tpu.memory_space<hbm>>) target(%dma_start3A_1610 : memref<128x128xf32, #tpu.memory_space<vmem>>) offsets(%dma_start3A_1613 : memref<128xi32, #tpu.memory_space<vmem>>) semaphore(%arg10 : memref<!tpu.dma_semaphore, #tpu.memory_space<semaphore_mem>>)
      %dma_wait3A_1617 = arith.constant 1 : i32
      %dma_wait3A_1618 = arith.constant 0 : i32
      %dma_wait3A_1619 = arith.constant 0 : i32
      %dma_wait3A_1620 = tpu.memref_slice %arg6[%dma_wait3A_1617, %dma_wait3A_1618, %dma_wait3A_1619] : memref<4x128x128xf32, #tpu.memory_space<vmem>> -> memref<1x128x128xf32, #tpu.memory_space<vmem>>
      %dma_wait3A_1621 = tpu.memref_squeeze %dma_wait3A_1620 : memref<1x128x128xf32, #tpu.memory_space<vmem>> -> memref<128x128xf32, #tpu.memory_space<vmem>>
      %dma_wait3A_1622 = arith.constant 0 : i32
      %dma_wait3A_1623 = arith.constant 0 : i32
      %dma_wait3A_1624 = tpu.memref_slice %arg4[%dma_wait3A_1622, %dma_wait3A_1623] : memref<3276800x128xf32, #tpu.memory_space<hbm>> -> memref<128x128xf32, #tpu.memory_space<hbm>>
      %dma_wait3A_1625 = arith.constant 0 : i32
      %dma_wait3A_1626 = arith.constant 0 : i32
      %dma_wait3A_1627 = tpu.memref_slice %arg6[%dma_wait3A_1617, %dma_wait3A_1625, %dma_wait3A_1626] : memref<4x128x128xf32, #tpu.memory_space<vmem>> -> memref<1x128x128xf32, #tpu.memory_space<vmem>>
      %dma_wait3A_1628 = tpu.memref_squeeze %dma_wait3A_1627 : memref<1x128x128xf32, #tpu.memory_space<vmem>> -> memref<128x128xf32, #tpu.memory_space<vmem>>
      %dma_wait3A_1629 = arith.constant 0 : i32
      %dma_wait3A_1630 = arith.constant 0 : i32
      %dma_wait3A_1631 = tpu.memref_slice %arg4[%dma_wait3A_1629, %dma_wait3A_1630] : memref<3276800x128xf32, #tpu.memory_space<hbm>> -> memref<128x128xf32, #tpu.memory_space<hbm>>
      tpu.wait_dma2 semaphore(%arg8 : memref<!tpu.dma_semaphore, #tpu.memory_space<semaphore_mem>>) src(%dma_wait3A_1631 : memref<128x128xf32, #tpu.memory_space<hbm>>) dst(%dma_wait3A_1628 : memref<128x128xf32, #tpu.memory_space<vmem>>)
      %add3A_1632 = arith.constant 7 : i32
      %add3A_1633 = arith.addi %add3A_1113, %add3A_1632 : i32
      %sub3A_1634 = arith.constant 2 : i32
      %sub3A_1635 = arith.subi %add3A_1633, %sub3A_1634 : i32
      %mul3A_1636 = arith.constant 128 : i32
      %mul3A_1637 = arith.muli %sub3A_1635, %mul3A_1636 : i32
      %multiple_of3A_1638 = tpu.assume_multiple %mul3A_1637, 128 : i32
      %dma_start3A_1639 = arith.constant 1 : i32
      %dma_start3A_1640 = arith.constant 0 : i32
      %dma_start3A_1641 = arith.constant 0 : i32
      %dma_start3A_1642 = tpu.memref_slice %arg6[%dma_start3A_1639, %dma_start3A_1640, %dma_start3A_1641] : memref<4x128x128xf32, #tpu.memory_space<vmem>> -> memref<1x128x128xf32, #tpu.memory_space<vmem>>
      %dma_start3A_1643 = tpu.memref_squeeze %dma_start3A_1642 : memref<1x128x128xf32, #tpu.memory_space<vmem>> -> memref<128x128xf32, #tpu.memory_space<vmem>>
      %dma_start3A_1644 = arith.constant 0 : i32
      %dma_start3A_1645 = tpu.memref_slice %arg4[%multiple_of3A_1638, %dma_start3A_1644] : memref<3276800x128xf32, #tpu.memory_space<hbm>> -> memref<128x128xf32, #tpu.memory_space<hbm>>
      %dma_start3A_1646 = arith.constant 0 : i32
      %dma_start3A_1647 = tpu.memref_slice %arg4[%multiple_of3A_1638, %dma_start3A_1646] : memref<3276800x128xf32, #tpu.memory_space<hbm>> -> memref<128x128xf32, #tpu.memory_space<hbm>>
      %dma_start3A_1648 = arith.constant 0 : i32
      %dma_start3A_1649 = arith.constant 0 : i32
      %dma_start3A_1650 = tpu.memref_slice %arg6[%dma_start3A_1639, %dma_start3A_1648, %dma_start3A_1649] : memref<4x128x128xf32, #tpu.memory_space<vmem>> -> memref<1x128x128xf32, #tpu.memory_space<vmem>>
      %dma_start3A_1651 = tpu.memref_squeeze %dma_start3A_1650 : memref<1x128x128xf32, #tpu.memory_space<vmem>> -> memref<128x128xf32, #tpu.memory_space<vmem>>
      tpu.enqueue_dma source(%dma_start3A_1651 : memref<128x128xf32, #tpu.memory_space<vmem>>) target(%dma_start3A_1647 : memref<128x128xf32, #tpu.memory_space<hbm>>) target_semaphore(%arg12 : memref<!tpu.dma_semaphore, #tpu.memory_space<semaphore_mem>>)
      %dma_wait3A_1652 = arith.constant 1 : i32
      %dma_wait3A_1653 = arith.constant 0 : i32
      %dma_wait3A_1654 = arith.constant 0 : i32
      %dma_wait3A_1655 = tpu.memref_slice %arg5[%dma_wait3A_1652, %dma_wait3A_1653, %dma_wait3A_1654] : memref<2x8x128xi32, #tpu.memory_space<vmem>> -> memref<1x8x128xi32, #tpu.memory_space<vmem>>
      %dma_wait3A_1656 = tpu.memref_squeeze %dma_wait3A_1655 : memref<1x8x128xi32, #tpu.memory_space<vmem>> -> memref<8x128xi32, #tpu.memory_space<vmem>>
      %dma_wait3A_1657 = arith.constant 0 : i32
      %dma_wait3A_1658 = arith.constant 0 : i32
      %dma_wait3A_1659 = tpu.memref_slice %arg2[%dma_wait3A_1657, %dma_wait3A_1658] : memref<25600x128xi32, #tpu.memory_space<hbm>> -> memref<8x128xi32, #tpu.memory_space<hbm>>
      %dma_wait3A_1660 = arith.constant 0 : i32
      %dma_wait3A_1661 = arith.constant 0 : i32
      %dma_wait3A_1662 = tpu.memref_slice %arg5[%dma_wait3A_1652, %dma_wait3A_1660, %dma_wait3A_1661] : memref<2x8x128xi32, #tpu.memory_space<vmem>> -> memref<1x8x128xi32, #tpu.memory_space<vmem>>
      %dma_wait3A_1663 = tpu.memref_squeeze %dma_wait3A_1662 : memref<1x8x128xi32, #tpu.memory_space<vmem>> -> memref<8x128xi32, #tpu.memory_space<vmem>>
      %dma_wait3A_1664 = arith.constant 0 : i32
      %dma_wait3A_1665 = arith.constant 0 : i32
      %dma_wait3A_1666 = tpu.memref_slice %arg2[%dma_wait3A_1664, %dma_wait3A_1665] : memref<25600x128xi32, #tpu.memory_space<hbm>> -> memref<8x128xi32, #tpu.memory_space<hbm>>
      tpu.wait_dma2 semaphore(%arg16 : memref<!tpu.dma_semaphore, #tpu.memory_space<semaphore_mem>>) src(%dma_wait3A_1666 : memref<8x128xi32, #tpu.memory_space<hbm>>) dst(%dma_wait3A_1663 : memref<8x128xi32, #tpu.memory_space<vmem>>)
      %add3A_1667 = arith.constant 8 : i32
      %add3A_1668 = arith.addi %add3A_1113, %add3A_1667 : i32
      %add3A_1669 = arith.constant 2 : i32
      %add3A_1670 = arith.addi %mul3A_1110, %add3A_1669 : i32
      %min3A_1671 = arith.constant 99 : i32
      %min3A_1672 = arith.minsi %add3A_1670, %min3A_1671 : i32
      %dma_wait3A_1673 = arith.constant 0 : i32
      %dma_wait3A_1674 = arith.constant 0 : i32
      %dma_wait3A_1675 = arith.constant 0 : i32
      %dma_wait3A_1676 = tpu.memref_slice %arg6[%dma_wait3A_1673, %dma_wait3A_1674, %dma_wait3A_1675] : memref<4x128x128xf32, #tpu.memory_space<vmem>> -> memref<1x128x128xf32, #tpu.memory_space<vmem>>
      %dma_wait3A_1677 = tpu.memref_squeeze %dma_wait3A_1676 : memref<1x128x128xf32, #tpu.memory_space<vmem>> -> memref<128x128xf32, #tpu.memory_space<vmem>>
      %dma_wait3A_1678 = arith.constant 0 : i32
      %dma_wait3A_1679 = arith.constant 0 : i32
      %dma_wait3A_1680 = tpu.memref_slice %arg4[%dma_wait3A_1678, %dma_wait3A_1679] : memref<3276800x128xf32, #tpu.memory_space<hbm>> -> memref<128x128xf32, #tpu.memory_space<hbm>>
      %dma_wait3A_1681 = arith.constant 0 : i32
      %dma_wait3A_1682 = arith.constant 0 : i32
      %dma_wait3A_1683 = tpu.memref_slice %arg4[%dma_wait3A_1681, %dma_wait3A_1682] : memref<3276800x128xf32, #tpu.memory_space<hbm>> -> memref<128x128xf32, #tpu.memory_space<hbm>>
      %dma_wait3A_1684 = arith.constant 0 : i32
      %dma_wait3A_1685 = arith.constant 0 : i32
      %dma_wait3A_1686 = tpu.memref_slice %arg6[%dma_wait3A_1673, %dma_wait3A_1684, %dma_wait3A_1685] : memref<4x128x128xf32, #tpu.memory_space<vmem>> -> memref<1x128x128xf32, #tpu.memory_space<vmem>>
      %dma_wait3A_1687 = tpu.memref_squeeze %dma_wait3A_1686 : memref<1x128x128xf32, #tpu.memory_space<vmem>> -> memref<128x128xf32, #tpu.memory_space<vmem>>
      tpu.wait_dma2 semaphore(%arg11 : memref<!tpu.dma_semaphore, #tpu.memory_space<semaphore_mem>>) src(%dma_wait3A_1687 : memref<128x128xf32, #tpu.memory_space<vmem>>) dst(%dma_wait3A_1683 : memref<128x128xf32, #tpu.memory_space<hbm>>)
      %dma_start3A_1688 = arith.constant 1 : i32
      %dma_start3A_1689 = arith.constant 0 : i32
      %dma_start3A_1690 = arith.constant 0 : i32
      %dma_start3A_1691 = arith.constant 0 : i32
      %dma_start3A_1692 = arith.constant 0 : i32
      %dma_start3A_1693 = tpu.memref_slice %arg6[%dma_start3A_1690, %dma_start3A_1691, %dma_start3A_1692] : memref<4x128x128xf32, #tpu.memory_space<vmem>> -> memref<1x128x128xf32, #tpu.memory_space<vmem>>
      %dma_start3A_1694 = tpu.memref_squeeze %dma_start3A_1693 : memref<1x128x128xf32, #tpu.memory_space<vmem>> -> memref<128x128xf32, #tpu.memory_space<vmem>>
      %dma_start3A_1695 = arith.constant 0 : i32
      %dma_start3A_1696 = tpu.memref_slice %arg5[%dma_start3A_1688, %dma_start3A_1689, %dma_start3A_1695] : memref<2x8x128xi32, #tpu.memory_space<vmem>> -> memref<1x1x128xi32, #tpu.memory_space<vmem>>
      %dma_start3A_1697 = tpu.memref_squeeze %dma_start3A_1696 : memref<1x1x128xi32, #tpu.memory_space<vmem>> -> memref<128xi32, #tpu.memory_space<vmem>>
      %dma_start3A_1698 = arith.constant 0 : i32
      %dma_start3A_1699 = arith.constant 0 : i32
      %dma_start3A_1700 = tpu.memref_slice %arg3[%dma_start3A_1698, %dma_start3A_1699] : memref<100000x128xf32, #tpu.memory_space<hbm>> -> memref<100000x128xf32, #tpu.memory_space<hbm>>
      tpu.enqueue_indirect_dma source(%dma_start3A_1700 : memref<100000x128xf32, #tpu.memory_space<hbm>>) target(%dma_start3A_1694 : memref<128x128xf32, #tpu.memory_space<vmem>>) offsets(%dma_start3A_1697 : memref<128xi32, #tpu.memory_space<vmem>>) semaphore(%arg7 : memref<!tpu.dma_semaphore, #tpu.memory_space<semaphore_mem>>)
      %dma_wait3A_1701 = arith.constant 2 : i32
      %dma_wait3A_1702 = arith.constant 0 : i32
      %dma_wait3A_1703 = arith.constant 0 : i32
      %dma_wait3A_1704 = tpu.memref_slice %arg6[%dma_wait3A_1701, %dma_wait3A_1702, %dma_wait3A_1703] : memref<4x128x128xf32, #tpu.memory_space<vmem>> -> memref<1x128x128xf32, #tpu.memory_space<vmem>>
      %dma_wait3A_1705 = tpu.memref_squeeze %dma_wait3A_1704 : memref<1x128x128xf32, #tpu.memory_space<vmem>> -> memref<128x128xf32, #tpu.memory_space<vmem>>
      %dma_wait3A_1706 = arith.constant 0 : i32
      %dma_wait3A_1707 = arith.constant 0 : i32
      %dma_wait3A_1708 = tpu.memref_slice %arg4[%dma_wait3A_1706, %dma_wait3A_1707] : memref<3276800x128xf32, #tpu.memory_space<hbm>> -> memref<128x128xf32, #tpu.memory_space<hbm>>
      %dma_wait3A_1709 = arith.constant 0 : i32
      %dma_wait3A_1710 = arith.constant 0 : i32
      %dma_wait3A_1711 = tpu.memref_slice %arg6[%dma_wait3A_1701, %dma_wait3A_1709, %dma_wait3A_1710] : memref<4x128x128xf32, #tpu.memory_space<vmem>> -> memref<1x128x128xf32, #tpu.memory_space<vmem>>
      %dma_wait3A_1712 = tpu.memref_squeeze %dma_wait3A_1711 : memref<1x128x128xf32, #tpu.memory_space<vmem>> -> memref<128x128xf32, #tpu.memory_space<vmem>>
      %dma_wait3A_1713 = arith.constant 0 : i32
      %dma_wait3A_1714 = arith.constant 0 : i32
      %dma_wait3A_1715 = tpu.memref_slice %arg4[%dma_wait3A_1713, %dma_wait3A_1714] : memref<3276800x128xf32, #tpu.memory_space<hbm>> -> memref<128x128xf32, #tpu.memory_space<hbm>>
      tpu.wait_dma2 semaphore(%arg9 : memref<!tpu.dma_semaphore, #tpu.memory_space<semaphore_mem>>) src(%dma_wait3A_1715 : memref<128x128xf32, #tpu.memory_space<hbm>>) dst(%dma_wait3A_1712 : memref<128x128xf32, #tpu.memory_space<vmem>>)
      %add3A_1716 = arith.constant 0 : i32
      %add3A_1717 = arith.addi %add3A_1668, %add3A_1716 : i32
      %sub3A_1718 = arith.constant 2 : i32
      %sub3A_1719 = arith.subi %add3A_1717, %sub3A_1718 : i32
      %mul3A_1720 = arith.constant 128 : i32
      %mul3A_1721 = arith.muli %sub3A_1719, %mul3A_1720 : i32
      %multiple_of3A_1722 = tpu.assume_multiple %mul3A_1721, 128 : i32
      %dma_start3A_1723 = arith.constant 2 : i32
      %dma_start3A_1724 = arith.constant 0 : i32
      %dma_start3A_1725 = arith.constant 0 : i32
      %dma_start3A_1726 = tpu.memref_slice %arg6[%dma_start3A_1723, %dma_start3A_1724, %dma_start3A_1725] : memref<4x128x128xf32, #tpu.memory_space<vmem>> -> memref<1x128x128xf32, #tpu.memory_space<vmem>>
      %dma_start3A_1727 = tpu.memref_squeeze %dma_start3A_1726 : memref<1x128x128xf32, #tpu.memory_space<vmem>> -> memref<128x128xf32, #tpu.memory_space<vmem>>
      %dma_start3A_1728 = arith.constant 0 : i32
      %dma_start3A_1729 = tpu.memref_slice %arg4[%multiple_of3A_1722, %dma_start3A_1728] : memref<3276800x128xf32, #tpu.memory_space<hbm>> -> memref<128x128xf32, #tpu.memory_space<hbm>>
      %dma_start3A_1730 = arith.constant 0 : i32
      %dma_start3A_1731 = tpu.memref_slice %arg4[%multiple_of3A_1722, %dma_start3A_1730] : memref<3276800x128xf32, #tpu.memory_space<hbm>> -> memref<128x128xf32, #tpu.memory_space<hbm>>
      %dma_start3A_1732 = arith.constant 0 : i32
      %dma_start3A_1733 = arith.constant 0 : i32
      %dma_start3A_1734 = tpu.memref_slice %arg6[%dma_start3A_1723, %dma_start3A_1732, %dma_start3A_1733] : memref<4x128x128xf32, #tpu.memory_space<vmem>> -> memref<1x128x128xf32, #tpu.memory_space<vmem>>
      %dma_start3A_1735 = tpu.memref_squeeze %dma_start3A_1734 : memref<1x128x128xf32, #tpu.memory_space<vmem>> -> memref<128x128xf32, #tpu.memory_space<vmem>>
      tpu.enqueue_dma source(%dma_start3A_1735 : memref<128x128xf32, #tpu.memory_space<vmem>>) target(%dma_start3A_1731 : memref<128x128xf32, #tpu.memory_space<hbm>>) target_semaphore(%arg13 : memref<!tpu.dma_semaphore, #tpu.memory_space<semaphore_mem>>)
      %dma_wait3A_1736 = arith.constant 1 : i32
      %dma_wait3A_1737 = arith.constant 0 : i32
      %dma_wait3A_1738 = arith.constant 0 : i32
      %dma_wait3A_1739 = tpu.memref_slice %arg6[%dma_wait3A_1736, %dma_wait3A_1737, %dma_wait3A_1738] : memref<4x128x128xf32, #tpu.memory_space<vmem>> -> memref<1x128x128xf32, #tpu.memory_space<vmem>>
      %dma_wait3A_1740 = tpu.memref_squeeze %dma_wait3A_1739 : memref<1x128x128xf32, #tpu.memory_space<vmem>> -> memref<128x128xf32, #tpu.memory_space<vmem>>
      %dma_wait3A_1741 = arith.constant 0 : i32
      %dma_wait3A_1742 = arith.constant 0 : i32
      %dma_wait3A_1743 = tpu.memref_slice %arg4[%dma_wait3A_1741, %dma_wait3A_1742] : memref<3276800x128xf32, #tpu.memory_space<hbm>> -> memref<128x128xf32, #tpu.memory_space<hbm>>
      %dma_wait3A_1744 = arith.constant 0 : i32
      %dma_wait3A_1745 = arith.constant 0 : i32
      %dma_wait3A_1746 = tpu.memref_slice %arg4[%dma_wait3A_1744, %dma_wait3A_1745] : memref<3276800x128xf32, #tpu.memory_space<hbm>> -> memref<128x128xf32, #tpu.memory_space<hbm>>
      %dma_wait3A_1747 = arith.constant 0 : i32
      %dma_wait3A_1748 = arith.constant 0 : i32
      %dma_wait3A_1749 = tpu.memref_slice %arg6[%dma_wait3A_1736, %dma_wait3A_1747, %dma_wait3A_1748] : memref<4x128x128xf32, #tpu.memory_space<vmem>> -> memref<1x128x128xf32, #tpu.memory_space<vmem>>
      %dma_wait3A_1750 = tpu.memref_squeeze %dma_wait3A_1749 : memref<1x128x128xf32, #tpu.memory_space<vmem>> -> memref<128x128xf32, #tpu.memory_space<vmem>>
      tpu.wait_dma2 semaphore(%arg12 : memref<!tpu.dma_semaphore, #tpu.memory_space<semaphore_mem>>) src(%dma_wait3A_1750 : memref<128x128xf32, #tpu.memory_space<vmem>>) dst(%dma_wait3A_1746 : memref<128x128xf32, #tpu.memory_space<hbm>>)
      %dma_start3A_1751 = arith.constant 1 : i32
      %dma_start3A_1752 = arith.constant 1 : i32
      %dma_start3A_1753 = arith.constant 1 : i32
      %dma_start3A_1754 = arith.constant 0 : i32
      %dma_start3A_1755 = arith.constant 0 : i32
      %dma_start3A_1756 = tpu.memref_slice %arg6[%dma_start3A_1753, %dma_start3A_1754, %dma_start3A_1755] : memref<4x128x128xf32, #tpu.memory_space<vmem>> -> memref<1x128x128xf32, #tpu.memory_space<vmem>>
      %dma_start3A_1757 = tpu.memref_squeeze %dma_start3A_1756 : memref<1x128x128xf32, #tpu.memory_space<vmem>> -> memref<128x128xf32, #tpu.memory_space<vmem>>
      %dma_start3A_1758 = arith.constant 0 : i32
      %dma_start3A_1759 = tpu.memref_slice %arg5[%dma_start3A_1751, %dma_start3A_1752, %dma_start3A_1758] : memref<2x8x128xi32, #tpu.memory_space<vmem>> -> memref<1x1x128xi32, #tpu.memory_space<vmem>>
      %dma_start3A_1760 = tpu.memref_squeeze %dma_start3A_1759 : memref<1x1x128xi32, #tpu.memory_space<vmem>> -> memref<128xi32, #tpu.memory_space<vmem>>
      %dma_start3A_1761 = arith.constant 0 : i32
      %dma_start3A_1762 = arith.constant 0 : i32
      %dma_start3A_1763 = tpu.memref_slice %arg3[%dma_start3A_1761, %dma_start3A_1762] : memref<100000x128xf32, #tpu.memory_space<hbm>> -> memref<100000x128xf32, #tpu.memory_space<hbm>>
      tpu.enqueue_indirect_dma source(%dma_start3A_1763 : memref<100000x128xf32, #tpu.memory_space<hbm>>) target(%dma_start3A_1757 : memref<128x128xf32, #tpu.memory_space<vmem>>) offsets(%dma_start3A_1760 : memref<128xi32, #tpu.memory_space<vmem>>) semaphore(%arg8 : memref<!tpu.dma_semaphore, #tpu.memory_space<semaphore_mem>>)
      %dma_wait3A_1764 = arith.constant 3 : i32
      %dma_wait3A_1765 = arith.constant 0 : i32
      %dma_wait3A_1766 = arith.constant 0 : i32
      %dma_wait3A_1767 = tpu.memref_slice %arg6[%dma_wait3A_1764, %dma_wait3A_1765, %dma_wait3A_1766] : memref<4x128x128xf32, #tpu.memory_space<vmem>> -> memref<1x128x128xf32, #tpu.memory_space<vmem>>
      %dma_wait3A_1768 = tpu.memref_squeeze %dma_wait3A_1767 : memref<1x128x128xf32, #tpu.memory_space<vmem>> -> memref<128x128xf32, #tpu.memory_space<vmem>>
      %dma_wait3A_1769 = arith.constant 0 : i32
      %dma_wait3A_1770 = arith.constant 0 : i32
      %dma_wait3A_1771 = tpu.memref_slice %arg4[%dma_wait3A_1769, %dma_wait3A_1770] : memref<3276800x128xf32, #tpu.memory_space<hbm>> -> memref<128x128xf32, #tpu.memory_space<hbm>>
      %dma_wait3A_1772 = arith.constant 0 : i32
      %dma_wait3A_1773 = arith.constant 0 : i32
      %dma_wait3A_1774 = tpu.memref_slice %arg6[%dma_wait3A_1764, %dma_wait3A_1772, %dma_wait3A_1773] : memref<4x128x128xf32, #tpu.memory_space<vmem>> -> memref<1x128x128xf32, #tpu.memory_space<vmem>>
      %dma_wait3A_1775 = tpu.memref_squeeze %dma_wait3A_1774 : memref<1x128x128xf32, #tpu.memory_space<vmem>> -> memref<128x128xf32, #tpu.memory_space<vmem>>
      %dma_wait3A_1776 = arith.constant 0 : i32
      %dma_wait3A_1777 = arith.constant 0 : i32
      %dma_wait3A_1778 = tpu.memref_slice %arg4[%dma_wait3A_1776, %dma_wait3A_1777] : memref<3276800x128xf32, #tpu.memory_space<hbm>> -> memref<128x128xf32, #tpu.memory_space<hbm>>
      tpu.wait_dma2 semaphore(%arg10 : memref<!tpu.dma_semaphore, #tpu.memory_space<semaphore_mem>>) src(%dma_wait3A_1778 : memref<128x128xf32, #tpu.memory_space<hbm>>) dst(%dma_wait3A_1775 : memref<128x128xf32, #tpu.memory_space<vmem>>)
      %add3A_1779 = arith.constant 1 : i32
      %add3A_1780 = arith.addi %add3A_1668, %add3A_1779 : i32
      %sub3A_1781 = arith.constant 2 : i32
      %sub3A_1782 = arith.subi %add3A_1780, %sub3A_1781 : i32
      %mul3A_1783 = arith.constant 128 : i32
      %mul3A_1784 = arith.muli %sub3A_1782, %mul3A_1783 : i32
      %multiple_of3A_1785 = tpu.assume_multiple %mul3A_1784, 128 : i32
      %dma_start3A_1786 = arith.constant 3 : i32
      %dma_start3A_1787 = arith.constant 0 : i32
      %dma_start3A_1788 = arith.constant 0 : i32
      %dma_start3A_1789 = tpu.memref_slice %arg6[%dma_start3A_1786, %dma_start3A_1787, %dma_start3A_1788] : memref<4x128x128xf32, #tpu.memory_space<vmem>> -> memref<1x128x128xf32, #tpu.memory_space<vmem>>
      %dma_start3A_1790 = tpu.memref_squeeze %dma_start3A_1789 : memref<1x128x128xf32, #tpu.memory_space<vmem>> -> memref<128x128xf32, #tpu.memory_space<vmem>>
      %dma_start3A_1791 = arith.constant 0 : i32
      %dma_start3A_1792 = tpu.memref_slice %arg4[%multiple_of3A_1785, %dma_start3A_1791] : memref<3276800x128xf32, #tpu.memory_space<hbm>> -> memref<128x128xf32, #tpu.memory_space<hbm>>
      %dma_start3A_1793 = arith.constant 0 : i32
      %dma_start3A_1794 = tpu.memref_slice %arg4[%multiple_of3A_1785, %dma_start3A_1793] : memref<3276800x128xf32, #tpu.memory_space<hbm>> -> memref<128x128xf32, #tpu.memory_space<hbm>>
      %dma_start3A_1795 = arith.constant 0 : i32
      %dma_start3A_1796 = arith.constant 0 : i32
      %dma_start3A_1797 = tpu.memref_slice %arg6[%dma_start3A_1786, %dma_start3A_1795, %dma_start3A_1796] : memref<4x128x128xf32, #tpu.memory_space<vmem>> -> memref<1x128x128xf32, #tpu.memory_space<vmem>>
      %dma_start3A_1798 = tpu.memref_squeeze %dma_start3A_1797 : memref<1x128x128xf32, #tpu.memory_space<vmem>> -> memref<128x128xf32, #tpu.memory_space<vmem>>
      tpu.enqueue_dma source(%dma_start3A_1798 : memref<128x128xf32, #tpu.memory_space<vmem>>) target(%dma_start3A_1794 : memref<128x128xf32, #tpu.memory_space<hbm>>) target_semaphore(%arg14 : memref<!tpu.dma_semaphore, #tpu.memory_space<semaphore_mem>>)
      %mul3A_1799 = arith.constant 8 : i32
      %mul3A_1800 = arith.muli %min3A_1672, %mul3A_1799 : i32
      %add3A_1801 = arith.addi %mul3A_2, %mul3A_1800 : i32
      %dma_start3A_1802 = arith.constant 0 : i32
      %dma_start3A_1803 = arith.constant 0 : i32
      %dma_start3A_1804 = arith.constant 0 : i32
      %dma_start3A_1805 = tpu.memref_slice %arg5[%dma_start3A_1802, %dma_start3A_1803, %dma_start3A_1804] : memref<2x8x128xi32, #tpu.memory_space<vmem>> -> memref<1x8x128xi32, #tpu.memory_space<vmem>>
      %dma_start3A_1806 = tpu.memref_squeeze %dma_start3A_1805 : memref<1x8x128xi32, #tpu.memory_space<vmem>> -> memref<8x128xi32, #tpu.memory_space<vmem>>
      %dma_start3A_1807 = arith.constant 0 : i32
      %dma_start3A_1808 = tpu.memref_slice %arg2[%add3A_1801, %dma_start3A_1807] : memref<25600x128xi32, #tpu.memory_space<hbm>> -> memref<8x128xi32, #tpu.memory_space<hbm>>
      %dma_start3A_1809 = arith.constant 0 : i32
      %dma_start3A_1810 = arith.constant 0 : i32
      %dma_start3A_1811 = tpu.memref_slice %arg5[%dma_start3A_1802, %dma_start3A_1809, %dma_start3A_1810] : memref<2x8x128xi32, #tpu.memory_space<vmem>> -> memref<1x8x128xi32, #tpu.memory_space<vmem>>
      %dma_start3A_1812 = tpu.memref_squeeze %dma_start3A_1811 : memref<1x8x128xi32, #tpu.memory_space<vmem>> -> memref<8x128xi32, #tpu.memory_space<vmem>>
      %dma_start3A_1813 = arith.constant 0 : i32
      %dma_start3A_1814 = tpu.memref_slice %arg2[%add3A_1801, %dma_start3A_1813] : memref<25600x128xi32, #tpu.memory_space<hbm>> -> memref<8x128xi32, #tpu.memory_space<hbm>>
      tpu.enqueue_dma source(%dma_start3A_1814 : memref<8x128xi32, #tpu.memory_space<hbm>>) target(%dma_start3A_1812 : memref<8x128xi32, #tpu.memory_space<vmem>>) target_semaphore(%arg15 : memref<!tpu.dma_semaphore, #tpu.memory_space<semaphore_mem>>)
      %dma_wait3A_1815 = arith.constant 2 : i32
      %dma_wait3A_1816 = arith.constant 0 : i32
      %dma_wait3A_1817 = arith.constant 0 : i32
      %dma_wait3A_1818 = tpu.memref_slice %arg6[%dma_wait3A_1815, %dma_wait3A_1816, %dma_wait3A_1817] : memref<4x128x128xf32, #tpu.memory_space<vmem>> -> memref<1x128x128xf32, #tpu.memory_space<vmem>>
      %dma_wait3A_1819 = tpu.memref_squeeze %dma_wait3A_1818 : memref<1x128x128xf32, #tpu.memory_space<vmem>> -> memref<128x128xf32, #tpu.memory_space<vmem>>
      %dma_wait3A_1820 = arith.constant 0 : i32
      %dma_wait3A_1821 = arith.constant 0 : i32
      %dma_wait3A_1822 = tpu.memref_slice %arg4[%dma_wait3A_1820, %dma_wait3A_1821] : memref<3276800x128xf32, #tpu.memory_space<hbm>> -> memref<128x128xf32, #tpu.memory_space<hbm>>
      %dma_wait3A_1823 = arith.constant 0 : i32
      %dma_wait3A_1824 = arith.constant 0 : i32
      %dma_wait3A_1825 = tpu.memref_slice %arg4[%dma_wait3A_1823, %dma_wait3A_1824] : memref<3276800x128xf32, #tpu.memory_space<hbm>> -> memref<128x128xf32, #tpu.memory_space<hbm>>
      %dma_wait3A_1826 = arith.constant 0 : i32
      %dma_wait3A_1827 = arith.constant 0 : i32
      %dma_wait3A_1828 = tpu.memref_slice %arg6[%dma_wait3A_1815, %dma_wait3A_1826, %dma_wait3A_1827] : memref<4x128x128xf32, #tpu.memory_space<vmem>> -> memref<1x128x128xf32, #tpu.memory_space<vmem>>
      %dma_wait3A_1829 = tpu.memref_squeeze %dma_wait3A_1828 : memref<1x128x128xf32, #tpu.memory_space<vmem>> -> memref<128x128xf32, #tpu.memory_space<vmem>>
      tpu.wait_dma2 semaphore(%arg13 : memref<!tpu.dma_semaphore, #tpu.memory_space<semaphore_mem>>) src(%dma_wait3A_1829 : memref<128x128xf32, #tpu.memory_space<vmem>>) dst(%dma_wait3A_1825 : memref<128x128xf32, #tpu.memory_space<hbm>>)
      %dma_start3A_1830 = arith.constant 1 : i32
      %dma_start3A_1831 = arith.constant 2 : i32
      %dma_start3A_1832 = arith.constant 2 : i32
      %dma_start3A_1833 = arith.constant 0 : i32
      %dma_start3A_1834 = arith.constant 0 : i32
      %dma_start3A_1835 = tpu.memref_slice %arg6[%dma_start3A_1832, %dma_start3A_1833, %dma_start3A_1834] : memref<4x128x128xf32, #tpu.memory_space<vmem>> -> memref<1x128x128xf32, #tpu.memory_space<vmem>>
      %dma_start3A_1836 = tpu.memref_squeeze %dma_start3A_1835 : memref<1x128x128xf32, #tpu.memory_space<vmem>> -> memref<128x128xf32, #tpu.memory_space<vmem>>
      %dma_start3A_1837 = arith.constant 0 : i32
      %dma_start3A_1838 = tpu.memref_slice %arg5[%dma_start3A_1830, %dma_start3A_1831, %dma_start3A_1837] : memref<2x8x128xi32, #tpu.memory_space<vmem>> -> memref<1x1x128xi32, #tpu.memory_space<vmem>>
      %dma_start3A_1839 = tpu.memref_squeeze %dma_start3A_1838 : memref<1x1x128xi32, #tpu.memory_space<vmem>> -> memref<128xi32, #tpu.memory_space<vmem>>
      %dma_start3A_1840 = arith.constant 0 : i32
      %dma_start3A_1841 = arith.constant 0 : i32
      %dma_start3A_1842 = tpu.memref_slice %arg3[%dma_start3A_1840, %dma_start3A_1841] : memref<100000x128xf32, #tpu.memory_space<hbm>> -> memref<100000x128xf32, #tpu.memory_space<hbm>>
      tpu.enqueue_indirect_dma source(%dma_start3A_1842 : memref<100000x128xf32, #tpu.memory_space<hbm>>) target(%dma_start3A_1836 : memref<128x128xf32, #tpu.memory_space<vmem>>) offsets(%dma_start3A_1839 : memref<128xi32, #tpu.memory_space<vmem>>) semaphore(%arg9 : memref<!tpu.dma_semaphore, #tpu.memory_space<semaphore_mem>>)
      %dma_wait3A_1843 = arith.constant 0 : i32
      %dma_wait3A_1844 = arith.constant 0 : i32
      %dma_wait3A_1845 = arith.constant 0 : i32
      %dma_wait3A_1846 = tpu.memref_slice %arg6[%dma_wait3A_1843, %dma_wait3A_1844, %dma_wait3A_1845] : memref<4x128x128xf32, #tpu.memory_space<vmem>> -> memref<1x128x128xf32, #tpu.memory_space<vmem>>
      %dma_wait3A_1847 = tpu.memref_squeeze %dma_wait3A_1846 : memref<1x128x128xf32, #tpu.memory_space<vmem>> -> memref<128x128xf32, #tpu.memory_space<vmem>>
      %dma_wait3A_1848 = arith.constant 0 : i32
      %dma_wait3A_1849 = arith.constant 0 : i32
      %dma_wait3A_1850 = tpu.memref_slice %arg4[%dma_wait3A_1848, %dma_wait3A_1849] : memref<3276800x128xf32, #tpu.memory_space<hbm>> -> memref<128x128xf32, #tpu.memory_space<hbm>>
      %dma_wait3A_1851 = arith.constant 0 : i32
      %dma_wait3A_1852 = arith.constant 0 : i32
      %dma_wait3A_1853 = tpu.memref_slice %arg6[%dma_wait3A_1843, %dma_wait3A_1851, %dma_wait3A_1852] : memref<4x128x128xf32, #tpu.memory_space<vmem>> -> memref<1x128x128xf32, #tpu.memory_space<vmem>>
      %dma_wait3A_1854 = tpu.memref_squeeze %dma_wait3A_1853 : memref<1x128x128xf32, #tpu.memory_space<vmem>> -> memref<128x128xf32, #tpu.memory_space<vmem>>
      %dma_wait3A_1855 = arith.constant 0 : i32
      %dma_wait3A_1856 = arith.constant 0 : i32
      %dma_wait3A_1857 = tpu.memref_slice %arg4[%dma_wait3A_1855, %dma_wait3A_1856] : memref<3276800x128xf32, #tpu.memory_space<hbm>> -> memref<128x128xf32, #tpu.memory_space<hbm>>
      tpu.wait_dma2 semaphore(%arg7 : memref<!tpu.dma_semaphore, #tpu.memory_space<semaphore_mem>>) src(%dma_wait3A_1857 : memref<128x128xf32, #tpu.memory_space<hbm>>) dst(%dma_wait3A_1854 : memref<128x128xf32, #tpu.memory_space<vmem>>)
      %add3A_1858 = arith.constant 2 : i32
      %add3A_1859 = arith.addi %add3A_1668, %add3A_1858 : i32
      %sub3A_1860 = arith.constant 2 : i32
      %sub3A_1861 = arith.subi %add3A_1859, %sub3A_1860 : i32
      %mul3A_1862 = arith.constant 128 : i32
      %mul3A_1863 = arith.muli %sub3A_1861, %mul3A_1862 : i32
      %multiple_of3A_1864 = tpu.assume_multiple %mul3A_1863, 128 : i32
      %dma_start3A_1865 = arith.constant 0 : i32
      %dma_start3A_1866 = arith.constant 0 : i32
      %dma_start3A_1867 = arith.constant 0 : i32
      %dma_start3A_1868 = tpu.memref_slice %arg6[%dma_start3A_1865, %dma_start3A_1866, %dma_start3A_1867] : memref<4x128x128xf32, #tpu.memory_space<vmem>> -> memref<1x128x128xf32, #tpu.memory_space<vmem>>
      %dma_start3A_1869 = tpu.memref_squeeze %dma_start3A_1868 : memref<1x128x128xf32, #tpu.memory_space<vmem>> -> memref<128x128xf32, #tpu.memory_space<vmem>>
      %dma_start3A_1870 = arith.constant 0 : i32
      %dma_start3A_1871 = tpu.memref_slice %arg4[%multiple_of3A_1864, %dma_start3A_1870] : memref<3276800x128xf32, #tpu.memory_space<hbm>> -> memref<128x128xf32, #tpu.memory_space<hbm>>
      %dma_start3A_1872 = arith.constant 0 : i32
      %dma_start3A_1873 = tpu.memref_slice %arg4[%multiple_of3A_1864, %dma_start3A_1872] : memref<3276800x128xf32, #tpu.memory_space<hbm>> -> memref<128x128xf32, #tpu.memory_space<hbm>>
      %dma_start3A_1874 = arith.constant 0 : i32
      %dma_start3A_1875 = arith.constant 0 : i32
      %dma_start3A_1876 = tpu.memref_slice %arg6[%dma_start3A_1865, %dma_start3A_1874, %dma_start3A_1875] : memref<4x128x128xf32, #tpu.memory_space<vmem>> -> memref<1x128x128xf32, #tpu.memory_space<vmem>>
      %dma_start3A_1877 = tpu.memref_squeeze %dma_start3A_1876 : memref<1x128x128xf32, #tpu.memory_space<vmem>> -> memref<128x128xf32, #tpu.memory_space<vmem>>
      tpu.enqueue_dma source(%dma_start3A_1877 : memref<128x128xf32, #tpu.memory_space<vmem>>) target(%dma_start3A_1873 : memref<128x128xf32, #tpu.memory_space<hbm>>) target_semaphore(%arg11 : memref<!tpu.dma_semaphore, #tpu.memory_space<semaphore_mem>>)
      %dma_wait3A_1878 = arith.constant 3 : i32
      %dma_wait3A_1879 = arith.constant 0 : i32
      %dma_wait3A_1880 = arith.constant 0 : i32
      %dma_wait3A_1881 = tpu.memref_slice %arg6[%dma_wait3A_1878, %dma_wait3A_1879, %dma_wait3A_1880] : memref<4x128x128xf32, #tpu.memory_space<vmem>> -> memref<1x128x128xf32, #tpu.memory_space<vmem>>
      %dma_wait3A_1882 = tpu.memref_squeeze %dma_wait3A_1881 : memref<1x128x128xf32, #tpu.memory_space<vmem>> -> memref<128x128xf32, #tpu.memory_space<vmem>>
      %dma_wait3A_1883 = arith.constant 0 : i32
      %dma_wait3A_1884 = arith.constant 0 : i32
      %dma_wait3A_1885 = tpu.memref_slice %arg4[%dma_wait3A_1883, %dma_wait3A_1884] : memref<3276800x128xf32, #tpu.memory_space<hbm>> -> memref<128x128xf32, #tpu.memory_space<hbm>>
      %dma_wait3A_1886 = arith.constant 0 : i32
      %dma_wait3A_1887 = arith.constant 0 : i32
      %dma_wait3A_1888 = tpu.memref_slice %arg4[%dma_wait3A_1886, %dma_wait3A_1887] : memref<3276800x128xf32, #tpu.memory_space<hbm>> -> memref<128x128xf32, #tpu.memory_space<hbm>>
      %dma_wait3A_1889 = arith.constant 0 : i32
      %dma_wait3A_1890 = arith.constant 0 : i32
      %dma_wait3A_1891 = tpu.memref_slice %arg6[%dma_wait3A_1878, %dma_wait3A_1889, %dma_wait3A_1890] : memref<4x128x128xf32, #tpu.memory_space<vmem>> -> memref<1x128x128xf32, #tpu.memory_space<vmem>>
      %dma_wait3A_1892 = tpu.memref_squeeze %dma_wait3A_1891 : memref<1x128x128xf32, #tpu.memory_space<vmem>> -> memref<128x128xf32, #tpu.memory_space<vmem>>
      tpu.wait_dma2 semaphore(%arg14 : memref<!tpu.dma_semaphore, #tpu.memory_space<semaphore_mem>>) src(%dma_wait3A_1892 : memref<128x128xf32, #tpu.memory_space<vmem>>) dst(%dma_wait3A_1888 : memref<128x128xf32, #tpu.memory_space<hbm>>)
      %dma_start3A_1893 = arith.constant 1 : i32
      %dma_start3A_1894 = arith.constant 3 : i32
      %dma_start3A_1895 = arith.constant 3 : i32
      %dma_start3A_1896 = arith.constant 0 : i32
      %dma_start3A_1897 = arith.constant 0 : i32
      %dma_start3A_1898 = tpu.memref_slice %arg6[%dma_start3A_1895, %dma_start3A_1896, %dma_start3A_1897] : memref<4x128x128xf32, #tpu.memory_space<vmem>> -> memref<1x128x128xf32, #tpu.memory_space<vmem>>
      %dma_start3A_1899 = tpu.memref_squeeze %dma_start3A_1898 : memref<1x128x128xf32, #tpu.memory_space<vmem>> -> memref<128x128xf32, #tpu.memory_space<vmem>>
      %dma_start3A_1900 = arith.constant 0 : i32
      %dma_start3A_1901 = tpu.memref_slice %arg5[%dma_start3A_1893, %dma_start3A_1894, %dma_start3A_1900] : memref<2x8x128xi32, #tpu.memory_space<vmem>> -> memref<1x1x128xi32, #tpu.memory_space<vmem>>
      %dma_start3A_1902 = tpu.memref_squeeze %dma_start3A_1901 : memref<1x1x128xi32, #tpu.memory_space<vmem>> -> memref<128xi32, #tpu.memory_space<vmem>>
      %dma_start3A_1903 = arith.constant 0 : i32
      %dma_start3A_1904 = arith.constant 0 : i32
      %dma_start3A_1905 = tpu.memref_slice %arg3[%dma_start3A_1903, %dma_start3A_1904] : memref<100000x128xf32, #tpu.memory_space<hbm>> -> memref<100000x128xf32, #tpu.memory_space<hbm>>
      tpu.enqueue_indirect_dma source(%dma_start3A_1905 : memref<100000x128xf32, #tpu.memory_space<hbm>>) target(%dma_start3A_1899 : memref<128x128xf32, #tpu.memory_space<vmem>>) offsets(%dma_start3A_1902 : memref<128xi32, #tpu.memory_space<vmem>>) semaphore(%arg10 : memref<!tpu.dma_semaphore, #tpu.memory_space<semaphore_mem>>)
      %dma_wait3A_1906 = arith.constant 1 : i32
      %dma_wait3A_1907 = arith.constant 0 : i32
      %dma_wait3A_1908 = arith.constant 0 : i32
      %dma_wait3A_1909 = tpu.memref_slice %arg6[%dma_wait3A_1906, %dma_wait3A_1907, %dma_wait3A_1908] : memref<4x128x128xf32, #tpu.memory_space<vmem>> -> memref<1x128x128xf32, #tpu.memory_space<vmem>>
      %dma_wait3A_1910 = tpu.memref_squeeze %dma_wait3A_1909 : memref<1x128x128xf32, #tpu.memory_space<vmem>> -> memref<128x128xf32, #tpu.memory_space<vmem>>
      %dma_wait3A_1911 = arith.constant 0 : i32
      %dma_wait3A_1912 = arith.constant 0 : i32
      %dma_wait3A_1913 = tpu.memref_slice %arg4[%dma_wait3A_1911, %dma_wait3A_1912] : memref<3276800x128xf32, #tpu.memory_space<hbm>> -> memref<128x128xf32, #tpu.memory_space<hbm>>
      %dma_wait3A_1914 = arith.constant 0 : i32
      %dma_wait3A_1915 = arith.constant 0 : i32
      %dma_wait3A_1916 = tpu.memref_slice %arg6[%dma_wait3A_1906, %dma_wait3A_1914, %dma_wait3A_1915] : memref<4x128x128xf32, #tpu.memory_space<vmem>> -> memref<1x128x128xf32, #tpu.memory_space<vmem>>
      %dma_wait3A_1917 = tpu.memref_squeeze %dma_wait3A_1916 : memref<1x128x128xf32, #tpu.memory_space<vmem>> -> memref<128x128xf32, #tpu.memory_space<vmem>>
      %dma_wait3A_1918 = arith.constant 0 : i32
      %dma_wait3A_1919 = arith.constant 0 : i32
      %dma_wait3A_1920 = tpu.memref_slice %arg4[%dma_wait3A_1918, %dma_wait3A_1919] : memref<3276800x128xf32, #tpu.memory_space<hbm>> -> memref<128x128xf32, #tpu.memory_space<hbm>>
      tpu.wait_dma2 semaphore(%arg8 : memref<!tpu.dma_semaphore, #tpu.memory_space<semaphore_mem>>) src(%dma_wait3A_1920 : memref<128x128xf32, #tpu.memory_space<hbm>>) dst(%dma_wait3A_1917 : memref<128x128xf32, #tpu.memory_space<vmem>>)
      %add3A_1921 = arith.constant 3 : i32
      %add3A_1922 = arith.addi %add3A_1668, %add3A_1921 : i32
      %sub3A_1923 = arith.constant 2 : i32
      %sub3A_1924 = arith.subi %add3A_1922, %sub3A_1923 : i32
      %mul3A_1925 = arith.constant 128 : i32
      %mul3A_1926 = arith.muli %sub3A_1924, %mul3A_1925 : i32
      %multiple_of3A_1927 = tpu.assume_multiple %mul3A_1926, 128 : i32
      %dma_start3A_1928 = arith.constant 1 : i32
      %dma_start3A_1929 = arith.constant 0 : i32
      %dma_start3A_1930 = arith.constant 0 : i32
      %dma_start3A_1931 = tpu.memref_slice %arg6[%dma_start3A_1928, %dma_start3A_1929, %dma_start3A_1930] : memref<4x128x128xf32, #tpu.memory_space<vmem>> -> memref<1x128x128xf32, #tpu.memory_space<vmem>>
      %dma_start3A_1932 = tpu.memref_squeeze %dma_start3A_1931 : memref<1x128x128xf32, #tpu.memory_space<vmem>> -> memref<128x128xf32, #tpu.memory_space<vmem>>
      %dma_start3A_1933 = arith.constant 0 : i32
      %dma_start3A_1934 = tpu.memref_slice %arg4[%multiple_of3A_1927, %dma_start3A_1933] : memref<3276800x128xf32, #tpu.memory_space<hbm>> -> memref<128x128xf32, #tpu.memory_space<hbm>>
      %dma_start3A_1935 = arith.constant 0 : i32
      %dma_start3A_1936 = tpu.memref_slice %arg4[%multiple_of3A_1927, %dma_start3A_1935] : memref<3276800x128xf32, #tpu.memory_space<hbm>> -> memref<128x128xf32, #tpu.memory_space<hbm>>
      %dma_start3A_1937 = arith.constant 0 : i32
      %dma_start3A_1938 = arith.constant 0 : i32
      %dma_start3A_1939 = tpu.memref_slice %arg6[%dma_start3A_1928, %dma_start3A_1937, %dma_start3A_1938] : memref<4x128x128xf32, #tpu.memory_space<vmem>> -> memref<1x128x128xf32, #tpu.memory_space<vmem>>
      %dma_start3A_1940 = tpu.memref_squeeze %dma_start3A_1939 : memref<1x128x128xf32, #tpu.memory_space<vmem>> -> memref<128x128xf32, #tpu.memory_space<vmem>>
      tpu.enqueue_dma source(%dma_start3A_1940 : memref<128x128xf32, #tpu.memory_space<vmem>>) target(%dma_start3A_1936 : memref<128x128xf32, #tpu.memory_space<hbm>>) target_semaphore(%arg12 : memref<!tpu.dma_semaphore, #tpu.memory_space<semaphore_mem>>)
      %dma_wait3A_1941 = arith.constant 0 : i32
      %dma_wait3A_1942 = arith.constant 0 : i32
      %dma_wait3A_1943 = arith.constant 0 : i32
      %dma_wait3A_1944 = tpu.memref_slice %arg6[%dma_wait3A_1941, %dma_wait3A_1942, %dma_wait3A_1943] : memref<4x128x128xf32, #tpu.memory_space<vmem>> -> memref<1x128x128xf32, #tpu.memory_space<vmem>>
      %dma_wait3A_1945 = tpu.memref_squeeze %dma_wait3A_1944 : memref<1x128x128xf32, #tpu.memory_space<vmem>> -> memref<128x128xf32, #tpu.memory_space<vmem>>
      %dma_wait3A_1946 = arith.constant 0 : i32
      %dma_wait3A_1947 = arith.constant 0 : i32
      %dma_wait3A_1948 = tpu.memref_slice %arg4[%dma_wait3A_1946, %dma_wait3A_1947] : memref<3276800x128xf32, #tpu.memory_space<hbm>> -> memref<128x128xf32, #tpu.memory_space<hbm>>
      %dma_wait3A_1949 = arith.constant 0 : i32
      %dma_wait3A_1950 = arith.constant 0 : i32
      %dma_wait3A_1951 = tpu.memref_slice %arg4[%dma_wait3A_1949, %dma_wait3A_1950] : memref<3276800x128xf32, #tpu.memory_space<hbm>> -> memref<128x128xf32, #tpu.memory_space<hbm>>
      %dma_wait3A_1952 = arith.constant 0 : i32
      %dma_wait3A_1953 = arith.constant 0 : i32
      %dma_wait3A_1954 = tpu.memref_slice %arg6[%dma_wait3A_1941, %dma_wait3A_1952, %dma_wait3A_1953] : memref<4x128x128xf32, #tpu.memory_space<vmem>> -> memref<1x128x128xf32, #tpu.memory_space<vmem>>
      %dma_wait3A_1955 = tpu.memref_squeeze %dma_wait3A_1954 : memref<1x128x128xf32, #tpu.memory_space<vmem>> -> memref<128x128xf32, #tpu.memory_space<vmem>>
      tpu.wait_dma2 semaphore(%arg11 : memref<!tpu.dma_semaphore, #tpu.memory_space<semaphore_mem>>) src(%dma_wait3A_1955 : memref<128x128xf32, #tpu.memory_space<vmem>>) dst(%dma_wait3A_1951 : memref<128x128xf32, #tpu.memory_space<hbm>>)
      %dma_start3A_1956 = arith.constant 1 : i32
      %dma_start3A_1957 = arith.constant 4 : i32
      %dma_start3A_1958 = arith.constant 0 : i32
      %dma_start3A_1959 = arith.constant 0 : i32
      %dma_start3A_1960 = arith.constant 0 : i32
      %dma_start3A_1961 = tpu.memref_slice %arg6[%dma_start3A_1958, %dma_start3A_1959, %dma_start3A_1960] : memref<4x128x128xf32, #tpu.memory_space<vmem>> -> memref<1x128x128xf32, #tpu.memory_space<vmem>>
      %dma_start3A_1962 = tpu.memref_squeeze %dma_start3A_1961 : memref<1x128x128xf32, #tpu.memory_space<vmem>> -> memref<128x128xf32, #tpu.memory_space<vmem>>
      %dma_start3A_1963 = arith.constant 0 : i32
      %dma_start3A_1964 = tpu.memref_slice %arg5[%dma_start3A_1956, %dma_start3A_1957, %dma_start3A_1963] : memref<2x8x128xi32, #tpu.memory_space<vmem>> -> memref<1x1x128xi32, #tpu.memory_space<vmem>>
      %dma_start3A_1965 = tpu.memref_squeeze %dma_start3A_1964 : memref<1x1x128xi32, #tpu.memory_space<vmem>> -> memref<128xi32, #tpu.memory_space<vmem>>
      %dma_start3A_1966 = arith.constant 0 : i32
      %dma_start3A_1967 = arith.constant 0 : i32
      %dma_start3A_1968 = tpu.memref_slice %arg3[%dma_start3A_1966, %dma_start3A_1967] : memref<100000x128xf32, #tpu.memory_space<hbm>> -> memref<100000x128xf32, #tpu.memory_space<hbm>>
      tpu.enqueue_indirect_dma source(%dma_start3A_1968 : memref<100000x128xf32, #tpu.memory_space<hbm>>) target(%dma_start3A_1962 : memref<128x128xf32, #tpu.memory_space<vmem>>) offsets(%dma_start3A_1965 : memref<128xi32, #tpu.memory_space<vmem>>) semaphore(%arg7 : memref<!tpu.dma_semaphore, #tpu.memory_space<semaphore_mem>>)
      %dma_wait3A_1969 = arith.constant 2 : i32
      %dma_wait3A_1970 = arith.constant 0 : i32
      %dma_wait3A_1971 = arith.constant 0 : i32
      %dma_wait3A_1972 = tpu.memref_slice %arg6[%dma_wait3A_1969, %dma_wait3A_1970, %dma_wait3A_1971] : memref<4x128x128xf32, #tpu.memory_space<vmem>> -> memref<1x128x128xf32, #tpu.memory_space<vmem>>
      %dma_wait3A_1973 = tpu.memref_squeeze %dma_wait3A_1972 : memref<1x128x128xf32, #tpu.memory_space<vmem>> -> memref<128x128xf32, #tpu.memory_space<vmem>>
      %dma_wait3A_1974 = arith.constant 0 : i32
      %dma_wait3A_1975 = arith.constant 0 : i32
      %dma_wait3A_1976 = tpu.memref_slice %arg4[%dma_wait3A_1974, %dma_wait3A_1975] : memref<3276800x128xf32, #tpu.memory_space<hbm>> -> memref<128x128xf32, #tpu.memory_space<hbm>>
      %dma_wait3A_1977 = arith.constant 0 : i32
      %dma_wait3A_1978 = arith.constant 0 : i32
      %dma_wait3A_1979 = tpu.memref_slice %arg6[%dma_wait3A_1969, %dma_wait3A_1977, %dma_wait3A_1978] : memref<4x128x128xf32, #tpu.memory_space<vmem>> -> memref<1x128x128xf32, #tpu.memory_space<vmem>>
      %dma_wait3A_1980 = tpu.memref_squeeze %dma_wait3A_1979 : memref<1x128x128xf32, #tpu.memory_space<vmem>> -> memref<128x128xf32, #tpu.memory_space<vmem>>
      %dma_wait3A_1981 = arith.constant 0 : i32
      %dma_wait3A_1982 = arith.constant 0 : i32
      %dma_wait3A_1983 = tpu.memref_slice %arg4[%dma_wait3A_1981, %dma_wait3A_1982] : memref<3276800x128xf32, #tpu.memory_space<hbm>> -> memref<128x128xf32, #tpu.memory_space<hbm>>
      tpu.wait_dma2 semaphore(%arg9 : memref<!tpu.dma_semaphore, #tpu.memory_space<semaphore_mem>>) src(%dma_wait3A_1983 : memref<128x128xf32, #tpu.memory_space<hbm>>) dst(%dma_wait3A_1980 : memref<128x128xf32, #tpu.memory_space<vmem>>)
      %add3A_1984 = arith.constant 4 : i32
      %add3A_1985 = arith.addi %add3A_1668, %add3A_1984 : i32
      %sub3A_1986 = arith.constant 2 : i32
      %sub3A_1987 = arith.subi %add3A_1985, %sub3A_1986 : i32
      %mul3A_1988 = arith.constant 128 : i32
      %mul3A_1989 = arith.muli %sub3A_1987, %mul3A_1988 : i32
      %multiple_of3A_1990 = tpu.assume_multiple %mul3A_1989, 128 : i32
      %dma_start3A_1991 = arith.constant 2 : i32
      %dma_start3A_1992 = arith.constant 0 : i32
      %dma_start3A_1993 = arith.constant 0 : i32
      %dma_start3A_1994 = tpu.memref_slice %arg6[%dma_start3A_1991, %dma_start3A_1992, %dma_start3A_1993] : memref<4x128x128xf32, #tpu.memory_space<vmem>> -> memref<1x128x128xf32, #tpu.memory_space<vmem>>
      %dma_start3A_1995 = tpu.memref_squeeze %dma_start3A_1994 : memref<1x128x128xf32, #tpu.memory_space<vmem>> -> memref<128x128xf32, #tpu.memory_space<vmem>>
      %dma_start3A_1996 = arith.constant 0 : i32
      %dma_start3A_1997 = tpu.memref_slice %arg4[%multiple_of3A_1990, %dma_start3A_1996] : memref<3276800x128xf32, #tpu.memory_space<hbm>> -> memref<128x128xf32, #tpu.memory_space<hbm>>
      %dma_start3A_1998 = arith.constant 0 : i32
      %dma_start3A_1999 = tpu.memref_slice %arg4[%multiple_of3A_1990, %dma_start3A_1998] : memref<3276800x128xf32, #tpu.memory_space<hbm>> -> memref<128x128xf32, #tpu.memory_space<hbm>>
      %dma_start3A_2000 = arith.constant 0 : i32
      %dma_start3A_2001 = arith.constant 0 : i32
      %dma_start3A_2002 = tpu.memref_slice %arg6[%dma_start3A_1991, %dma_start3A_2000, %dma_start3A_2001] : memref<4x128x128xf32, #tpu.memory_space<vmem>> -> memref<1x128x128xf32, #tpu.memory_space<vmem>>
      %dma_start3A_2003 = tpu.memref_squeeze %dma_start3A_2002 : memref<1x128x128xf32, #tpu.memory_space<vmem>> -> memref<128x128xf32, #tpu.memory_space<vmem>>
      tpu.enqueue_dma source(%dma_start3A_2003 : memref<128x128xf32, #tpu.memory_space<vmem>>) target(%dma_start3A_1999 : memref<128x128xf32, #tpu.memory_space<hbm>>) target_semaphore(%arg13 : memref<!tpu.dma_semaphore, #tpu.memory_space<semaphore_mem>>)
      %dma_wait3A_2004 = arith.constant 1 : i32
      %dma_wait3A_2005 = arith.constant 0 : i32
      %dma_wait3A_2006 = arith.constant 0 : i32
      %dma_wait3A_2007 = tpu.memref_slice %arg6[%dma_wait3A_2004, %dma_wait3A_2005, %dma_wait3A_2006] : memref<4x128x128xf32, #tpu.memory_space<vmem>> -> memref<1x128x128xf32, #tpu.memory_space<vmem>>
      %dma_wait3A_2008 = tpu.memref_squeeze %dma_wait3A_2007 : memref<1x128x128xf32, #tpu.memory_space<vmem>> -> memref<128x128xf32, #tpu.memory_space<vmem>>
      %dma_wait3A_2009 = arith.constant 0 : i32
      %dma_wait3A_2010 = arith.constant 0 : i32
      %dma_wait3A_2011 = tpu.memref_slice %arg4[%dma_wait3A_2009, %dma_wait3A_2010] : memref<3276800x128xf32, #tpu.memory_space<hbm>> -> memref<128x128xf32, #tpu.memory_space<hbm>>
      %dma_wait3A_2012 = arith.constant 0 : i32
      %dma_wait3A_2013 = arith.constant 0 : i32
      %dma_wait3A_2014 = tpu.memref_slice %arg4[%dma_wait3A_2012, %dma_wait3A_2013] : memref<3276800x128xf32, #tpu.memory_space<hbm>> -> memref<128x128xf32, #tpu.memory_space<hbm>>
      %dma_wait3A_2015 = arith.constant 0 : i32
      %dma_wait3A_2016 = arith.constant 0 : i32
      %dma_wait3A_2017 = tpu.memref_slice %arg6[%dma_wait3A_2004, %dma_wait3A_2015, %dma_wait3A_2016] : memref<4x128x128xf32, #tpu.memory_space<vmem>> -> memref<1x128x128xf32, #tpu.memory_space<vmem>>
      %dma_wait3A_2018 = tpu.memref_squeeze %dma_wait3A_2017 : memref<1x128x128xf32, #tpu.memory_space<vmem>> -> memref<128x128xf32, #tpu.memory_space<vmem>>
      tpu.wait_dma2 semaphore(%arg12 : memref<!tpu.dma_semaphore, #tpu.memory_space<semaphore_mem>>) src(%dma_wait3A_2018 : memref<128x128xf32, #tpu.memory_space<vmem>>) dst(%dma_wait3A_2014 : memref<128x128xf32, #tpu.memory_space<hbm>>)
      %dma_start3A_2019 = arith.constant 1 : i32
      %dma_start3A_2020 = arith.constant 5 : i32
      %dma_start3A_2021 = arith.constant 1 : i32
      %dma_start3A_2022 = arith.constant 0 : i32
      %dma_start3A_2023 = arith.constant 0 : i32
      %dma_start3A_2024 = tpu.memref_slice %arg6[%dma_start3A_2021, %dma_start3A_2022, %dma_start3A_2023] : memref<4x128x128xf32, #tpu.memory_space<vmem>> -> memref<1x128x128xf32, #tpu.memory_space<vmem>>
      %dma_start3A_2025 = tpu.memref_squeeze %dma_start3A_2024 : memref<1x128x128xf32, #tpu.memory_space<vmem>> -> memref<128x128xf32, #tpu.memory_space<vmem>>
      %dma_start3A_2026 = arith.constant 0 : i32
      %dma_start3A_2027 = tpu.memref_slice %arg5[%dma_start3A_2019, %dma_start3A_2020, %dma_start3A_2026] : memref<2x8x128xi32, #tpu.memory_space<vmem>> -> memref<1x1x128xi32, #tpu.memory_space<vmem>>
      %dma_start3A_2028 = tpu.memref_squeeze %dma_start3A_2027 : memref<1x1x128xi32, #tpu.memory_space<vmem>> -> memref<128xi32, #tpu.memory_space<vmem>>
      %dma_start3A_2029 = arith.constant 0 : i32
      %dma_start3A_2030 = arith.constant 0 : i32
      %dma_start3A_2031 = tpu.memref_slice %arg3[%dma_start3A_2029, %dma_start3A_2030] : memref<100000x128xf32, #tpu.memory_space<hbm>> -> memref<100000x128xf32, #tpu.memory_space<hbm>>
      tpu.enqueue_indirect_dma source(%dma_start3A_2031 : memref<100000x128xf32, #tpu.memory_space<hbm>>) target(%dma_start3A_2025 : memref<128x128xf32, #tpu.memory_space<vmem>>) offsets(%dma_start3A_2028 : memref<128xi32, #tpu.memory_space<vmem>>) semaphore(%arg8 : memref<!tpu.dma_semaphore, #tpu.memory_space<semaphore_mem>>)
      %dma_wait3A_2032 = arith.constant 3 : i32
      %dma_wait3A_2033 = arith.constant 0 : i32
      %dma_wait3A_2034 = arith.constant 0 : i32
      %dma_wait3A_2035 = tpu.memref_slice %arg6[%dma_wait3A_2032, %dma_wait3A_2033, %dma_wait3A_2034] : memref<4x128x128xf32, #tpu.memory_space<vmem>> -> memref<1x128x128xf32, #tpu.memory_space<vmem>>
      %dma_wait3A_2036 = tpu.memref_squeeze %dma_wait3A_2035 : memref<1x128x128xf32, #tpu.memory_space<vmem>> -> memref<128x128xf32, #tpu.memory_space<vmem>>
      %dma_wait3A_2037 = arith.constant 0 : i32
      %dma_wait3A_2038 = arith.constant 0 : i32
      %dma_wait3A_2039 = tpu.memref_slice %arg4[%dma_wait3A_2037, %dma_wait3A_2038] : memref<3276800x128xf32, #tpu.memory_space<hbm>> -> memref<128x128xf32, #tpu.memory_space<hbm>>
      %dma_wait3A_2040 = arith.constant 0 : i32
      %dma_wait3A_2041 = arith.constant 0 : i32
      %dma_wait3A_2042 = tpu.memref_slice %arg6[%dma_wait3A_2032, %dma_wait3A_2040, %dma_wait3A_2041] : memref<4x128x128xf32, #tpu.memory_space<vmem>> -> memref<1x128x128xf32, #tpu.memory_space<vmem>>
      %dma_wait3A_2043 = tpu.memref_squeeze %dma_wait3A_2042 : memref<1x128x128xf32, #tpu.memory_space<vmem>> -> memref<128x128xf32, #tpu.memory_space<vmem>>
      %dma_wait3A_2044 = arith.constant 0 : i32
      %dma_wait3A_2045 = arith.constant 0 : i32
      %dma_wait3A_2046 = tpu.memref_slice %arg4[%dma_wait3A_2044, %dma_wait3A_2045] : memref<3276800x128xf32, #tpu.memory_space<hbm>> -> memref<128x128xf32, #tpu.memory_space<hbm>>
      tpu.wait_dma2 semaphore(%arg10 : memref<!tpu.dma_semaphore, #tpu.memory_space<semaphore_mem>>) src(%dma_wait3A_2046 : memref<128x128xf32, #tpu.memory_space<hbm>>) dst(%dma_wait3A_2043 : memref<128x128xf32, #tpu.memory_space<vmem>>)
      %add3A_2047 = arith.constant 5 : i32
      %add3A_2048 = arith.addi %add3A_1668, %add3A_2047 : i32
      %sub3A_2049 = arith.constant 2 : i32
      %sub3A_2050 = arith.subi %add3A_2048, %sub3A_2049 : i32
      %mul3A_2051 = arith.constant 128 : i32
      %mul3A_2052 = arith.muli %sub3A_2050, %mul3A_2051 : i32
      %multiple_of3A_2053 = tpu.assume_multiple %mul3A_2052, 128 : i32
      %dma_start3A_2054 = arith.constant 3 : i32
      %dma_start3A_2055 = arith.constant 0 : i32
      %dma_start3A_2056 = arith.constant 0 : i32
      %dma_start3A_2057 = tpu.memref_slice %arg6[%dma_start3A_2054, %dma_start3A_2055, %dma_start3A_2056] : memref<4x128x128xf32, #tpu.memory_space<vmem>> -> memref<1x128x128xf32, #tpu.memory_space<vmem>>
      %dma_start3A_2058 = tpu.memref_squeeze %dma_start3A_2057 : memref<1x128x128xf32, #tpu.memory_space<vmem>> -> memref<128x128xf32, #tpu.memory_space<vmem>>
      %dma_start3A_2059 = arith.constant 0 : i32
      %dma_start3A_2060 = tpu.memref_slice %arg4[%multiple_of3A_2053, %dma_start3A_2059] : memref<3276800x128xf32, #tpu.memory_space<hbm>> -> memref<128x128xf32, #tpu.memory_space<hbm>>
      %dma_start3A_2061 = arith.constant 0 : i32
      %dma_start3A_2062 = tpu.memref_slice %arg4[%multiple_of3A_2053, %dma_start3A_2061] : memref<3276800x128xf32, #tpu.memory_space<hbm>> -> memref<128x128xf32, #tpu.memory_space<hbm>>
      %dma_start3A_2063 = arith.constant 0 : i32
      %dma_start3A_2064 = arith.constant 0 : i32
      %dma_start3A_2065 = tpu.memref_slice %arg6[%dma_start3A_2054, %dma_start3A_2063, %dma_start3A_2064] : memref<4x128x128xf32, #tpu.memory_space<vmem>> -> memref<1x128x128xf32, #tpu.memory_space<vmem>>
      %dma_start3A_2066 = tpu.memref_squeeze %dma_start3A_2065 : memref<1x128x128xf32, #tpu.memory_space<vmem>> -> memref<128x128xf32, #tpu.memory_space<vmem>>
      tpu.enqueue_dma source(%dma_start3A_2066 : memref<128x128xf32, #tpu.memory_space<vmem>>) target(%dma_start3A_2062 : memref<128x128xf32, #tpu.memory_space<hbm>>) target_semaphore(%arg14 : memref<!tpu.dma_semaphore, #tpu.memory_space<semaphore_mem>>)
      %dma_wait3A_2067 = arith.constant 2 : i32
      %dma_wait3A_2068 = arith.constant 0 : i32
      %dma_wait3A_2069 = arith.constant 0 : i32
      %dma_wait3A_2070 = tpu.memref_slice %arg6[%dma_wait3A_2067, %dma_wait3A_2068, %dma_wait3A_2069] : memref<4x128x128xf32, #tpu.memory_space<vmem>> -> memref<1x128x128xf32, #tpu.memory_space<vmem>>
      %dma_wait3A_2071 = tpu.memref_squeeze %dma_wait3A_2070 : memref<1x128x128xf32, #tpu.memory_space<vmem>> -> memref<128x128xf32, #tpu.memory_space<vmem>>
      %dma_wait3A_2072 = arith.constant 0 : i32
      %dma_wait3A_2073 = arith.constant 0 : i32
      %dma_wait3A_2074 = tpu.memref_slice %arg4[%dma_wait3A_2072, %dma_wait3A_2073] : memref<3276800x128xf32, #tpu.memory_space<hbm>> -> memref<128x128xf32, #tpu.memory_space<hbm>>
      %dma_wait3A_2075 = arith.constant 0 : i32
      %dma_wait3A_2076 = arith.constant 0 : i32
      %dma_wait3A_2077 = tpu.memref_slice %arg4[%dma_wait3A_2075, %dma_wait3A_2076] : memref<3276800x128xf32, #tpu.memory_space<hbm>> -> memref<128x128xf32, #tpu.memory_space<hbm>>
      %dma_wait3A_2078 = arith.constant 0 : i32
      %dma_wait3A_2079 = arith.constant 0 : i32
      %dma_wait3A_2080 = tpu.memref_slice %arg6[%dma_wait3A_2067, %dma_wait3A_2078, %dma_wait3A_2079] : memref<4x128x128xf32, #tpu.memory_space<vmem>> -> memref<1x128x128xf32, #tpu.memory_space<vmem>>
      %dma_wait3A_2081 = tpu.memref_squeeze %dma_wait3A_2080 : memref<1x128x128xf32, #tpu.memory_space<vmem>> -> memref<128x128xf32, #tpu.memory_space<vmem>>
      tpu.wait_dma2 semaphore(%arg13 : memref<!tpu.dma_semaphore, #tpu.memory_space<semaphore_mem>>) src(%dma_wait3A_2081 : memref<128x128xf32, #tpu.memory_space<vmem>>) dst(%dma_wait3A_2077 : memref<128x128xf32, #tpu.memory_space<hbm>>)
      %dma_start3A_2082 = arith.constant 1 : i32
      %dma_start3A_2083 = arith.constant 6 : i32
      %dma_start3A_2084 = arith.constant 2 : i32
      %dma_start3A_2085 = arith.constant 0 : i32
      %dma_start3A_2086 = arith.constant 0 : i32
      %dma_start3A_2087 = tpu.memref_slice %arg6[%dma_start3A_2084, %dma_start3A_2085, %dma_start3A_2086] : memref<4x128x128xf32, #tpu.memory_space<vmem>> -> memref<1x128x128xf32, #tpu.memory_space<vmem>>
      %dma_start3A_2088 = tpu.memref_squeeze %dma_start3A_2087 : memref<1x128x128xf32, #tpu.memory_space<vmem>> -> memref<128x128xf32, #tpu.memory_space<vmem>>
      %dma_start3A_2089 = arith.constant 0 : i32
      %dma_start3A_2090 = tpu.memref_slice %arg5[%dma_start3A_2082, %dma_start3A_2083, %dma_start3A_2089] : memref<2x8x128xi32, #tpu.memory_space<vmem>> -> memref<1x1x128xi32, #tpu.memory_space<vmem>>
      %dma_start3A_2091 = tpu.memref_squeeze %dma_start3A_2090 : memref<1x1x128xi32, #tpu.memory_space<vmem>> -> memref<128xi32, #tpu.memory_space<vmem>>
      %dma_start3A_2092 = arith.constant 0 : i32
      %dma_start3A_2093 = arith.constant 0 : i32
      %dma_start3A_2094 = tpu.memref_slice %arg3[%dma_start3A_2092, %dma_start3A_2093] : memref<100000x128xf32, #tpu.memory_space<hbm>> -> memref<100000x128xf32, #tpu.memory_space<hbm>>
      tpu.enqueue_indirect_dma source(%dma_start3A_2094 : memref<100000x128xf32, #tpu.memory_space<hbm>>) target(%dma_start3A_2088 : memref<128x128xf32, #tpu.memory_space<vmem>>) offsets(%dma_start3A_2091 : memref<128xi32, #tpu.memory_space<vmem>>) semaphore(%arg9 : memref<!tpu.dma_semaphore, #tpu.memory_space<semaphore_mem>>)
      %dma_wait3A_2095 = arith.constant 0 : i32
      %dma_wait3A_2096 = arith.constant 0 : i32
      %dma_wait3A_2097 = arith.constant 0 : i32
      %dma_wait3A_2098 = tpu.memref_slice %arg6[%dma_wait3A_2095, %dma_wait3A_2096, %dma_wait3A_2097] : memref<4x128x128xf32, #tpu.memory_space<vmem>> -> memref<1x128x128xf32, #tpu.memory_space<vmem>>
      %dma_wait3A_2099 = tpu.memref_squeeze %dma_wait3A_2098 : memref<1x128x128xf32, #tpu.memory_space<vmem>> -> memref<128x128xf32, #tpu.memory_space<vmem>>
      %dma_wait3A_2100 = arith.constant 0 : i32
      %dma_wait3A_2101 = arith.constant 0 : i32
      %dma_wait3A_2102 = tpu.memref_slice %arg4[%dma_wait3A_2100, %dma_wait3A_2101] : memref<3276800x128xf32, #tpu.memory_space<hbm>> -> memref<128x128xf32, #tpu.memory_space<hbm>>
      %dma_wait3A_2103 = arith.constant 0 : i32
      %dma_wait3A_2104 = arith.constant 0 : i32
      %dma_wait3A_2105 = tpu.memref_slice %arg6[%dma_wait3A_2095, %dma_wait3A_2103, %dma_wait3A_2104] : memref<4x128x128xf32, #tpu.memory_space<vmem>> -> memref<1x128x128xf32, #tpu.memory_space<vmem>>
      %dma_wait3A_2106 = tpu.memref_squeeze %dma_wait3A_2105 : memref<1x128x128xf32, #tpu.memory_space<vmem>> -> memref<128x128xf32, #tpu.memory_space<vmem>>
      %dma_wait3A_2107 = arith.constant 0 : i32
      %dma_wait3A_2108 = arith.constant 0 : i32
      %dma_wait3A_2109 = tpu.memref_slice %arg4[%dma_wait3A_2107, %dma_wait3A_2108] : memref<3276800x128xf32, #tpu.memory_space<hbm>> -> memref<128x128xf32, #tpu.memory_space<hbm>>
      tpu.wait_dma2 semaphore(%arg7 : memref<!tpu.dma_semaphore, #tpu.memory_space<semaphore_mem>>) src(%dma_wait3A_2109 : memref<128x128xf32, #tpu.memory_space<hbm>>) dst(%dma_wait3A_2106 : memref<128x128xf32, #tpu.memory_space<vmem>>)
      %add3A_2110 = arith.constant 6 : i32
      %add3A_2111 = arith.addi %add3A_1668, %add3A_2110 : i32
      %sub3A_2112 = arith.constant 2 : i32
      %sub3A_2113 = arith.subi %add3A_2111, %sub3A_2112 : i32
      %mul3A_2114 = arith.constant 128 : i32
      %mul3A_2115 = arith.muli %sub3A_2113, %mul3A_2114 : i32
      %multiple_of3A_2116 = tpu.assume_multiple %mul3A_2115, 128 : i32
      %dma_start3A_2117 = arith.constant 0 : i32
      %dma_start3A_2118 = arith.constant 0 : i32
      %dma_start3A_2119 = arith.constant 0 : i32
      %dma_start3A_2120 = tpu.memref_slice %arg6[%dma_start3A_2117, %dma_start3A_2118, %dma_start3A_2119] : memref<4x128x128xf32, #tpu.memory_space<vmem>> -> memref<1x128x128xf32, #tpu.memory_space<vmem>>
      %dma_start3A_2121 = tpu.memref_squeeze %dma_start3A_2120 : memref<1x128x128xf32, #tpu.memory_space<vmem>> -> memref<128x128xf32, #tpu.memory_space<vmem>>
      %dma_start3A_2122 = arith.constant 0 : i32
      %dma_start3A_2123 = tpu.memref_slice %arg4[%multiple_of3A_2116, %dma_start3A_2122] : memref<3276800x128xf32, #tpu.memory_space<hbm>> -> memref<128x128xf32, #tpu.memory_space<hbm>>
      %dma_start3A_2124 = arith.constant 0 : i32
      %dma_start3A_2125 = tpu.memref_slice %arg4[%multiple_of3A_2116, %dma_start3A_2124] : memref<3276800x128xf32, #tpu.memory_space<hbm>> -> memref<128x128xf32, #tpu.memory_space<hbm>>
      %dma_start3A_2126 = arith.constant 0 : i32
      %dma_start3A_2127 = arith.constant 0 : i32
      %dma_start3A_2128 = tpu.memref_slice %arg6[%dma_start3A_2117, %dma_start3A_2126, %dma_start3A_2127] : memref<4x128x128xf32, #tpu.memory_space<vmem>> -> memref<1x128x128xf32, #tpu.memory_space<vmem>>
      %dma_start3A_2129 = tpu.memref_squeeze %dma_start3A_2128 : memref<1x128x128xf32, #tpu.memory_space<vmem>> -> memref<128x128xf32, #tpu.memory_space<vmem>>
      tpu.enqueue_dma source(%dma_start3A_2129 : memref<128x128xf32, #tpu.memory_space<vmem>>) target(%dma_start3A_2125 : memref<128x128xf32, #tpu.memory_space<hbm>>) target_semaphore(%arg11 : memref<!tpu.dma_semaphore, #tpu.memory_space<semaphore_mem>>)
      %dma_wait3A_2130 = arith.constant 3 : i32
      %dma_wait3A_2131 = arith.constant 0 : i32
      %dma_wait3A_2132 = arith.constant 0 : i32
      %dma_wait3A_2133 = tpu.memref_slice %arg6[%dma_wait3A_2130, %dma_wait3A_2131, %dma_wait3A_2132] : memref<4x128x128xf32, #tpu.memory_space<vmem>> -> memref<1x128x128xf32, #tpu.memory_space<vmem>>
      %dma_wait3A_2134 = tpu.memref_squeeze %dma_wait3A_2133 : memref<1x128x128xf32, #tpu.memory_space<vmem>> -> memref<128x128xf32, #tpu.memory_space<vmem>>
      %dma_wait3A_2135 = arith.constant 0 : i32
      %dma_wait3A_2136 = arith.constant 0 : i32
      %dma_wait3A_2137 = tpu.memref_slice %arg4[%dma_wait3A_2135, %dma_wait3A_2136] : memref<3276800x128xf32, #tpu.memory_space<hbm>> -> memref<128x128xf32, #tpu.memory_space<hbm>>
      %dma_wait3A_2138 = arith.constant 0 : i32
      %dma_wait3A_2139 = arith.constant 0 : i32
      %dma_wait3A_2140 = tpu.memref_slice %arg4[%dma_wait3A_2138, %dma_wait3A_2139] : memref<3276800x128xf32, #tpu.memory_space<hbm>> -> memref<128x128xf32, #tpu.memory_space<hbm>>
      %dma_wait3A_2141 = arith.constant 0 : i32
      %dma_wait3A_2142 = arith.constant 0 : i32
      %dma_wait3A_2143 = tpu.memref_slice %arg6[%dma_wait3A_2130, %dma_wait3A_2141, %dma_wait3A_2142] : memref<4x128x128xf32, #tpu.memory_space<vmem>> -> memref<1x128x128xf32, #tpu.memory_space<vmem>>
      %dma_wait3A_2144 = tpu.memref_squeeze %dma_wait3A_2143 : memref<1x128x128xf32, #tpu.memory_space<vmem>> -> memref<128x128xf32, #tpu.memory_space<vmem>>
      tpu.wait_dma2 semaphore(%arg14 : memref<!tpu.dma_semaphore, #tpu.memory_space<semaphore_mem>>) src(%dma_wait3A_2144 : memref<128x128xf32, #tpu.memory_space<vmem>>) dst(%dma_wait3A_2140 : memref<128x128xf32, #tpu.memory_space<hbm>>)
      %dma_start3A_2145 = arith.constant 1 : i32
      %dma_start3A_2146 = arith.constant 7 : i32
      %dma_start3A_2147 = arith.constant 3 : i32
      %dma_start3A_2148 = arith.constant 0 : i32
      %dma_start3A_2149 = arith.constant 0 : i32
      %dma_start3A_2150 = tpu.memref_slice %arg6[%dma_start3A_2147, %dma_start3A_2148, %dma_start3A_2149] : memref<4x128x128xf32, #tpu.memory_space<vmem>> -> memref<1x128x128xf32, #tpu.memory_space<vmem>>
      %dma_start3A_2151 = tpu.memref_squeeze %dma_start3A_2150 : memref<1x128x128xf32, #tpu.memory_space<vmem>> -> memref<128x128xf32, #tpu.memory_space<vmem>>
      %dma_start3A_2152 = arith.constant 0 : i32
      %dma_start3A_2153 = tpu.memref_slice %arg5[%dma_start3A_2145, %dma_start3A_2146, %dma_start3A_2152] : memref<2x8x128xi32, #tpu.memory_space<vmem>> -> memref<1x1x128xi32, #tpu.memory_space<vmem>>
      %dma_start3A_2154 = tpu.memref_squeeze %dma_start3A_2153 : memref<1x1x128xi32, #tpu.memory_space<vmem>> -> memref<128xi32, #tpu.memory_space<vmem>>
      %dma_start3A_2155 = arith.constant 0 : i32
      %dma_start3A_2156 = arith.constant 0 : i32
      %dma_start3A_2157 = tpu.memref_slice %arg3[%dma_start3A_2155, %dma_start3A_2156] : memref<100000x128xf32, #tpu.memory_space<hbm>> -> memref<100000x128xf32, #tpu.memory_space<hbm>>
      tpu.enqueue_indirect_dma source(%dma_start3A_2157 : memref<100000x128xf32, #tpu.memory_space<hbm>>) target(%dma_start3A_2151 : memref<128x128xf32, #tpu.memory_space<vmem>>) offsets(%dma_start3A_2154 : memref<128xi32, #tpu.memory_space<vmem>>) semaphore(%arg10 : memref<!tpu.dma_semaphore, #tpu.memory_space<semaphore_mem>>)
      %dma_wait3A_2158 = arith.constant 1 : i32
      %dma_wait3A_2159 = arith.constant 0 : i32
      %dma_wait3A_2160 = arith.constant 0 : i32
      %dma_wait3A_2161 = tpu.memref_slice %arg6[%dma_wait3A_2158, %dma_wait3A_2159, %dma_wait3A_2160] : memref<4x128x128xf32, #tpu.memory_space<vmem>> -> memref<1x128x128xf32, #tpu.memory_space<vmem>>
      %dma_wait3A_2162 = tpu.memref_squeeze %dma_wait3A_2161 : memref<1x128x128xf32, #tpu.memory_space<vmem>> -> memref<128x128xf32, #tpu.memory_space<vmem>>
      %dma_wait3A_2163 = arith.constant 0 : i32
      %dma_wait3A_2164 = arith.constant 0 : i32
      %dma_wait3A_2165 = tpu.memref_slice %arg4[%dma_wait3A_2163, %dma_wait3A_2164] : memref<3276800x128xf32, #tpu.memory_space<hbm>> -> memref<128x128xf32, #tpu.memory_space<hbm>>
      %dma_wait3A_2166 = arith.constant 0 : i32
      %dma_wait3A_2167 = arith.constant 0 : i32
      %dma_wait3A_2168 = tpu.memref_slice %arg6[%dma_wait3A_2158, %dma_wait3A_2166, %dma_wait3A_2167] : memref<4x128x128xf32, #tpu.memory_space<vmem>> -> memref<1x128x128xf32, #tpu.memory_space<vmem>>
      %dma_wait3A_2169 = tpu.memref_squeeze %dma_wait3A_2168 : memref<1x128x128xf32, #tpu.memory_space<vmem>> -> memref<128x128xf32, #tpu.memory_space<vmem>>
      %dma_wait3A_2170 = arith.constant 0 : i32
      %dma_wait3A_2171 = arith.constant 0 : i32
      %dma_wait3A_2172 = tpu.memref_slice %arg4[%dma_wait3A_2170, %dma_wait3A_2171] : memref<3276800x128xf32, #tpu.memory_space<hbm>> -> memref<128x128xf32, #tpu.memory_space<hbm>>
      tpu.wait_dma2 semaphore(%arg8 : memref<!tpu.dma_semaphore, #tpu.memory_space<semaphore_mem>>) src(%dma_wait3A_2172 : memref<128x128xf32, #tpu.memory_space<hbm>>) dst(%dma_wait3A_2169 : memref<128x128xf32, #tpu.memory_space<vmem>>)
      %add3A_2173 = arith.constant 7 : i32
      %add3A_2174 = arith.addi %add3A_1668, %add3A_2173 : i32
      %sub3A_2175 = arith.constant 2 : i32
      %sub3A_2176 = arith.subi %add3A_2174, %sub3A_2175 : i32
      %mul3A_2177 = arith.constant 128 : i32
      %mul3A_2178 = arith.muli %sub3A_2176, %mul3A_2177 : i32
      %multiple_of3A_2179 = tpu.assume_multiple %mul3A_2178, 128 : i32
      %dma_start3A_2180 = arith.constant 1 : i32
      %dma_start3A_2181 = arith.constant 0 : i32
      %dma_start3A_2182 = arith.constant 0 : i32
      %dma_start3A_2183 = tpu.memref_slice %arg6[%dma_start3A_2180, %dma_start3A_2181, %dma_start3A_2182] : memref<4x128x128xf32, #tpu.memory_space<vmem>> -> memref<1x128x128xf32, #tpu.memory_space<vmem>>
      %dma_start3A_2184 = tpu.memref_squeeze %dma_start3A_2183 : memref<1x128x128xf32, #tpu.memory_space<vmem>> -> memref<128x128xf32, #tpu.memory_space<vmem>>
      %dma_start3A_2185 = arith.constant 0 : i32
      %dma_start3A_2186 = tpu.memref_slice %arg4[%multiple_of3A_2179, %dma_start3A_2185] : memref<3276800x128xf32, #tpu.memory_space<hbm>> -> memref<128x128xf32, #tpu.memory_space<hbm>>
      %dma_start3A_2187 = arith.constant 0 : i32
      %dma_start3A_2188 = tpu.memref_slice %arg4[%multiple_of3A_2179, %dma_start3A_2187] : memref<3276800x128xf32, #tpu.memory_space<hbm>> -> memref<128x128xf32, #tpu.memory_space<hbm>>
      %dma_start3A_2189 = arith.constant 0 : i32
      %dma_start3A_2190 = arith.constant 0 : i32
      %dma_start3A_2191 = tpu.memref_slice %arg6[%dma_start3A_2180, %dma_start3A_2189, %dma_start3A_2190] : memref<4x128x128xf32, #tpu.memory_space<vmem>> -> memref<1x128x128xf32, #tpu.memory_space<vmem>>
      %dma_start3A_2192 = tpu.memref_squeeze %dma_start3A_2191 : memref<1x128x128xf32, #tpu.memory_space<vmem>> -> memref<128x128xf32, #tpu.memory_space<vmem>>
      tpu.enqueue_dma source(%dma_start3A_2192 : memref<128x128xf32, #tpu.memory_space<vmem>>) target(%dma_start3A_2188 : memref<128x128xf32, #tpu.memory_space<hbm>>) target_semaphore(%arg12 : memref<!tpu.dma_semaphore, #tpu.memory_space<semaphore_mem>>)
    }
    %scan3A_958 = arith.constant 49 : i32
    %dma_wait3A_959 = arith.constant 2 : i32
    %dma_wait3A_960 = arith.constant 0 : i32
    %dma_wait3A_961 = arith.constant 0 : i32
    %dma_wait3A_962 = tpu.memref_slice %arg6[%dma_wait3A_959, %dma_wait3A_960, %dma_wait3A_961] : memref<4x128x128xf32, #tpu.memory_space<vmem>> -> memref<1x128x128xf32, #tpu.memory_space<vmem>>
    %dma_wait3A_963 = tpu.memref_squeeze %dma_wait3A_962 : memref<1x128x128xf32, #tpu.memory_space<vmem>> -> memref<128x128xf32, #tpu.memory_space<vmem>>
    %dma_wait3A_964 = arith.constant 0 : i32
    %dma_wait3A_965 = arith.constant 0 : i32
    %dma_wait3A_966 = tpu.memref_slice %arg4[%dma_wait3A_964, %dma_wait3A_965] : memref<3276800x128xf32, #tpu.memory_space<hbm>> -> memref<128x128xf32, #tpu.memory_space<hbm>>
    %dma_wait3A_967 = arith.constant 0 : i32
    %dma_wait3A_968 = arith.constant 0 : i32
    %dma_wait3A_969 = tpu.memref_slice %arg6[%dma_wait3A_959, %dma_wait3A_967, %dma_wait3A_968] : memref<4x128x128xf32, #tpu.memory_space<vmem>> -> memref<1x128x128xf32, #tpu.memory_space<vmem>>
    %dma_wait3A_970 = tpu.memref_squeeze %dma_wait3A_969 : memref<1x128x128xf32, #tpu.memory_space<vmem>> -> memref<128x128xf32, #tpu.memory_space<vmem>>
    %dma_wait3A_971 = arith.constant 0 : i32
    %dma_wait3A_972 = arith.constant 0 : i32
    %dma_wait3A_973 = tpu.memref_slice %arg4[%dma_wait3A_971, %dma_wait3A_972] : memref<3276800x128xf32, #tpu.memory_space<hbm>> -> memref<128x128xf32, #tpu.memory_space<hbm>>
    tpu.wait_dma2 semaphore(%arg9 : memref<!tpu.dma_semaphore, #tpu.memory_space<semaphore_mem>>) src(%dma_wait3A_973 : memref<128x128xf32, #tpu.memory_space<hbm>>) dst(%dma_wait3A_970 : memref<128x128xf32, #tpu.memory_space<vmem>>)
    %add3A_974 = arith.constant 800 : i32
    %add3A_975 = arith.addi %mul3A_2, %add3A_974 : i32
    %sub3A_976 = arith.constant 2 : i32
    %sub3A_977 = arith.subi %add3A_975, %sub3A_976 : i32
    %add3A_978 = arith.constant 0 : i32
    %add3A_979 = arith.addi %sub3A_977, %add3A_978 : i32
    %mul3A_980 = arith.constant 128 : i32
    %mul3A_981 = arith.muli %add3A_979, %mul3A_980 : i32
    %multiple_of3A_982 = tpu.assume_multiple %mul3A_981, 128 : i32
    %dma_start3A_983 = arith.constant 2 : i32
    %dma_start3A_984 = arith.constant 0 : i32
    %dma_start3A_985 = arith.constant 0 : i32
    %dma_start3A_986 = tpu.memref_slice %arg6[%dma_start3A_983, %dma_start3A_984, %dma_start3A_985] : memref<4x128x128xf32, #tpu.memory_space<vmem>> -> memref<1x128x128xf32, #tpu.memory_space<vmem>>
    %dma_start3A_987 = tpu.memref_squeeze %dma_start3A_986 : memref<1x128x128xf32, #tpu.memory_space<vmem>> -> memref<128x128xf32, #tpu.memory_space<vmem>>
    %dma_start3A_988 = arith.constant 0 : i32
    %dma_start3A_989 = tpu.memref_slice %arg4[%multiple_of3A_982, %dma_start3A_988] : memref<3276800x128xf32, #tpu.memory_space<hbm>> -> memref<128x128xf32, #tpu.memory_space<hbm>>
    %dma_start3A_990 = arith.constant 0 : i32
    %dma_start3A_991 = tpu.memref_slice %arg4[%multiple_of3A_982, %dma_start3A_990] : memref<3276800x128xf32, #tpu.memory_space<hbm>> -> memref<128x128xf32, #tpu.memory_space<hbm>>
    %dma_start3A_992 = arith.constant 0 : i32
    %dma_start3A_993 = arith.constant 0 : i32
    %dma_start3A_994 = tpu.memref_slice %arg6[%dma_start3A_983, %dma_start3A_992, %dma_start3A_993] : memref<4x128x128xf32, #tpu.memory_space<vmem>> -> memref<1x128x128xf32, #tpu.memory_space<vmem>>
    %dma_start3A_995 = tpu.memref_squeeze %dma_start3A_994 : memref<1x128x128xf32, #tpu.memory_space<vmem>> -> memref<128x128xf32, #tpu.memory_space<vmem>>
    tpu.enqueue_dma source(%dma_start3A_995 : memref<128x128xf32, #tpu.memory_space<vmem>>) target(%dma_start3A_991 : memref<128x128xf32, #tpu.memory_space<hbm>>) target_semaphore(%arg13 : memref<!tpu.dma_semaphore, #tpu.memory_space<semaphore_mem>>)
    %dma_wait3A_996 = arith.constant 3 : i32
    %dma_wait3A_997 = arith.constant 0 : i32
    %dma_wait3A_998 = arith.constant 0 : i32
    %dma_wait3A_999 = tpu.memref_slice %arg6[%dma_wait3A_996, %dma_wait3A_997, %dma_wait3A_998] : memref<4x128x128xf32, #tpu.memory_space<vmem>> -> memref<1x128x128xf32, #tpu.memory_space<vmem>>
    %dma_wait3A_1000 = tpu.memref_squeeze %dma_wait3A_999 : memref<1x128x128xf32, #tpu.memory_space<vmem>> -> memref<128x128xf32, #tpu.memory_space<vmem>>
    %dma_wait3A_1001 = arith.constant 0 : i32
    %dma_wait3A_1002 = arith.constant 0 : i32
    %dma_wait3A_1003 = tpu.memref_slice %arg4[%dma_wait3A_1001, %dma_wait3A_1002] : memref<3276800x128xf32, #tpu.memory_space<hbm>> -> memref<128x128xf32, #tpu.memory_space<hbm>>
    %dma_wait3A_1004 = arith.constant 0 : i32
    %dma_wait3A_1005 = arith.constant 0 : i32
    %dma_wait3A_1006 = tpu.memref_slice %arg6[%dma_wait3A_996, %dma_wait3A_1004, %dma_wait3A_1005] : memref<4x128x128xf32, #tpu.memory_space<vmem>> -> memref<1x128x128xf32, #tpu.memory_space<vmem>>
    %dma_wait3A_1007 = tpu.memref_squeeze %dma_wait3A_1006 : memref<1x128x128xf32, #tpu.memory_space<vmem>> -> memref<128x128xf32, #tpu.memory_space<vmem>>
    %dma_wait3A_1008 = arith.constant 0 : i32
    %dma_wait3A_1009 = arith.constant 0 : i32
    %dma_wait3A_1010 = tpu.memref_slice %arg4[%dma_wait3A_1008, %dma_wait3A_1009] : memref<3276800x128xf32, #tpu.memory_space<hbm>> -> memref<128x128xf32, #tpu.memory_space<hbm>>
    tpu.wait_dma2 semaphore(%arg10 : memref<!tpu.dma_semaphore, #tpu.memory_space<semaphore_mem>>) src(%dma_wait3A_1010 : memref<128x128xf32, #tpu.memory_space<hbm>>) dst(%dma_wait3A_1007 : memref<128x128xf32, #tpu.memory_space<vmem>>)
    %add3A_1011 = arith.constant 800 : i32
    %add3A_1012 = arith.addi %mul3A_2, %add3A_1011 : i32
    %sub3A_1013 = arith.constant 2 : i32
    %sub3A_1014 = arith.subi %add3A_1012, %sub3A_1013 : i32
    %add3A_1015 = arith.constant 1 : i32
    %add3A_1016 = arith.addi %sub3A_1014, %add3A_1015 : i32
    %mul3A_1017 = arith.constant 128 : i32
    %mul3A_1018 = arith.muli %add3A_1016, %mul3A_1017 : i32
    %multiple_of3A_1019 = tpu.assume_multiple %mul3A_1018, 128 : i32
    %dma_start3A_1020 = arith.constant 3 : i32
    %dma_start3A_1021 = arith.constant 0 : i32
    %dma_start3A_1022 = arith.constant 0 : i32
    %dma_start3A_1023 = tpu.memref_slice %arg6[%dma_start3A_1020, %dma_start3A_1021, %dma_start3A_1022] : memref<4x128x128xf32, #tpu.memory_space<vmem>> -> memref<1x128x128xf32, #tpu.memory_space<vmem>>
    %dma_start3A_1024 = tpu.memref_squeeze %dma_start3A_1023 : memref<1x128x128xf32, #tpu.memory_space<vmem>> -> memref<128x128xf32, #tpu.memory_space<vmem>>
    %dma_start3A_1025 = arith.constant 0 : i32
    %dma_start3A_1026 = tpu.memref_slice %arg4[%multiple_of3A_1019, %dma_start3A_1025] : memref<3276800x128xf32, #tpu.memory_space<hbm>> -> memref<128x128xf32, #tpu.memory_space<hbm>>
    %dma_start3A_1027 = arith.constant 0 : i32
    %dma_start3A_1028 = tpu.memref_slice %arg4[%multiple_of3A_1019, %dma_start3A_1027] : memref<3276800x128xf32, #tpu.memory_space<hbm>> -> memref<128x128xf32, #tpu.memory_space<hbm>>
    %dma_start3A_1029 = arith.constant 0 : i32
    %dma_start3A_1030 = arith.constant 0 : i32
    %dma_start3A_1031 = tpu.memref_slice %arg6[%dma_start3A_1020, %dma_start3A_1029, %dma_start3A_1030] : memref<4x128x128xf32, #tpu.memory_space<vmem>> -> memref<1x128x128xf32, #tpu.memory_space<vmem>>
    %dma_start3A_1032 = tpu.memref_squeeze %dma_start3A_1031 : memref<1x128x128xf32, #tpu.memory_space<vmem>> -> memref<128x128xf32, #tpu.memory_space<vmem>>
    tpu.enqueue_dma source(%dma_start3A_1032 : memref<128x128xf32, #tpu.memory_space<vmem>>) target(%dma_start3A_1028 : memref<128x128xf32, #tpu.memory_space<hbm>>) target_semaphore(%arg14 : memref<!tpu.dma_semaphore, #tpu.memory_space<semaphore_mem>>)
    %dma_wait3A_1033 = arith.constant 0 : i32
    %dma_wait3A_1034 = arith.constant 0 : i32
    %dma_wait3A_1035 = arith.constant 0 : i32
    %dma_wait3A_1036 = tpu.memref_slice %arg5[%dma_wait3A_1033, %dma_wait3A_1034, %dma_wait3A_1035] : memref<2x8x128xi32, #tpu.memory_space<vmem>> -> memref<1x8x128xi32, #tpu.memory_space<vmem>>
    %dma_wait3A_1037 = tpu.memref_squeeze %dma_wait3A_1036 : memref<1x8x128xi32, #tpu.memory_space<vmem>> -> memref<8x128xi32, #tpu.memory_space<vmem>>
    %dma_wait3A_1038 = arith.constant 0 : i32
    %dma_wait3A_1039 = arith.constant 0 : i32
    %dma_wait3A_1040 = tpu.memref_slice %arg2[%dma_wait3A_1038, %dma_wait3A_1039] : memref<25600x128xi32, #tpu.memory_space<hbm>> -> memref<8x128xi32, #tpu.memory_space<hbm>>
    %dma_wait3A_1041 = arith.constant 0 : i32
    %dma_wait3A_1042 = arith.constant 0 : i32
    %dma_wait3A_1043 = tpu.memref_slice %arg5[%dma_wait3A_1033, %dma_wait3A_1041, %dma_wait3A_1042] : memref<2x8x128xi32, #tpu.memory_space<vmem>> -> memref<1x8x128xi32, #tpu.memory_space<vmem>>
    %dma_wait3A_1044 = tpu.memref_squeeze %dma_wait3A_1043 : memref<1x8x128xi32, #tpu.memory_space<vmem>> -> memref<8x128xi32, #tpu.memory_space<vmem>>
    %dma_wait3A_1045 = arith.constant 0 : i32
    %dma_wait3A_1046 = arith.constant 0 : i32
    %dma_wait3A_1047 = tpu.memref_slice %arg2[%dma_wait3A_1045, %dma_wait3A_1046] : memref<25600x128xi32, #tpu.memory_space<hbm>> -> memref<8x128xi32, #tpu.memory_space<hbm>>
    tpu.wait_dma2 semaphore(%arg15 : memref<!tpu.dma_semaphore, #tpu.memory_space<semaphore_mem>>) src(%dma_wait3A_1047 : memref<8x128xi32, #tpu.memory_space<hbm>>) dst(%dma_wait3A_1044 : memref<8x128xi32, #tpu.memory_space<vmem>>)
    %dma_wait3A_1048 = arith.constant 0 : i32
    %dma_wait3A_1049 = arith.constant 0 : i32
    %dma_wait3A_1050 = arith.constant 0 : i32
    %dma_wait3A_1051 = tpu.memref_slice %arg6[%dma_wait3A_1048, %dma_wait3A_1049, %dma_wait3A_1050] : memref<4x128x128xf32, #tpu.memory_space<vmem>> -> memref<1x128x128xf32, #tpu.memory_space<vmem>>
    %dma_wait3A_1052 = tpu.memref_squeeze %dma_wait3A_1051 : memref<1x128x128xf32, #tpu.memory_space<vmem>> -> memref<128x128xf32, #tpu.memory_space<vmem>>
    %dma_wait3A_1053 = arith.constant 0 : i32
    %dma_wait3A_1054 = arith.constant 0 : i32
    %dma_wait3A_1055 = tpu.memref_slice %arg4[%dma_wait3A_1053, %dma_wait3A_1054] : memref<3276800x128xf32, #tpu.memory_space<hbm>> -> memref<128x128xf32, #tpu.memory_space<hbm>>
    %dma_wait3A_1056 = arith.constant 0 : i32
    %dma_wait3A_1057 = arith.constant 0 : i32
    %dma_wait3A_1058 = tpu.memref_slice %arg4[%dma_wait3A_1056, %dma_wait3A_1057] : memref<3276800x128xf32, #tpu.memory_space<hbm>> -> memref<128x128xf32, #tpu.memory_space<hbm>>
    %dma_wait3A_1059 = arith.constant 0 : i32
    %dma_wait3A_1060 = arith.constant 0 : i32
    %dma_wait3A_1061 = tpu.memref_slice %arg6[%dma_wait3A_1048, %dma_wait3A_1059, %dma_wait3A_1060] : memref<4x128x128xf32, #tpu.memory_space<vmem>> -> memref<1x128x128xf32, #tpu.memory_space<vmem>>
    %dma_wait3A_1062 = tpu.memref_squeeze %dma_wait3A_1061 : memref<1x128x128xf32, #tpu.memory_space<vmem>> -> memref<128x128xf32, #tpu.memory_space<vmem>>
    tpu.wait_dma2 semaphore(%arg11 : memref<!tpu.dma_semaphore, #tpu.memory_space<semaphore_mem>>) src(%dma_wait3A_1062 : memref<128x128xf32, #tpu.memory_space<vmem>>) dst(%dma_wait3A_1058 : memref<128x128xf32, #tpu.memory_space<hbm>>)
    %dma_wait3A_1063 = arith.constant 1 : i32
    %dma_wait3A_1064 = arith.constant 0 : i32
    %dma_wait3A_1065 = arith.constant 0 : i32
    %dma_wait3A_1066 = tpu.memref_slice %arg6[%dma_wait3A_1063, %dma_wait3A_1064, %dma_wait3A_1065] : memref<4x128x128xf32, #tpu.memory_space<vmem>> -> memref<1x128x128xf32, #tpu.memory_space<vmem>>
    %dma_wait3A_1067 = tpu.memref_squeeze %dma_wait3A_1066 : memref<1x128x128xf32, #tpu.memory_space<vmem>> -> memref<128x128xf32, #tpu.memory_space<vmem>>
    %dma_wait3A_1068 = arith.constant 0 : i32
    %dma_wait3A_1069 = arith.constant 0 : i32
    %dma_wait3A_1070 = tpu.memref_slice %arg4[%dma_wait3A_1068, %dma_wait3A_1069] : memref<3276800x128xf32, #tpu.memory_space<hbm>> -> memref<128x128xf32, #tpu.memory_space<hbm>>
    %dma_wait3A_1071 = arith.constant 0 : i32
    %dma_wait3A_1072 = arith.constant 0 : i32
    %dma_wait3A_1073 = tpu.memref_slice %arg4[%dma_wait3A_1071, %dma_wait3A_1072] : memref<3276800x128xf32, #tpu.memory_space<hbm>> -> memref<128x128xf32, #tpu.memory_space<hbm>>
    %dma_wait3A_1074 = arith.constant 0 : i32
    %dma_wait3A_1075 = arith.constant 0 : i32
    %dma_wait3A_1076 = tpu.memref_slice %arg6[%dma_wait3A_1063, %dma_wait3A_1074, %dma_wait3A_1075] : memref<4x128x128xf32, #tpu.memory_space<vmem>> -> memref<1x128x128xf32, #tpu.memory_space<vmem>>
    %dma_wait3A_1077 = tpu.memref_squeeze %dma_wait3A_1076 : memref<1x128x128xf32, #tpu.memory_space<vmem>> -> memref<128x128xf32, #tpu.memory_space<vmem>>
    tpu.wait_dma2 semaphore(%arg12 : memref<!tpu.dma_semaphore, #tpu.memory_space<semaphore_mem>>) src(%dma_wait3A_1077 : memref<128x128xf32, #tpu.memory_space<vmem>>) dst(%dma_wait3A_1073 : memref<128x128xf32, #tpu.memory_space<hbm>>)
    %dma_wait3A_1078 = arith.constant 2 : i32
    %dma_wait3A_1079 = arith.constant 0 : i32
    %dma_wait3A_1080 = arith.constant 0 : i32
    %dma_wait3A_1081 = tpu.memref_slice %arg6[%dma_wait3A_1078, %dma_wait3A_1079, %dma_wait3A_1080] : memref<4x128x128xf32, #tpu.memory_space<vmem>> -> memref<1x128x128xf32, #tpu.memory_space<vmem>>
    %dma_wait3A_1082 = tpu.memref_squeeze %dma_wait3A_1081 : memref<1x128x128xf32, #tpu.memory_space<vmem>> -> memref<128x128xf32, #tpu.memory_space<vmem>>
    %dma_wait3A_1083 = arith.constant 0 : i32
    %dma_wait3A_1084 = arith.constant 0 : i32
    %dma_wait3A_1085 = tpu.memref_slice %arg4[%dma_wait3A_1083, %dma_wait3A_1084] : memref<3276800x128xf32, #tpu.memory_space<hbm>> -> memref<128x128xf32, #tpu.memory_space<hbm>>
    %dma_wait3A_1086 = arith.constant 0 : i32
    %dma_wait3A_1087 = arith.constant 0 : i32
    %dma_wait3A_1088 = tpu.memref_slice %arg4[%dma_wait3A_1086, %dma_wait3A_1087] : memref<3276800x128xf32, #tpu.memory_space<hbm>> -> memref<128x128xf32, #tpu.memory_space<hbm>>
    %dma_wait3A_1089 = arith.constant 0 : i32
    %dma_wait3A_1090 = arith.constant 0 : i32
    %dma_wait3A_1091 = tpu.memref_slice %arg6[%dma_wait3A_1078, %dma_wait3A_1089, %dma_wait3A_1090] : memref<4x128x128xf32, #tpu.memory_space<vmem>> -> memref<1x128x128xf32, #tpu.memory_space<vmem>>
    %dma_wait3A_1092 = tpu.memref_squeeze %dma_wait3A_1091 : memref<1x128x128xf32, #tpu.memory_space<vmem>> -> memref<128x128xf32, #tpu.memory_space<vmem>>
    tpu.wait_dma2 semaphore(%arg13 : memref<!tpu.dma_semaphore, #tpu.memory_space<semaphore_mem>>) src(%dma_wait3A_1092 : memref<128x128xf32, #tpu.memory_space<vmem>>) dst(%dma_wait3A_1088 : memref<128x128xf32, #tpu.memory_space<hbm>>)
    %dma_wait3A_1093 = arith.constant 3 : i32
    %dma_wait3A_1094 = arith.constant 0 : i32
    %dma_wait3A_1095 = arith.constant 0 : i32
    %dma_wait3A_1096 = tpu.memref_slice %arg6[%dma_wait3A_1093, %dma_wait3A_1094, %dma_wait3A_1095] : memref<4x128x128xf32, #tpu.memory_space<vmem>> -> memref<1x128x128xf32, #tpu.memory_space<vmem>>
    %dma_wait3A_1097 = tpu.memref_squeeze %dma_wait3A_1096 : memref<1x128x128xf32, #tpu.memory_space<vmem>> -> memref<128x128xf32, #tpu.memory_space<vmem>>
    %dma_wait3A_1098 = arith.constant 0 : i32
    %dma_wait3A_1099 = arith.constant 0 : i32
    %dma_wait3A_1100 = tpu.memref_slice %arg4[%dma_wait3A_1098, %dma_wait3A_1099] : memref<3276800x128xf32, #tpu.memory_space<hbm>> -> memref<128x128xf32, #tpu.memory_space<hbm>>
    %dma_wait3A_1101 = arith.constant 0 : i32
    %dma_wait3A_1102 = arith.constant 0 : i32
    %dma_wait3A_1103 = tpu.memref_slice %arg4[%dma_wait3A_1101, %dma_wait3A_1102] : memref<3276800x128xf32, #tpu.memory_space<hbm>> -> memref<128x128xf32, #tpu.memory_space<hbm>>
    %dma_wait3A_1104 = arith.constant 0 : i32
    %dma_wait3A_1105 = arith.constant 0 : i32
    %dma_wait3A_1106 = tpu.memref_slice %arg6[%dma_wait3A_1093, %dma_wait3A_1104, %dma_wait3A_1105] : memref<4x128x128xf32, #tpu.memory_space<vmem>> -> memref<1x128x128xf32, #tpu.memory_space<vmem>>
    %dma_wait3A_1107 = tpu.memref_squeeze %dma_wait3A_1106 : memref<1x128x128xf32, #tpu.memory_space<vmem>> -> memref<128x128xf32, #tpu.memory_space<vmem>>
    tpu.wait_dma2 semaphore(%arg14 : memref<!tpu.dma_semaphore, #tpu.memory_space<semaphore_mem>>) src(%dma_wait3A_1107 : memref<128x128xf32, #tpu.memory_space<vmem>>) dst(%dma_wait3A_1103 : memref<128x128xf32, #tpu.memory_space<hbm>>)
    return
  }
}

</mosaic_0001>

<sc_bundles>
// kernel: _gather_flat.3.cloned.1.call-start
scs
__scs_entry_jumppad:
0x0: {  	(pc) =	sbr.rel $0x88, $3  }
0x1: {  	(tag) =	ssettag $0x0;
	lr =	simm.s32 $0x1  }
0x2: {  	[smem:$0x3F9F] =	sst lr;
	_ =	strace $0xD0000000  }
0x3: {  	_ = 	snop  }
0x4: {  	_ = 	snop  }
0x5: {  	_ = 	snop  }
0x6: {  	_ = 	snop  }
0x7: {  	_ = 	snop  }
__scs_overlays_trampoline_lowered:
0x8: {  	[smem:$0x3FAE] =	sst s0  }
0x9: {  	[smem:$0x3FAF] =	sst s1  }
0xa: {  	[smem:$0x3FB0] =	sst s2  }
0xb: {  	[smem:$0x3FB1] =	sst s3  }
0xc: {  	[smem:$0x3FB2] =	sst s4  }
0xd: {  	[smem:$0x3FB3] =	sst s5  }
0xe: {  	[smem:$0x3FB4] =	sst s6  }
0xf: {  	[smem:$0x3FB5] =	sst s7  }
0x10: {  	[smem:$0x3FB6] =	sst s8  }
0x11: {  	[smem:$0x3FB7] =	sst s9;
	s0 =	simm.s32 @!p0 $0x0  }
0x12: {  	s1 =	sld [smem:$0x3F9D];
	s0 =	simm.s32 @p0 $0x1  }
0x13: {  	[smem:$0x3FB8] =	sst s0;
	s0 =	simm.s32 @!p1 $0x0  }
0x14: {  	s2 =	sld [smem:$0x3F9C];
	s0 =	simm.s32 @p1 $0x1  }
0x15: {  	[smem:$0x3FB9] =	sst s0;
	s0 =	simm.s32 @!p2 $0x0  }
0x16: {  	s3 =	sld [smem:$0x3FDB];
	s0 =	simm.s32 @p2 $0x1  }
0x17: {  	s4 =	simm.s32 $0x1BF5;
	[smem:$0x3FBB] =	sst s0  }
0x18: {  	s0 =	sld [smem:$0x3F9E];
	_ =	swait.ge [sflag:s4], $0x0  }
0x19: {  	s7 =	sld [smem:$0x3F9F]  }
0x1a: {  	s8 =	sadd.s32 $0xFFFFE003, lr  }
0x1b: {  	s9 =	sadd.s32 $0xFFFFFEF7, lr;
	s5 =	simm.s32 $0xFFFFFFFF;
	p2 =	slt.u32 s8, $0xFFFFF086  }
0x1c: {  	p1 =	slt.u32 s9, $0xF7A;
	s5 =	simm.s32 @!p2 $0x0  }
0x1d: {  	s5 =	simm.s32 @p1 $0x1;
	p0 =	seq.s32 s7, s2  }
0x1e: {  	s7 =	smul.u32 @!p0 $0xF7A, s2;
	p2 =	seq.s32 @!p0 s5, $0x0  }
0x1f: {  	s9 =	smul.u32 $0xF7A, s1;
	s8 =	simm.s32 @!p0 $0x1BF5;
	p2 =	por !p2, p0  }
0x20: {  	[sflag:s8] =	ssyncset.s32 @!p0 $0xFFFFF086;
	s6 =	sadd.s32 @!p0 s3, s7;
	s7 =	simm.s32 @!p0 $0x108  }
0x21: {  	s3 =	sadd.s32 s3, s9;
	s6 =	sadd.s32 @!p0 $0x88, s6;
	s7 =	simm.s32 @p2 $0x1082  }
0x22: {  	[simem:s7], [sflag:s8] =	dma.local @!p0 [hbm:s6], $0xF7A  }
0x23: {  	s9 =	sor.u32 $0xD0000000, s2;
	s6 =	simm.s32 $0x108;
	_ =	swait.ge @!p0 [sflag:s8], $0x0  }
0x24: {  	s3 =	sadd.s32 $0x88, s3;
	s6 =	simm.s32 @!p1 $0x1082;
	[sflag:s4] =	ssyncset.s32 $0xFFFFF086  }
0x25: {  	[simem:s6], [sflag:s4] =	dma.local [hbm:s3], $0xF7A  }
0x26: {  	[smem:$0x3F9F] =	sst s1;
	(tag) =	ssettag s2;
	_ =	strace s9  }
0x27: {  	s1 =	sld [smem:$0x3FAF]  }
0x28: {  	s2 =	sld [smem:$0x3FB0]  }
0x29: {  	s4 =	sld [smem:$0x3FB2]  }
0x2a: {  	p0 =	seq.s32 s5, $0x0;
	s5 =	sld [smem:$0x3FB3]  }
0x2b: {  	s6 =	sld [smem:$0x3FB4]  }
0x2c: {  	s7 =	sld [smem:$0x3FB5]  }
0x2d: {  	s3 =	simm.s32 $0x108;
	s8 =	sld [smem:$0x3FB6]  }
0x2e: {  	s3 =	simm.s32 @!p0 $0x1082;
	s9 =	sld [smem:$0x3FB7]  }
0x2f: {  	lr =	sadd.s32 s0, s3;
	s0 =	sld [smem:$0x3FAE]  }
0x30: {  	s3 =	sld [smem:$0x3FB1]  }
0x31: {  	[smem:$0x3FBA] =	sst s10  }
0x32: {  	s10 =	sld [smem:$0x3FB8];
	_ =	sdelay $0x3  }
0x33: {  	p0 =	seq.s32 s10, $0x1;
	s10 =	sld [smem:$0x3FBA];
	_ =	sdelay $0x3  }
0x34: {  	[smem:$0x3FBA] =	sst s10  }
0x35: {  	s10 =	sld [smem:$0x3FB9];
	_ =	sdelay $0x3  }
0x36: {  	p1 =	seq.s32 s10, $0x1;
	s10 =	sld [smem:$0x3FBA];
	_ =	sdelay $0x3  }
0x37: {  	[smem:$0x3FBA] =	sst s10  }
0x38: {  	s10 =	sld [smem:$0x3FBB]  }
0x39: {  	_ = 	snop;
	(pc) =	sbr.ind lr, $3  }
0x3a: {  	_ = 	snop  }
0x3b: {  	_ = 	snop  }
0x3c: {  	p2 =	seq.s32 s10, $0x1;
	s10 =	sld [smem:$0x3FBA]  }
0x3d: {  	_ =	shalt  }
0x3e: {  	_ =	shalt  }
0x3f: {  	_ =	shalt  }
0x40: {  	_ =	shalt  }
0x41: {  	_ =	shalt  }
0x42: {  	_ =	shalt  }
0x43: {  	_ =	shalt  }
0x44: {  	_ =	shalt  }
0x45: {  	_ =	shalt  }
0x46: {  	_ =	shalt  }
0x47: {  	_ =	shalt  }
0x48: {  	_ =	shalt  }
0x49: {  	_ =	shalt  }
0x4a: {  	_ =	shalt  }
0x4b: {  	_ =	shalt  }
0x4c: {  	_ =	shalt  }
0x4d: {  	_ =	shalt  }
0x4e: {  	_ =	shalt  }
0x4f: {  	_ =	shalt  }
0x50: {  	_ =	shalt  }
0x51: {  	_ =	shalt  }
0x52: {  	_ =	shalt  }
0x53: {  	_ =	shalt  }
0x54: {  	_ =	shalt  }
0x55: {  	_ =	shalt  }
0x56: {  	_ =	shalt  }
0x57: {  	_ =	shalt  }
0x58: {  	_ =	shalt  }
0x59: {  	_ =	shalt  }
0x5a: {  	_ =	shalt  }
0x5b: {  	_ =	shalt  }
0x5c: {  	_ =	shalt  }
0x5d: {  	_ =	shalt  }
0x5e: {  	_ =	shalt  }
0x5f: {  	_ =	shalt  }
0x60: {  	_ =	shalt  }
0x61: {  	_ =	shalt  }
0x62: {  	_ =	shalt  }
0x63: {  	_ =	shalt  }
0x64: {  	_ =	shalt  }
0x65: {  	_ =	shalt  }
0x66: {  	_ =	shalt  }
0x67: {  	_ =	shalt  }
0x68: {  	_ =	shalt  }
0x69: {  	_ =	shalt  }
0x6a: {  	_ =	shalt  }
0x6b: {  	_ =	shalt  }
0x6c: {  	_ =	shalt  }
0x6d: {  	_ =	shalt  }
0x6e: {  	_ =	shalt  }
0x6f: {  	_ =	shalt  }
0x70: {  	_ =	shalt  }
0x71: {  	_ =	shalt  }
0x72: {  	_ =	shalt  }
0x73: {  	_ =	shalt  }
0x74: {  	_ =	shalt  }
0x75: {  	_ =	shalt  }
0x76: {  	_ =	shalt  }
0x77: {  	_ =	shalt  }
0x78: {  	_ =	shalt  }
0x79: {  	_ =	shalt  }
0x7a: {  	_ =	shalt  }
0x7b: {  	_ =	shalt  }
0x7c: {  	_ =	shalt  }
0x7d: {  	_ =	shalt  }
0x7e: {  	_ =	shalt  }
0x7f: {  	_ =	shalt  }
0x80: {  	_ =	shalt  }
0x81: {  	_ =	shalt  }
0x82: {  	_ =	shalt  }
0x83: {  	_ =	shalt  }
0x84: {  	_ =	shalt  }
0x85: {  	_ =	shalt  }
0x86: {  	_ =	shalt  }
0x87: {  	_ =	shalt  }
.Lfunc_end0:
.L_simem_size_0:
called_computation_lowered:
.L_overlay_start_0:
0x88: {  	s2 =	sld [smem:$0x3FD9]  }
0x89: {  	s3 =	sld [smem:$0x3FFE];
	_ =	sdelay $0x1  }
0x8a: {  	s1 =	srdreg.scid  }
0x8b: {  	s0 =	sand.u32 $0x1, s1  }
0x8c: {  	s18 =	sshll.u32 s0, $0xA;
	s2 =	sadd.s32 s3, s2  }
0x8d: {  	s2 =	sadd.s32 s2, s18  }
0x8e: {  	[smem:$0x3FC6] =	sst s2  }
0x8f: {  	_ = 	snop  }
0x90: {  	s2 =	sld [smem:$0x3FC9]  }
0x91: {  	s19 =	sld [smem:$0x3FC8]  }
0x92: {  	s4 =	sld [smem:$0x3FD0];
	(tm) =	ssettm $0x1  }
0x93: {  	s5 =	sld [smem:$0x3FFB];
	_ =	sdelay $0x3  }
0x94: {  	_ =	strace s5  }
0x95: {  	s5 =	sld [smem:$0x3FFC];
	_ =	sdelay $0x3  }
0x96: {  	_ =	strace s5  }
0x97: {  	s5 =	sld [smem:$0x3FFD];
	_ =	sdelay $0x3  }
0x98: {  	_ =	strace s5  }
0x99: {  	_ =	strace $0x8FFFFFFF  }
0x9a: {  	s20 =	sld [smem:$0x3FDB];
	_ =	sdelay $0x1  }
0x9b: {  	s6 =	simm.s32 $_scs_section_size  }
0x9c: {  	s7 =	simm.s32 $_size__tile_overlayer_lowered;
	s8 =	simm.s32 $_tile_overlayer_lowered  }
0x9d: {  	s23 =	simm.s32 $0x1BFF;
	s22 =	sshll.u32 s8, $0x1;
	s5 =	sadd.s32 s6, s20  }
0x9e: {  	s9 =	simm.s32 $0x0;
	s21 =	sshll.u32 s7, $0x1;
	s7 =	sadd.s32 s22, s5  }
0x9f: {  	[timem:s9], [sflag:s23] =	dma.local [hbm:s7], s21  }
0xa0: {  	_ =	swait.ge [sflag:s23], s21  }
0xa1: {  	s6 =	ssub.s32 $0x0, s21;
	[sflag:s23] =	ssyncset.done $0x0  }
0xa2: {  	[sflag:s23] =	ssyncadd.s32 s6;
	_ =	sdelay $0x1  }
0xa3: {  	s24 =	simm.s32 $0x1B8B  }
0xa4: {  	_ =	swait.ge [sflag:s24], $0x1  }
0xa5: {  	[sflag:s24] =	ssyncset.done $0x0  }
0xa6: {  	s25 =	simm.s32 $0x1B8E;
	[sflag:s24] =	ssyncadd.s32 $0xFFFFFFFF  }
0xa7: {  	s26 =	simm.s32 $execute0_lowered;
	[smem:$0x3FD2] =	sst s25  }
0xa8: {  	s6 =	sshll.u32 s26, $0x1;
	_ =	strace $0x80000046;
	[dreg:$0x1] =	wrdreg $0xFFFFFFFF  }
0xa9: {  	s28 =	simm.s32 $_size_execute0_lowered;
	s5 =	sadd.s32 s5, s6;
	[dreg:$0x0] =	wrdreg $0x0  }
0xaa: {  	s6 =	sshll.u32 s28, $0x1;
	[dreg:$0x2] =	wrdreg s5  }
0xab: {  	[dreg:$0x3] =	wrdreg s6  }
0xac: {  	[dreg:$0x4] =	wrdreg $0xC0  }
0xad: {  	_ =	task [dreg:s9], $0x5FFFF  }
0xae: {  	[dreg:$0x1] =	wrdreg $0xFFFFFFFF  }
0xaf: {  	[dreg:$0x0] =	wrdreg $0x60  }
0xb0: {  	[dreg:$0x2] =	wrdreg s2  }
0xb1: {  	[dreg:$0x3] =	wrdreg s19  }
0xb2: {  	[dreg:$0x4] =	wrdreg s4  }
0xb3: {  	[dreg:$0x5] =	wrdreg $0x9  }
0xb4: {  	_ =	task.clear_ibuf [dreg:s9], $0x6FFFF;
	_ =	strace $0x90000046  }
0xb5: {  	s29 =	simm.s32 $0x9;
	_ =	strace $0x80000048  }
0xb6: {  	_ =	swait.ge [sflag:s29], $0x1  }
0xb7: {  	[sflag:s29] =	ssyncadd.s32 $0xFFFFFFFF  }
0xb8: {  	_ =	strace $0x90000048  }
0xb9: {  	_ =	sfence  }
0xba: {  	s30 =	sld [smem:$0x0];
	_ =	sdelay $0x2  }
0xbb: {  	s31 =	sshll.u32 s1, $0xD;
	s1 =	sshrl.u32 s1, $0x2  }
0xbc: {  	s3 =	sand.u32 $0x4000, s31;
	s1 =	sadd.s32 s1, s30  }
0xbd: {  	s0 =	sor.u32 s3, s0;
	s1 =	sshll.u32 s1, $0x11  }
0xbe: {  	s0 =	sor.u32 s1, s0  }
0xbf: {  	s0 =	sadd.s32 $0x8F2B, s0  }
0xc0: {  	[sflag:s0] =	ssyncadd.remote.s32 $0x1  }
0xc1: {  	_ =	sfence.sel $0xFFFF  }
0xc2: {  	[dreg:$0x0] =	wrdreg $0xFFFFFFFF;
	(pc) =	sbr.abs _section_cstart, $3  }
0xc3: {  	[dreg:$0x1] =	wrdreg $0xFFFFFFFF  }
0xc4: {  	_ =	task.clear_ibuf [dreg:s9], $0x2FFFF;
	_ =	strace $0x9FFFFFFF  }
0xc5: {  	(tm) =	ssettm $0x7FFFFFFF  }
tec
execute0_lowered:
.L_overlay_start_1:
0x0: {  	(tag) =	ssettag $0x1  }
0x1: {  	s20 =	rddreg [dreg:$0x0];
	s0 =	srdreg.scid  }
0x2: {  	s11 =	stileid.u32;
	s3 =	rddreg [dreg:$0x1]  }
0x3: {  	s2 =	rddreg [dreg:$0x2];
	s22 =	smul.u32 $0x640, s11  }
0x4: {  	s0 =	sand.u32 $0x1, s0;
	s1 =	sshll.u32 s11, $0x1;
	s11 =	smul.u32 $0x1900000, s11  }
0x5: {  	s4 =	simm.s32 $0x0;
	s28 =	simm.s32 $0x9;
	s25 =	smul.u32 $0x320, s0  }
0x6: {  	s1 =	sor.u32 s0, s1;
	s6 =	ssub.s32 $0x2, s0;
	s0 =	smul.u32 $0xC80000, s0  }
0x7: {  	s29 =	simm.s32 $0x80;
	s30 =	simm.s32 $0x800;
	s5 =	smul.u32 $0x320, s1  }
0x8: {  	s31 =	simm.s32 $0x4800;
	[smem:$0x7FF] =	sst s4;
	s7 =	smul.u32 $0x3200, s1  }
0x9: {  	_ =	strace $0x80000047;
	s8 =	sshrl.u32 s6, $0x1;
	s10 =	smul.u32 $0x190000, s1  }
0xa: {  	s1 =	smul.u32 $0xC80000, s1;
	s6 =	ssub.s32 s6, s8;
	s12 =	sadd.s32 s20, s7  }
0xb: {  	s0 =	sadd.s32 s0, s11;
	s13 =	sadd.s32 s2, s10;
	[dreg:$0x8] =	wrdreg s12  }
0xc: {  	s11 =	simm.s32 $0x180;
	s16 =	sadd.s32 $0x800, s13;
	[dreg:$0xa] =	wrdreg s13  }
0xd: {  	s9 =	sor.u32 $0x8, s5;
	s17 =	sadd.s32 $0x1000, s13;
	[dreg:$0xb] =	wrdreg s16  }
0xe: {  	s7 =	sadd.s32 s25, s22;
	s18 =	sadd.s32 $0x1800, s13;
	[dreg:$0xc] =	wrdreg s17  }
0xf: {  	s5 =	sshrl.u32 s5, $0x3;
	s19 =	sadd.s32 $0x2000, s13;
	[dreg:$0xd] =	wrdreg s18  }
0x10: {  	s1 =	sshrl.u32 s1, $0x3;
	s21 =	sadd.s32 $0x2800, s13;
	[dreg:$0xe] =	wrdreg s19  }
0x11: {  	s10 =	simm.s32 $0x5;
	s23 =	sadd.s32 $0x3000, s13;
	[dreg:$0xf] =	wrdreg s21  }
0x12: {  	s14 =	sshll.u32 s9, $0x4;
	s24 =	sadd.s32 $0x3800, s13;
	[dreg:$0x10] =	wrdreg s23  }
0x13: {  	s26 =	sadd.s32 $0x100, s12;
	s9 =	sshll.u32 s9, $0xB;
	[dreg:$0x11] =	wrdreg s24  }
0x14: {  	s12 =	sadd.s32 $0x4800, s13;
	s5 =	sor.u32 $0x2, s5;
	[dreg:$0x12] =	wrdreg s26  }
0x15: {  	s1 =	sadd.s32 s2, s1;
	s22 =	sadd.s32 $0x6800, s13;
	[dreg:$0x14] =	wrdreg s12  }
0x16: {  	s15 =	sadd.s32 s20, s14;
	s9 =	sadd.s32 s2, s9;
	[dreg:$0x4] =	wrdreg s5  }
0x17: {  	s14 =	sadd.s32 $0x5000, s13;
	s17 =	sor.u32 $0x3C000, s0;
	[dreg:$0x18] =	wrdreg s22  }
0x18: {  	s18 =	sadd.s32 $0x5800, s13;
	s0 =	sor.u32 $0x38000, s0;
	[dreg:$0x9] =	wrdreg s15  }
0x19: {  	s21 =	sadd.s32 $0x6000, s13;
	s23 =	sshll.u32 s7, $0x4;
	[dreg:$0x13] =	wrdreg s9  }
0x1a: {  	s24 =	sadd.s32 $0x18F000, s1;
	s1 =	sadd.s32 $0x18F800, s1;
	[dreg:$0x15] =	wrdreg s14  }
0x1b: {  	s26 =	smax.u32 s6, $0x1;
	s6 =	simm.s32 $0x1;
	[dreg:$0x16] =	wrdreg s18  }
0x1c: {  	s12 =	simm.s32 $0x3;
	s13 =	simm.s32 $0x6;
	[dreg:$0x17] =	wrdreg s21  }
0x1d: {  	s22 =	simm.s32 $0x380;
	s15 =	sshll.u32 s7, $0xB;
	[dreg:$0x19] =	wrdreg s24  }
0x1e: {  	s8 =	sshrl.u32 s17, $0x3;
	s0 =	sshrl.u32 s0, $0x3;
	[dreg:$0x1a] =	wrdreg s1  }
0x1f: {  	s25 =	sadd.s32 s23, s20;
	[dreg:$0x1b] =	wrdreg s26;
	s26 =	simm.s32 $0x400  }
0x20: {  	s21 =	simm.s32 $0x100;
	s9 =	simm.s32 $0xC800;
	s14 =	simm.s32 $0x200  }
0x21: {  	s17 =	simm.s32 $0x280;
	s7 =	simm.s32 $0x300;
	s18 =	simm.s32 $0x8  }
0x22: {  	s23 =	simm.s32 $0x480;
	s24 =	simm.s32 $0x500;
	s1 =	simm.s32 $0x2  }
0x23: {  	s16 =	sadd.s32 s15, s2;
	s19 =	sadd.s32 s8, s2;
	s0 =	sadd.s32 s0, s2  }
0x24: {  	s15 =	simm.s32 $0x4;
	s8 =	simm.s32 $0x600;
	[dreg:$0x6] =	wrdreg s19  }
0x25: {  	s2 =	simm.s32 $0x0;
	s5 =	sadd.s32 $0x8000, s16;
	[dreg:$0x7] =	wrdreg s0  }
0x26: {  	s0 =	sadd.s32 $0x180, s25;
	s16 =	simm.s32 $0x7;
	[dreg:$0x1d] =	wrdreg s2  }
0x27: {  	s19 =	simm.s32 $0xA;
	s25 =	simm.s32 $0x680;
	[dreg:$0x5] =	wrdreg s5  }
0x28: {  	[dreg:$0x1c] =	wrdreg s0;
	s0 =	simm.s32 $0x8800;
	s5 =	simm.s32 $0x580  }
.LBB2_1:
0x29: {  	s2 =	rddreg [dreg:$0x8]  }
0x2a: {  	[tilespmem:s4], [sflag:$0x9] =	stream.linear.gather [hbm4b:s2+s4], $0x400, $0x38;
	[tilespmem:$0x10800] =	vst v63  }
0x2b: {  	s2 =	rddreg [dreg:$0x9]  }
0x2c: {  	[tilespmem:s26], [sflag:$0xA] =	stream.linear.gather [hbm4b:s2+s4], $0x400, $0x38;
	[tilespmem:$0x10800] =	vst v63  }
0x2d: {  	_ =	swait.ge [sflag:s28], $0x400  }
0x2e: {  	[sflag:s28] =	ssyncset.done $0x0  }
0x2f: {  	[sflag:s28] =	ssyncadd.s32 $0xFFFFFC00  }
0x30: {  	[tilespmem:s30], [sflag:$0x1] =	stream.indirect.gather [hbm4b:s3+s29], $0x80, s4, s29, $0xb8;
	[tilespmem:$0x10800] =	vst v63  }
0x31: {  	_ = 	snop  }
0x32: {  	[tilespmem:s31], [sflag:$0x2] =	stream.indirect.gather [hbm4b:s3+s29], $0x80, s29, s29, $0xb8;
	[tilespmem:$0x10800] =	vst v63  }
0x33: {  	_ = 	snop  }
0x34: {  	[tilespmem:s0], [sflag:$0x3] =	stream.indirect.gather [hbm4b:s3+s29], $0x80, s21, s29, $0xb8;
	[tilespmem:$0x10800] =	vst v63  }
0x35: {  	_ =	swait.ge [sflag:s6], $0x4000  }
0x36: {  	[sflag:s6] =	ssyncset.done $0x0  }
0x37: {  	s2 =	rddreg [dreg:$0xa];
	[sflag:s6] =	ssyncadd.s32 $0xFFFFC000  }
0x38: {  	[hbm4b:s2+s4] =	stream.linear.scatter [tilespmem:s30], [sflag:$0x5], $0x4000, $0x38;
	[tilespmem:$0x10800] =	vst v63  }
0x39: {  	_ = 	snop  }
0x3a: {  	[tilespmem:s9], [sflag:$0x4] =	stream.indirect.gather [hbm4b:s3+s29], $0x80, s11, s29, $0xb8;
	[tilespmem:$0x10800] =	vst v63  }
0x3b: {  	_ =	swait.ge [sflag:s1], $0x4000  }
0x3c: {  	[sflag:s1] =	ssyncset.done $0x0  }
0x3d: {  	s2 =	rddreg [dreg:$0xb];
	[sflag:s1] =	ssyncadd.s32 $0xFFFFC000  }
0x3e: {  	[hbm4b:s2+s4] =	stream.linear.scatter [tilespmem:s31], [sflag:$0x6], $0x4000, $0x38;
	[tilespmem:$0x10800] =	vst v63  }
0x3f: {  	_ =	swait.ge [sflag:s10], $0x4000  }
0x40: {  	[sflag:s10] =	ssyncset.done $0x0  }
0x41: {  	[sflag:s10] =	ssyncadd.s32 $0xFFFFC000  }
0x42: {  	[tilespmem:s30], [sflag:$0x1] =	stream.indirect.gather [hbm4b:s3+s29], $0x80, s14, s29, $0xb8;
	[tilespmem:$0x10800] =	vst v63  }
0x43: {  	_ =	swait.ge [sflag:s12], $0x4000  }
0x44: {  	[sflag:s12] =	ssyncset.done $0x0  }
0x45: {  	s2 =	rddreg [dreg:$0xc];
	[sflag:s12] =	ssyncadd.s32 $0xFFFFC000  }
0x46: {  	[hbm4b:s2+s4] =	stream.linear.scatter [tilespmem:s0], [sflag:$0x7], $0x4000, $0x38;
	[tilespmem:$0x10800] =	vst v63  }
0x47: {  	_ =	swait.ge [sflag:s13], $0x4000  }
0x48: {  	[sflag:s13] =	ssyncset.done $0x0  }
0x49: {  	[sflag:s13] =	ssyncadd.s32 $0xFFFFC000  }
0x4a: {  	[tilespmem:s31], [sflag:$0x2] =	stream.indirect.gather [hbm4b:s3+s29], $0x80, s17, s29, $0xb8;
	[tilespmem:$0x10800] =	vst v63  }
0x4b: {  	_ =	swait.ge [sflag:s15], $0x4000  }
0x4c: {  	[sflag:s15] =	ssyncset.done $0x0  }
0x4d: {  	s2 =	rddreg [dreg:$0xd];
	[sflag:s15] =	ssyncadd.s32 $0xFFFFC000  }
0x4e: {  	[hbm4b:s2+s4] =	stream.linear.scatter [tilespmem:s9], [sflag:$0x8], $0x4000, $0x38;
	[tilespmem:$0x10800] =	vst v63  }
0x4f: {  	_ =	swait.ge [sflag:s16], $0x4000  }
0x50: {  	[sflag:s16] =	ssyncset.done $0x0  }
0x51: {  	[sflag:s16] =	ssyncadd.s32 $0xFFFFC000  }
0x52: {  	[tilespmem:s0], [sflag:$0x3] =	stream.indirect.gather [hbm4b:s3+s29], $0x80, s7, s29, $0xb8;
	[tilespmem:$0x10800] =	vst v63  }
0x53: {  	_ =	swait.ge [sflag:s6], $0x4000  }
0x54: {  	[sflag:s6] =	ssyncset.done $0x0  }
0x55: {  	s2 =	rddreg [dreg:$0xe];
	[sflag:s6] =	ssyncadd.s32 $0xFFFFC000  }
0x56: {  	[hbm4b:s2+s4] =	stream.linear.scatter [tilespmem:s30], [sflag:$0x5], $0x4000, $0x38;
	[tilespmem:$0x10800] =	vst v63  }
0x57: {  	_ =	swait.ge [sflag:s18], $0x4000  }
0x58: {  	[sflag:s18] =	ssyncset.done $0x0  }
0x59: {  	[sflag:s18] =	ssyncadd.s32 $0xFFFFC000  }
0x5a: {  	[tilespmem:s9], [sflag:$0x4] =	stream.indirect.gather [hbm4b:s3+s29], $0x80, s22, s29, $0xb8;
	[tilespmem:$0x10800] =	vst v63  }
0x5b: {  	_ =	swait.ge [sflag:s1], $0x4000  }
0x5c: {  	[sflag:s1] =	ssyncset.done $0x0  }
0x5d: {  	s2 =	rddreg [dreg:$0xf];
	[sflag:s1] =	ssyncadd.s32 $0xFFFFC000  }
0x5e: {  	[hbm4b:s2+s4] =	stream.linear.scatter [tilespmem:s31], [sflag:$0x6], $0x4000, $0x38;
	[tilespmem:$0x10800] =	vst v63  }
0x5f: {  	_ =	swait.ge [sflag:s19], $0x400  }
0x60: {  	[sflag:s19] =	ssyncset.done $0x0  }
0x61: {  	[sflag:s19] =	ssyncadd.s32 $0xFFFFFC00  }
0x62: {  	_ =	swait.ge [sflag:s10], $0x4000  }
0x63: {  	[sflag:s10] =	ssyncset.done $0x0  }
0x64: {  	[sflag:s10] =	ssyncadd.s32 $0xFFFFC000  }
0x65: {  	[tilespmem:s30], [sflag:$0x1] =	stream.indirect.gather [hbm4b:s3+s29], $0x80, s26, s29, $0xb8;
	[tilespmem:$0x10800] =	vst v63  }
0x66: {  	_ =	swait.ge [sflag:s12], $0x4000  }
0x67: {  	[sflag:s12] =	ssyncset.done $0x0  }
0x68: {  	s2 =	rddreg [dreg:$0x10];
	[sflag:s12] =	ssyncadd.s32 $0xFFFFC000  }
0x69: {  	[hbm4b:s2+s4] =	stream.linear.scatter [tilespmem:s0], [sflag:$0x7], $0x4000, $0x38;
	[tilespmem:$0x10800] =	vst v63  }
0x6a: {  	_ =	swait.ge [sflag:s13], $0x4000  }
0x6b: {  	[sflag:s13] =	ssyncset.done $0x0  }
0x6c: {  	[sflag:s13] =	ssyncadd.s32 $0xFFFFC000  }
0x6d: {  	[tilespmem:s31], [sflag:$0x2] =	stream.indirect.gather [hbm4b:s3+s29], $0x80, s23, s29, $0xb8;
	[tilespmem:$0x10800] =	vst v63  }
0x6e: {  	_ =	swait.ge [sflag:s15], $0x4000  }
0x6f: {  	[sflag:s15] =	ssyncset.done $0x0  }
0x70: {  	s2 =	rddreg [dreg:$0x11];
	[sflag:s15] =	ssyncadd.s32 $0xFFFFC000  }
0x71: {  	[hbm4b:s2+s4] =	stream.linear.scatter [tilespmem:s9], [sflag:$0x8], $0x4000, $0x38;
	[tilespmem:$0x10800] =	vst v63  }
0x72: {  	s2 =	rddreg [dreg:$0x12]  }
0x73: {  	[tilespmem:s4], [sflag:$0x9] =	stream.linear.gather [hbm4b:s2+s4], $0x400, $0x38;
	[tilespmem:$0x10800] =	vst v63  }
0x74: {  	_ =	swait.ge [sflag:s16], $0x4000  }
0x75: {  	[sflag:s16] =	ssyncset.done $0x0  }
0x76: {  	[sflag:s16] =	ssyncadd.s32 $0xFFFFC000  }
0x77: {  	[tilespmem:s0], [sflag:$0x3] =	stream.indirect.gather [hbm4b:s3+s29], $0x80, s24, s29, $0xb8;
	[tilespmem:$0x10800] =	vst v63  }
0x78: {  	_ =	swait.ge [sflag:s6], $0x4000  }
0x79: {  	[sflag:s6] =	ssyncset.done $0x0  }
0x7a: {  	s2 =	rddreg [dreg:$0x13];
	[sflag:s6] =	ssyncadd.s32 $0xFFFFC000  }
0x7b: {  	[hbm4b:s2+s4] =	stream.linear.scatter [tilespmem:s30], [sflag:$0x5], $0x4000, $0x38;
	[tilespmem:$0x10800] =	vst v63  }
0x7c: {  	_ =	swait.ge [sflag:s18], $0x4000  }
0x7d: {  	[sflag:s18] =	ssyncset.done $0x0  }
0x7e: {  	[sflag:s18] =	ssyncadd.s32 $0xFFFFC000  }
0x7f: {  	[tilespmem:s9], [sflag:$0x4] =	stream.indirect.gather [hbm4b:s3+s29], $0x80, s5, s29, $0xb8;
	[tilespmem:$0x10800] =	vst v63  }
0x80: {  	_ =	swait.ge [sflag:s1], $0x4000  }
0x81: {  	[sflag:s1] =	ssyncset.done $0x0  }
0x82: {  	s5 =	rddreg [dreg:$0x14];
	[sflag:s1] =	ssyncadd.s32 $0xFFFFC000  }
0x83: {  	[hbm4b:s5+s4] =	stream.linear.scatter [tilespmem:s31], [sflag:$0x6], $0x4000, $0x38;
	[tilespmem:$0x10800] =	vst v63  }
0x84: {  	_ =	swait.ge [sflag:s10], $0x4000  }
0x85: {  	[sflag:s10] =	ssyncset.done $0x0  }
0x86: {  	[sflag:s10] =	ssyncadd.s32 $0xFFFFC000  }
0x87: {  	[tilespmem:s30], [sflag:$0x1] =	stream.indirect.gather [hbm4b:s3+s29], $0x80, s8, s29, $0xb8;
	[tilespmem:$0x10800] =	vst v63  }
0x88: {  	_ =	swait.ge [sflag:s12], $0x4000  }
0x89: {  	[sflag:s12] =	ssyncset.done $0x0  }
0x8a: {  	s8 =	rddreg [dreg:$0x15];
	[sflag:s12] =	ssyncadd.s32 $0xFFFFC000  }
0x8b: {  	[hbm4b:s8+s4] =	stream.linear.scatter [tilespmem:s0], [sflag:$0x7], $0x4000, $0x38;
	[tilespmem:$0x10800] =	vst v63  }
0x8c: {  	_ =	swait.ge [sflag:s13], $0x4000  }
0x8d: {  	[sflag:s13] =	ssyncset.done $0x0  }
0x8e: {  	[sflag:s13] =	ssyncadd.s32 $0xFFFFC000  }
0x8f: {  	[tilespmem:s31], [sflag:$0x2] =	stream.indirect.gather [hbm4b:s3+s29], $0x80, s25, s29, $0xb8;
	[tilespmem:$0x10800] =	vst v63  }
0x90: {  	_ =	swait.ge [sflag:s15], $0x4000  }
0x91: {  	[sflag:s15] =	ssyncset.done $0x0  }
0x92: {  	s5 =	rddreg [dreg:$0x16];
	[sflag:s15] =	ssyncadd.s32 $0xFFFFC000  }
0x93: {  	[hbm4b:s5+s4] =	stream.linear.scatter [tilespmem:s9], [sflag:$0x8], $0x4000, $0x38;
	[tilespmem:$0x10800] =	vst v63  }
0x94: {  	_ =	swait.ge [sflag:s16], $0x4000  }
0x95: {  	[sflag:s16] =	ssyncset.done $0x0  }
0x96: {  	s8 =	simm.s32 $0x700;
	[sflag:s16] =	ssyncadd.s32 $0xFFFFC000  }
0x97: {  	[tilespmem:s0], [sflag:$0x3] =	stream.indirect.gather [hbm4b:s3+s29], $0x80, s8, s29, $0xb8;
	[tilespmem:$0x10800] =	vst v63  }
0x98: {  	_ =	swait.ge [sflag:s6], $0x4000  }
0x99: {  	[sflag:s6] =	ssyncset.done $0x0  }
0x9a: {  	s25 =	rddreg [dreg:$0x17];
	[sflag:s6] =	ssyncadd.s32 $0xFFFFC000  }
0x9b: {  	[hbm4b:s25+s4] =	stream.linear.scatter [tilespmem:s30], [sflag:$0x5], $0x4000, $0x38;
	[tilespmem:$0x10800] =	vst v63  }
0x9c: {  	_ =	swait.ge [sflag:s18], $0x4000  }
0x9d: {  	[sflag:s18] =	ssyncset.done $0x0  }
0x9e: {  	s5 =	simm.s32 $0x780;
	[sflag:s18] =	ssyncadd.s32 $0xFFFFC000  }
0x9f: {  	[tilespmem:s9], [sflag:$0x4] =	stream.indirect.gather [hbm4b:s3+s29], $0x80, s5, s29, $0xb8;
	[tilespmem:$0x10800] =	vst v63  }
0xa0: {  	_ =	swait.ge [sflag:s1], $0x4000  }
0xa1: {  	[sflag:s1] =	ssyncset.done $0x0  }
0xa2: {  	s8 =	rddreg [dreg:$0x18];
	[sflag:s1] =	ssyncadd.s32 $0xFFFFC000  }
0xa3: {  	[hbm4b:s8+s4] =	stream.linear.scatter [tilespmem:s31], [sflag:$0x6], $0x4000, $0x38;
	[tilespmem:$0x10800] =	vst v63  }
0xa4: {  	_ =	swait.ge [sflag:s28], $0x400  }
0xa5: {  	[sflag:s28] =	ssyncset.done $0x0  }
0xa6: {  	[sflag:s28] =	ssyncadd.s32 $0xFFFFFC00  }
0xa7: {  	_ =	swait.ge [sflag:s10], $0x4000  }
0xa8: {  	[sflag:s10] =	ssyncset.done $0x0  }
0xa9: {  	[sflag:s10] =	ssyncadd.s32 $0xFFFFC000  }
0xaa: {  	[tilespmem:s30], [sflag:$0x1] =	stream.indirect.gather [hbm4b:s3+s29], $0x80, s4, s29, $0xb8;
	[tilespmem:$0x10800] =	vst v63  }
0xab: {  	_ =	swait.ge [sflag:s12], $0x4000  }
0xac: {  	s25 =	rddreg [dreg:$0x7];
	[sflag:s12] =	ssyncset.done $0x0  }
0xad: {  	[sflag:s12] =	ssyncadd.s32 $0xFFFFC000;
	s2 =	sadd.s32 $0x0, s25  }
0xae: {  	[hbm4b:s2+s4] =	stream.linear.scatter [tilespmem:s0], [sflag:$0x7], $0x4000, $0x38;
	[tilespmem:$0x10800] =	vst v63  }
0xaf: {  	_ =	swait.ge [sflag:s13], $0x4000  }
0xb0: {  	[sflag:s13] =	ssyncset.done $0x0  }
0xb1: {  	[sflag:s13] =	ssyncadd.s32 $0xFFFFC000  }
0xb2: {  	[tilespmem:s31], [sflag:$0x2] =	stream.indirect.gather [hbm4b:s3+s29], $0x80, s29, s29, $0xb8;
	[tilespmem:$0x10800] =	vst v63  }
0xb3: {  	_ =	swait.ge [sflag:s15], $0x4000  }
0xb4: {  	s5 =	rddreg [dreg:$0x6];
	[sflag:s15] =	ssyncset.done $0x0  }
0xb5: {  	[sflag:s15] =	ssyncadd.s32 $0xFFFFC000;
	s2 =	sadd.s32 $0x0, s5  }
0xb6: {  	[hbm4b:s2+s4] =	stream.linear.scatter [tilespmem:s9], [sflag:$0x8], $0x4000, $0x38;
	[tilespmem:$0x10800] =	vst v63  }
0xb7: {  	s5 =	rddreg [dreg:$0x1c]  }
0xb8: {  	[tilespmem:s26], [sflag:$0xA] =	stream.linear.gather [hbm4b:s5+s4], $0x400, $0x38;
	[tilespmem:$0x10800] =	vst v63  }
0xb9: {  	_ =	swait.ge [sflag:s16], $0x4000  }
0xba: {  	[sflag:s16] =	ssyncset.done $0x0  }
0xbb: {  	[sflag:s16] =	ssyncadd.s32 $0xFFFFC000  }
0xbc: {  	[tilespmem:s0], [sflag:$0x3] =	stream.indirect.gather [hbm4b:s3+s29], $0x80, s21, s29, $0xb8;
	[tilespmem:$0x10800] =	vst v63  }
0xbd: {  	_ =	swait.ge [sflag:s6], $0x4000  }
0xbe: {  	s8 =	rddreg [dreg:$0x5];
	[sflag:s6] =	ssyncset.done $0x0  }
0xbf: {  	[sflag:s6] =	ssyncadd.s32 $0xFFFFC000;
	s8 =	sadd.s32 $0x0, s8  }
0xc0: {  	[hbm4b:s8+s4] =	stream.linear.scatter [tilespmem:s30], [sflag:$0x5], $0x4000, $0x38;
	[tilespmem:$0x10800] =	vst v63  }
0xc1: {  	_ =	swait.ge [sflag:s18], $0x4000  }
0xc2: {  	[sflag:s18] =	ssyncset.done $0x0  }
0xc3: {  	[sflag:s18] =	ssyncadd.s32 $0xFFFFC000  }
0xc4: {  	[tilespmem:s9], [sflag:$0x4] =	stream.indirect.gather [hbm4b:s3+s29], $0x80, s11, s29, $0xb8;
	[tilespmem:$0x10800] =	vst v63  }
0xc5: {  	_ =	swait.ge [sflag:s1], $0x4000  }
0xc6: {  	[sflag:s1] =	ssyncset.done $0x0  }
0xc7: {  	s2 =	sadd.s32 $0x800, s8;
	[sflag:s1] =	ssyncadd.s32 $0xFFFFC000  }
0xc8: {  	[hbm4b:s2+s4] =	stream.linear.scatter [tilespmem:s31], [sflag:$0x6], $0x4000, $0x38;
	[tilespmem:$0x10800] =	vst v63  }
0xc9: {  	_ =	swait.ge [sflag:s10], $0x4000  }
0xca: {  	[sflag:s10] =	ssyncset.done $0x0  }
0xcb: {  	[sflag:s10] =	ssyncadd.s32 $0xFFFFC000  }
0xcc: {  	[tilespmem:s30], [sflag:$0x1] =	stream.indirect.gather [hbm4b:s3+s29], $0x80, s14, s29, $0xb8;
	[tilespmem:$0x10800] =	vst v63  }
0xcd: {  	_ =	swait.ge [sflag:s12], $0x4000  }
0xce: {  	[sflag:s12] =	ssyncset.done $0x0  }
0xcf: {  	s14 =	sadd.s32 $0x1000, s8;
	[sflag:s12] =	ssyncadd.s32 $0xFFFFC000  }
0xd0: {  	[hbm4b:s14+s4] =	stream.linear.scatter [tilespmem:s0], [sflag:$0x7], $0x4000, $0x38;
	[tilespmem:$0x10800] =	vst v63  }
0xd1: {  	_ =	swait.ge [sflag:s13], $0x4000  }
0xd2: {  	[sflag:s13] =	ssyncset.done $0x0  }
0xd3: {  	[sflag:s13] =	ssyncadd.s32 $0xFFFFC000  }
0xd4: {  	[tilespmem:s31], [sflag:$0x2] =	stream.indirect.gather [hbm4b:s3+s29], $0x80, s17, s29, $0xb8;
	[tilespmem:$0x10800] =	vst v63  }
0xd5: {  	_ =	swait.ge [sflag:s15], $0x4000  }
0xd6: {  	[sflag:s15] =	ssyncset.done $0x0  }
0xd7: {  	s17 =	sadd.s32 $0x1800, s8;
	[sflag:s15] =	ssyncadd.s32 $0xFFFFC000  }
0xd8: {  	[hbm4b:s17+s4] =	stream.linear.scatter [tilespmem:s9], [sflag:$0x8], $0x4000, $0x38;
	[tilespmem:$0x10800] =	vst v63  }
0xd9: {  	_ =	swait.ge [sflag:s16], $0x4000  }
0xda: {  	[sflag:s16] =	ssyncset.done $0x0  }
0xdb: {  	[sflag:s16] =	ssyncadd.s32 $0xFFFFC000  }
0xdc: {  	[tilespmem:s0], [sflag:$0x3] =	stream.indirect.gather [hbm4b:s3+s29], $0x80, s7, s29, $0xb8;
	[tilespmem:$0x10800] =	vst v63  }
0xdd: {  	_ =	swait.ge [sflag:s6], $0x4000  }
0xde: {  	[sflag:s6] =	ssyncset.done $0x0  }
0xdf: {  	s11 =	sadd.s32 $0x2000, s8;
	[sflag:s6] =	ssyncadd.s32 $0xFFFFC000  }
0xe0: {  	[hbm4b:s11+s4] =	stream.linear.scatter [tilespmem:s30], [sflag:$0x5], $0x4000, $0x38;
	[tilespmem:$0x10800] =	vst v63  }
0xe1: {  	_ =	swait.ge [sflag:s18], $0x4000  }
0xe2: {  	[sflag:s18] =	ssyncset.done $0x0  }
0xe3: {  	[sflag:s18] =	ssyncadd.s32 $0xFFFFC000  }
0xe4: {  	[tilespmem:s9], [sflag:$0x4] =	stream.indirect.gather [hbm4b:s3+s29], $0x80, s22, s29, $0xb8;
	[tilespmem:$0x10800] =	vst v63  }
0xe5: {  	_ =	swait.ge [sflag:s1], $0x4000  }
0xe6: {  	[sflag:s1] =	ssyncset.done $0x0  }
0xe7: {  	s14 =	sadd.s32 $0x2800, s8;
	[sflag:s1] =	ssyncadd.s32 $0xFFFFC000  }
0xe8: {  	[hbm4b:s14+s4] =	stream.linear.scatter [tilespmem:s31], [sflag:$0x6], $0x4000, $0x38;
	[tilespmem:$0x10800] =	vst v63  }
0xe9: {  	_ =	swait.ge [sflag:s19], $0x400  }
0xea: {  	[sflag:s19] =	ssyncset.done $0x0  }
0xeb: {  	[sflag:s19] =	ssyncadd.s32 $0xFFFFFC00  }
0xec: {  	_ =	swait.ge [sflag:s10], $0x4000  }
0xed: {  	[sflag:s10] =	ssyncset.done $0x0  }
0xee: {  	[sflag:s10] =	ssyncadd.s32 $0xFFFFC000  }
0xef: {  	[tilespmem:s30], [sflag:$0x1] =	stream.indirect.gather [hbm4b:s3+s29], $0x80, s26, s29, $0xb8;
	[tilespmem:$0x10800] =	vst v63  }
0xf0: {  	_ =	swait.ge [sflag:s12], $0x4000  }
0xf1: {  	[sflag:s12] =	ssyncset.done $0x0  }
0xf2: {  	s17 =	sadd.s32 $0x3000, s8;
	[sflag:s12] =	ssyncadd.s32 $0xFFFFC000  }
0xf3: {  	[hbm4b:s17+s4] =	stream.linear.scatter [tilespmem:s0], [sflag:$0x7], $0x4000, $0x38;
	[tilespmem:$0x10800] =	vst v63  }
0xf4: {  	_ =	swait.ge [sflag:s13], $0x4000  }
0xf5: {  	[sflag:s13] =	ssyncset.done $0x0  }
0xf6: {  	[sflag:s13] =	ssyncadd.s32 $0xFFFFC000  }
0xf7: {  	[tilespmem:s31], [sflag:$0x2] =	stream.indirect.gather [hbm4b:s3+s29], $0x80, s23, s29, $0xb8;
	[tilespmem:$0x10800] =	vst v63  }
0xf8: {  	_ =	swait.ge [sflag:s15], $0x4000  }
0xf9: {  	s23 =	smin.u32 s1, $0x61;
	[sflag:s15] =	ssyncset.done $0x0;
	s22 =	rddreg [dreg:$0x4]  }
0xfa: {  	s17 =	sadd.s32 $0x3800, s8;
	[sflag:s15] =	ssyncadd.s32 $0xFFFFC000;
	s2 =	sadd.s32 s23, s22  }
0xfb: {  	[hbm4b:s17+s4] =	stream.linear.scatter [tilespmem:s9], [sflag:$0x8], $0x4000, $0x38;
	[tilespmem:$0x10800] =	vst v63  }
0xfc: {  	s2 =	sshll.u32 s2, $0x7  }
0xfd: {  	s2 =	sadd.s32 s20, s2  }
0xfe: {  	[tilespmem:s4], [sflag:$0x9] =	stream.linear.gather [hbm4b:s2+s4], $0x400, $0x38;
	[tilespmem:$0x10800] =	vst v63  }
0xff: {  	_ =	swait.ge [sflag:s16], $0x4000  }
0x100: {  	[sflag:s16] =	ssyncset.done $0x0  }
0x101: {  	[sflag:s16] =	ssyncadd.s32 $0xFFFFC000  }
0x102: {  	[tilespmem:s0], [sflag:$0x3] =	stream.indirect.gather [hbm4b:s3+s29], $0x80, s24, s29, $0xb8;
	[tilespmem:$0x10800] =	vst v63  }
0x103: {  	_ =	swait.ge [sflag:s6], $0x4000  }
0x104: {  	[sflag:s6] =	ssyncset.done $0x0  }
0x105: {  	s22 =	sadd.s32 $0x4000, s8;
	[sflag:s6] =	ssyncadd.s32 $0xFFFFC000  }
0x106: {  	[hbm4b:s22+s4] =	stream.linear.scatter [tilespmem:s30], [sflag:$0x5], $0x4000, $0x38;
	[tilespmem:$0x10800] =	vst v63  }
0x107: {  	_ =	swait.ge [sflag:s18], $0x4000  }
0x108: {  	[sflag:s18] =	ssyncset.done $0x0  }
0x109: {  	s23 =	simm.s32 $0x580;
	[sflag:s18] =	ssyncadd.s32 $0xFFFFC000  }
0x10a: {  	[tilespmem:s9], [sflag:$0x4] =	stream.indirect.gather [hbm4b:s3+s29], $0x80, s23, s29, $0xb8;
	[tilespmem:$0x10800] =	vst v63  }
0x10b: {  	_ =	swait.ge [sflag:s1], $0x4000  }
0x10c: {  	[sflag:s1] =	ssyncset.done $0x0  }
0x10d: {  	s24 =	sadd.s32 $0x4800, s8;
	[sflag:s1] =	ssyncadd.s32 $0xFFFFC000  }
0x10e: {  	[hbm4b:s24+s4] =	stream.linear.scatter [tilespmem:s31], [sflag:$0x6], $0x4000, $0x38;
	[tilespmem:$0x10800] =	vst v63  }
0x10f: {  	_ =	swait.ge [sflag:s10], $0x4000  }
0x110: {  	[sflag:s10] =	ssyncset.done $0x0  }
0x111: {  	s25 =	simm.s32 $0x600;
	[sflag:s10] =	ssyncadd.s32 $0xFFFFC000  }
0x112: {  	[tilespmem:s30], [sflag:$0x1] =	stream.indirect.gather [hbm4b:s3+s29], $0x80, s25, s29, $0xb8;
	[tilespmem:$0x10800] =	vst v63  }
0x113: {  	_ =	swait.ge [sflag:s12], $0x4000  }
0x114: {  	[sflag:s12] =	ssyncset.done $0x0  }
0x115: {  	s11 =	sadd.s32 $0x5000, s8;
	[sflag:s12] =	ssyncadd.s32 $0xFFFFC000  }
0x116: {  	[hbm4b:s11+s4] =	stream.linear.scatter [tilespmem:s0], [sflag:$0x7], $0x4000, $0x38;
	[tilespmem:$0x10800] =	vst v63  }
0x117: {  	_ =	swait.ge [sflag:s13], $0x4000  }
0x118: {  	[sflag:s13] =	ssyncset.done $0x0  }
0x119: {  	s7 =	simm.s32 $0x680;
	[sflag:s13] =	ssyncadd.s32 $0xFFFFC000  }
0x11a: {  	[tilespmem:s31], [sflag:$0x2] =	stream.indirect.gather [hbm4b:s3+s29], $0x80, s7, s29, $0xb8;
	[tilespmem:$0x10800] =	vst v63  }
0x11b: {  	_ =	swait.ge [sflag:s15], $0x4000  }
0x11c: {  	[sflag:s15] =	ssyncset.done $0x0  }
0x11d: {  	s14 =	sadd.s32 $0x5800, s8;
	[sflag:s15] =	ssyncadd.s32 $0xFFFFC000  }
0x11e: {  	[hbm4b:s14+s4] =	stream.linear.scatter [tilespmem:s9], [sflag:$0x8], $0x4000, $0x38;
	[tilespmem:$0x10800] =	vst v63  }
0x11f: {  	_ =	swait.ge [sflag:s16], $0x4000  }
0x120: {  	[sflag:s16] =	ssyncset.done $0x0  }
0x121: {  	s17 =	simm.s32 $0x700;
	[sflag:s16] =	ssyncadd.s32 $0xFFFFC000  }
0x122: {  	[tilespmem:s0], [sflag:$0x3] =	stream.indirect.gather [hbm4b:s3+s29], $0x80, s17, s29, $0xb8;
	[tilespmem:$0x10800] =	vst v63  }
0x123: {  	_ =	swait.ge [sflag:s6], $0x4000  }
0x124: {  	s2 =	simm.s32 $0x8000;
	[sflag:s6] =	ssyncset.done $0x0  }
0x125: {  	s22 =	sadd.s32 $0x6000, s8;
	s23 =	simm.s32 $0x680;
	[sflag:s6] =	ssyncadd.s32 $0xFFFFC000  }
0x126: {  	[hbm4b:s22+s4] =	stream.linear.scatter [tilespmem:s30], [sflag:$0x5], $0x4000, $0x38;
	[tilespmem:$0x10800] =	vst v63  }
0x127: {  	s24 =	simm.s32 $0x780;
	s25 =	simm.s32 $0x700;
	_ =	swait.ge [sflag:s18], $0x4000  }
0x128: {  	s11 =	simm.s32 $0x2;
	s7 =	simm.s32 $0x780;
	[sflag:s18] =	ssyncset.done $0x0  }
0x129: {  	s17 =	sadd.s32 $0x6800, s8;
	s8 =	smov.u32 s5;
	[sflag:s18] =	ssyncadd.s32 $0xFFFFC000  }
0x12a: {  	[tilespmem:s9], [sflag:$0x4] =	stream.indirect.gather [hbm4b:s3+s29], $0x80, s24, s29, $0xb8;
	[tilespmem:$0x10800] =	vst v63  }
0x12b: {  	s22 =	simm.s32 $0x500;
	s24 =	simm.s32 $0x280;
	_ =	swait.ge [sflag:s1], $0x4000  }
.LBB2_2:
0x12c: {  	[sflag:s1] =	ssyncset.done $0x0  }
0x12d: {  	[sflag:s1] =	ssyncadd.s32 $0xFFFFC000  }
0x12e: {  	[hbm4b:s17+s4] =	stream.linear.scatter [tilespmem:s31], [sflag:$0x6], $0x4000, $0x38;
	[tilespmem:$0x10800] =	vst v63  }
0x12f: {  	_ =	swait.ge [sflag:s28], $0x400  }
0x130: {  	[sflag:s28] =	ssyncset.done $0x0  }
0x131: {  	[sflag:s28] =	ssyncadd.s32 $0xFFFFFC00  }
0x132: {  	_ =	swait.ge [sflag:s10], $0x4000  }
0x133: {  	[sflag:s10] =	ssyncset.done $0x0  }
0x134: {  	[sflag:s10] =	ssyncadd.s32 $0xFFFFC000  }
0x135: {  	[tilespmem:s30], [sflag:$0x1] =	stream.indirect.gather [hbm4b:s3+s29], $0x80, s4, s29, $0xb8;
	[tilespmem:$0x10800] =	vst v63  }
0x136: {  	_ =	swait.ge [sflag:s12], $0x4000  }
0x137: {  	s14 =	smov.u32 s2;
	[sflag:s12] =	ssyncset.done $0x0;
	s5 =	rddreg [dreg:$0x7]  }
0x138: {  	[sflag:s12] =	ssyncadd.s32 $0xFFFFC000;
	s17 =	sadd.s32 s14, s5  }
0x139: {  	[hbm4b:s17+s4] =	stream.linear.scatter [tilespmem:s0], [sflag:$0x7], $0x4000, $0x38;
	[tilespmem:$0x10800] =	vst v63  }
0x13a: {  	_ =	swait.ge [sflag:s13], $0x4000  }
0x13b: {  	[sflag:s13] =	ssyncset.done $0x0  }
0x13c: {  	[sflag:s13] =	ssyncadd.s32 $0xFFFFC000  }
0x13d: {  	[tilespmem:s31], [sflag:$0x2] =	stream.indirect.gather [hbm4b:s3+s29], $0x80, s29, s29, $0xb8;
	[tilespmem:$0x10800] =	vst v63  }
0x13e: {  	_ =	swait.ge [sflag:s15], $0x4000  }
0x13f: {  	[sflag:s15] =	ssyncset.done $0x0;
	s5 =	rddreg [dreg:$0x6]  }
0x140: {  	[sflag:s15] =	ssyncadd.s32 $0xFFFFC000;
	s17 =	sadd.s32 s14, s5  }
0x141: {  	[hbm4b:s17+s4] =	stream.linear.scatter [tilespmem:s9], [sflag:$0x8], $0x4000, $0x38;
	[tilespmem:$0x10800] =	vst v63  }
0x142: {  	s8 =	sadd.s32 $0x100, s8  }
0x143: {  	[tilespmem:s26], [sflag:$0xA] =	stream.linear.gather [hbm4b:s8+s4], $0x400, $0x38;
	[tilespmem:$0x10800] =	vst v63  }
0x144: {  	_ =	swait.ge [sflag:s16], $0x4000  }
0x145: {  	[sflag:s16] =	ssyncset.done $0x0  }
0x146: {  	[sflag:s16] =	ssyncadd.s32 $0xFFFFC000  }
0x147: {  	[tilespmem:s0], [sflag:$0x3] =	stream.indirect.gather [hbm4b:s3+s29], $0x80, s21, s29, $0xb8;
	[tilespmem:$0x10800] =	vst v63  }
0x148: {  	_ =	swait.ge [sflag:s6], $0x4000  }
0x149: {  	[sflag:s6] =	ssyncset.done $0x0;
	s5 =	rddreg [dreg:$0x5]  }
0x14a: {  	[sflag:s6] =	ssyncadd.s32 $0xFFFFC000;
	s14 =	sadd.s32 s14, s5  }
0x14b: {  	[hbm4b:s14+s4] =	stream.linear.scatter [tilespmem:s30], [sflag:$0x5], $0x4000, $0x38;
	[tilespmem:$0x10800] =	vst v63  }
0x14c: {  	_ =	swait.ge [sflag:s18], $0x4000  }
0x14d: {  	[sflag:s18] =	ssyncset.done $0x0  }
0x14e: {  	s5 =	simm.s32 $0x180;
	[sflag:s18] =	ssyncadd.s32 $0xFFFFC000  }
0x14f: {  	[tilespmem:s9], [sflag:$0x4] =	stream.indirect.gather [hbm4b:s3+s29], $0x80, s5, s29, $0xb8;
	[tilespmem:$0x10800] =	vst v63  }
0x150: {  	_ =	swait.ge [sflag:s1], $0x4000  }
0x151: {  	[sflag:s1] =	ssyncset.done $0x0  }
0x152: {  	s17 =	sadd.s32 $0x800, s14;
	[sflag:s1] =	ssyncadd.s32 $0xFFFFC000  }
0x153: {  	[hbm4b:s17+s4] =	stream.linear.scatter [tilespmem:s31], [sflag:$0x6], $0x4000, $0x38;
	[tilespmem:$0x10800] =	vst v63  }
0x154: {  	_ =	swait.ge [sflag:s10], $0x4000  }
0x155: {  	[sflag:s10] =	ssyncset.done $0x0  }
0x156: {  	s17 =	simm.s32 $0x200;
	[sflag:s10] =	ssyncadd.s32 $0xFFFFC000  }
0x157: {  	[tilespmem:s30], [sflag:$0x1] =	stream.indirect.gather [hbm4b:s3+s29], $0x80, s17, s29, $0xb8;
	[tilespmem:$0x10800] =	vst v63  }
0x158: {  	_ =	swait.ge [sflag:s12], $0x4000  }
0x159: {  	[sflag:s12] =	ssyncset.done $0x0  }
0x15a: {  	s21 =	sadd.s32 $0x1000, s14;
	[sflag:s12] =	ssyncadd.s32 $0xFFFFC000  }
0x15b: {  	[hbm4b:s21+s4] =	stream.linear.scatter [tilespmem:s0], [sflag:$0x7], $0x4000, $0x38;
	[tilespmem:$0x10800] =	vst v63  }
0x15c: {  	_ =	swait.ge [sflag:s13], $0x4000  }
0x15d: {  	[sflag:s13] =	ssyncset.done $0x0  }
0x15e: {  	[sflag:s13] =	ssyncadd.s32 $0xFFFFC000  }
0x15f: {  	[tilespmem:s31], [sflag:$0x2] =	stream.indirect.gather [hbm4b:s3+s29], $0x80, s24, s29, $0xb8;
	[tilespmem:$0x10800] =	vst v63  }
0x160: {  	_ =	swait.ge [sflag:s15], $0x4000  }
0x161: {  	[sflag:s15] =	ssyncset.done $0x0  }
0x162: {  	s5 =	sadd.s32 $0x1800, s14;
	[sflag:s15] =	ssyncadd.s32 $0xFFFFC000  }
0x163: {  	[hbm4b:s5+s4] =	stream.linear.scatter [tilespmem:s9], [sflag:$0x8], $0x4000, $0x38;
	[tilespmem:$0x10800] =	vst v63  }
0x164: {  	_ =	swait.ge [sflag:s16], $0x4000  }
0x165: {  	[sflag:s16] =	ssyncset.done $0x0  }
0x166: {  	s21 =	simm.s32 $0x300;
	[sflag:s16] =	ssyncadd.s32 $0xFFFFC000  }
0x167: {  	[tilespmem:s0], [sflag:$0x3] =	stream.indirect.gather [hbm4b:s3+s29], $0x80, s21, s29, $0xb8;
	[tilespmem:$0x10800] =	vst v63  }
0x168: {  	_ =	swait.ge [sflag:s6], $0x4000  }
0x169: {  	[sflag:s6] =	ssyncset.done $0x0  }
0x16a: {  	s5 =	sadd.s32 $0x2000, s14;
	[sflag:s6] =	ssyncadd.s32 $0xFFFFC000  }
0x16b: {  	[hbm4b:s5+s4] =	stream.linear.scatter [tilespmem:s30], [sflag:$0x5], $0x4000, $0x38;
	[tilespmem:$0x10800] =	vst v63  }
0x16c: {  	_ =	swait.ge [sflag:s18], $0x4000  }
0x16d: {  	[sflag:s18] =	ssyncset.done $0x0  }
0x16e: {  	s17 =	simm.s32 $0x380;
	[sflag:s18] =	ssyncadd.s32 $0xFFFFC000  }
0x16f: {  	[tilespmem:s9], [sflag:$0x4] =	stream.indirect.gather [hbm4b:s3+s29], $0x80, s17, s29, $0xb8;
	[tilespmem:$0x10800] =	vst v63  }
0x170: {  	_ =	swait.ge [sflag:s1], $0x4000  }
0x171: {  	[sflag:s1] =	ssyncset.done $0x0  }
0x172: {  	s21 =	sadd.s32 $0x2800, s14;
	[sflag:s1] =	ssyncadd.s32 $0xFFFFC000  }
0x173: {  	[hbm4b:s21+s4] =	stream.linear.scatter [tilespmem:s31], [sflag:$0x6], $0x4000, $0x38;
	[tilespmem:$0x10800] =	vst v63  }
0x174: {  	_ =	swait.ge [sflag:s19], $0x400  }
0x175: {  	[sflag:s19] =	ssyncset.done $0x0  }
0x176: {  	[sflag:s19] =	ssyncadd.s32 $0xFFFFFC00  }
0x177: {  	_ =	swait.ge [sflag:s10], $0x4000  }
0x178: {  	[sflag:s10] =	ssyncset.done $0x0  }
0x179: {  	[sflag:s10] =	ssyncadd.s32 $0xFFFFC000  }
0x17a: {  	[tilespmem:s30], [sflag:$0x1] =	stream.indirect.gather [hbm4b:s3+s29], $0x80, s26, s29, $0xb8;
	[tilespmem:$0x10800] =	vst v63  }
0x17b: {  	_ =	swait.ge [sflag:s12], $0x4000  }
0x17c: {  	[sflag:s12] =	ssyncset.done $0x0  }
0x17d: {  	s5 =	sadd.s32 $0x3000, s14;
	[sflag:s12] =	ssyncadd.s32 $0xFFFFC000  }
0x17e: {  	[hbm4b:s5+s4] =	stream.linear.scatter [tilespmem:s0], [sflag:$0x7], $0x4000, $0x38;
	[tilespmem:$0x10800] =	vst v63  }
0x17f: {  	_ =	swait.ge [sflag:s13], $0x4000  }
0x180: {  	[sflag:s13] =	ssyncset.done $0x0  }
0x181: {  	s11 =	sadd.s32 $0x2, s11;
	s21 =	simm.s32 $0x480;
	[sflag:s13] =	ssyncadd.s32 $0xFFFFC000  }
0x182: {  	[tilespmem:s31], [sflag:$0x2] =	stream.indirect.gather [hbm4b:s3+s29], $0x80, s21, s29, $0xb8;
	[tilespmem:$0x10800] =	vst v63  }
0x183: {  	s5 =	smin.u32 s11, $0x61;
	_ =	swait.ge [sflag:s15], $0x4000  }
0x184: {  	s21 =	smov.u32 s20;
	[sflag:s15] =	ssyncset.done $0x0;
	s17 =	rddreg [dreg:$0x4]  }
0x185: {  	s20 =	sadd.s32 $0x3800, s14;
	[sflag:s15] =	ssyncadd.s32 $0xFFFFC000;
	s5 =	sadd.s32 s5, s17  }
0x186: {  	[hbm4b:s20+s4] =	stream.linear.scatter [tilespmem:s9], [sflag:$0x8], $0x4000, $0x38;
	[tilespmem:$0x10800] =	vst v63  }
0x187: {  	s20 =	smov.u32 s21;
	s5 =	sshll.u32 s5, $0x7  }
0x188: {  	s5 =	sadd.s32 s20, s5  }
0x189: {  	[tilespmem:s4], [sflag:$0x9] =	stream.linear.gather [hbm4b:s5+s4], $0x400, $0x38;
	[tilespmem:$0x10800] =	vst v63  }
0x18a: {  	_ =	swait.ge [sflag:s16], $0x4000  }
0x18b: {  	[sflag:s16] =	ssyncset.done $0x0  }
0x18c: {  	[sflag:s16] =	ssyncadd.s32 $0xFFFFC000  }
0x18d: {  	[tilespmem:s0], [sflag:$0x3] =	stream.indirect.gather [hbm4b:s3+s29], $0x80, s22, s29, $0xb8;
	[tilespmem:$0x10800] =	vst v63  }
0x18e: {  	_ =	swait.ge [sflag:s6], $0x4000  }
0x18f: {  	[sflag:s6] =	ssyncset.done $0x0  }
0x190: {  	s17 =	sadd.s32 $0x4000, s14;
	[sflag:s6] =	ssyncadd.s32 $0xFFFFC000  }
0x191: {  	[hbm4b:s17+s4] =	stream.linear.scatter [tilespmem:s30], [sflag:$0x5], $0x4000, $0x38;
	[tilespmem:$0x10800] =	vst v63  }
0x192: {  	_ =	swait.ge [sflag:s18], $0x4000  }
0x193: {  	[sflag:s18] =	ssyncset.done $0x0  }
0x194: {  	s17 =	simm.s32 $0x580;
	[sflag:s18] =	ssyncadd.s32 $0xFFFFC000  }
0x195: {  	[tilespmem:s9], [sflag:$0x4] =	stream.indirect.gather [hbm4b:s3+s29], $0x80, s17, s29, $0xb8;
	[tilespmem:$0x10800] =	vst v63  }
0x196: {  	_ =	swait.ge [sflag:s1], $0x4000  }
0x197: {  	[sflag:s1] =	ssyncset.done $0x0  }
0x198: {  	s17 =	sadd.s32 $0x4800, s14;
	[sflag:s1] =	ssyncadd.s32 $0xFFFFC000  }
0x199: {  	[hbm4b:s17+s4] =	stream.linear.scatter [tilespmem:s31], [sflag:$0x6], $0x4000, $0x38;
	[tilespmem:$0x10800] =	vst v63  }
0x19a: {  	_ =	swait.ge [sflag:s10], $0x4000  }
0x19b: {  	[sflag:s10] =	ssyncset.done $0x0  }
0x19c: {  	s17 =	simm.s32 $0x600;
	[sflag:s10] =	ssyncadd.s32 $0xFFFFC000  }
0x19d: {  	[tilespmem:s30], [sflag:$0x1] =	stream.indirect.gather [hbm4b:s3+s29], $0x80, s17, s29, $0xb8;
	[tilespmem:$0x10800] =	vst v63  }
0x19e: {  	_ =	swait.ge [sflag:s12], $0x4000  }
0x19f: {  	[sflag:s12] =	ssyncset.done $0x0  }
0x1a0: {  	s17 =	sadd.s32 $0x5000, s14;
	[sflag:s12] =	ssyncadd.s32 $0xFFFFC000  }
0x1a1: {  	[hbm4b:s17+s4] =	stream.linear.scatter [tilespmem:s0], [sflag:$0x7], $0x4000, $0x38;
	[tilespmem:$0x10800] =	vst v63  }
0x1a2: {  	_ =	swait.ge [sflag:s13], $0x4000  }
0x1a3: {  	[sflag:s13] =	ssyncset.done $0x0  }
0x1a4: {  	[sflag:s13] =	ssyncadd.s32 $0xFFFFC000  }
0x1a5: {  	[tilespmem:s31], [sflag:$0x2] =	stream.indirect.gather [hbm4b:s3+s29], $0x80, s23, s29, $0xb8;
	[tilespmem:$0x10800] =	vst v63  }
0x1a6: {  	_ =	swait.ge [sflag:s15], $0x4000  }
0x1a7: {  	[sflag:s15] =	ssyncset.done $0x0  }
0x1a8: {  	s17 =	sadd.s32 $0x5800, s14;
	[sflag:s15] =	ssyncadd.s32 $0xFFFFC000  }
0x1a9: {  	[hbm4b:s17+s4] =	stream.linear.scatter [tilespmem:s9], [sflag:$0x8], $0x4000, $0x38;
	[tilespmem:$0x10800] =	vst v63  }
0x1aa: {  	_ =	swait.ge [sflag:s16], $0x4000  }
0x1ab: {  	[sflag:s16] =	ssyncset.done $0x0  }
0x1ac: {  	[sflag:s16] =	ssyncadd.s32 $0xFFFFC000  }
0x1ad: {  	[tilespmem:s0], [sflag:$0x3] =	stream.indirect.gather [hbm4b:s3+s29], $0x80, s25, s29, $0xb8;
	[tilespmem:$0x10800] =	vst v63  }
0x1ae: {  	_ =	swait.ge [sflag:s6], $0x4000  }
0x1af: {  	[sflag:s6] =	ssyncset.done $0x0  }
0x1b0: {  	p0 =	sne.s32 s2, $0x180000;
	s17 =	sadd.s32 $0x6000, s14;
	[sflag:s6] =	ssyncadd.s32 $0xFFFFC000  }
0x1b1: {  	[hbm4b:s17+s4] =	stream.linear.scatter [tilespmem:s30], [sflag:$0x5], $0x4000, $0x38;
	[tilespmem:$0x10800] =	vst v63  }
.Ltmp0:
0x1b2: {  	_ =	swait.ge [sflag:s18], $0x4000;
	(pc) =	sbr.rel @p0 .LBB2_2-.Ltmp0, $4  }
0x1b3: {  	[sflag:s18] =	ssyncset.done $0x0  }
0x1b4: {  	s2 =	sadd.s32 $0x8000, s2;
	[sflag:s18] =	ssyncadd.s32 $0xFFFFC000  }
0x1b5: {  	[tilespmem:s9], [sflag:$0x4] =	stream.indirect.gather [hbm4b:s3+s29], $0x80, s7, s29, $0xb8;
	[tilespmem:$0x10800] =	vst v63  }
0x1b6: {  	s21 =	simm.s32 $0x100;
	s17 =	sadd.s32 $0x6800, s14;
	_ =	swait.ge [sflag:s1], $0x4000  }
0x1b7: {  	[sflag:s1] =	ssyncset.done $0x0  }
0x1b8: {  	[sflag:s1] =	ssyncadd.s32 $0xFFFFC000  }
0x1b9: {  	[hbm4b:s17+s4] =	stream.linear.scatter [tilespmem:s31], [sflag:$0x6], $0x4000, $0x38;
	[tilespmem:$0x10800] =	vst v63  }
0x1ba: {  	_ =	swait.ge [sflag:s12], $0x4000  }
0x1bb: {  	[sflag:s12] =	ssyncset.done $0x0  }
0x1bc: {  	s2 =	rddreg [dreg:$0x19];
	[sflag:s12] =	ssyncadd.s32 $0xFFFFC000  }
0x1bd: {  	[hbm4b:s2+s4] =	stream.linear.scatter [tilespmem:s0], [sflag:$0x7], $0x4000, $0x38;
	[tilespmem:$0x10800] =	vst v63  }
0x1be: {  	_ =	swait.ge [sflag:s15], $0x4000  }
0x1bf: {  	[sflag:s15] =	ssyncset.done $0x0  }
0x1c0: {  	s24 =	rddreg [dreg:$0x1a];
	[sflag:s15] =	ssyncadd.s32 $0xFFFFC000  }
0x1c1: {  	[hbm4b:s24+s4] =	stream.linear.scatter [tilespmem:s9], [sflag:$0x8], $0x4000, $0x38;
	[tilespmem:$0x10800] =	vst v63  }
0x1c2: {  	_ =	swait.ge [sflag:s28], $0x400  }
0x1c3: {  	[sflag:s28] =	ssyncset.done $0x0  }
0x1c4: {  	[sflag:s28] =	ssyncadd.s32 $0xFFFFFC00  }
0x1c5: {  	_ =	swait.ge [sflag:s10], $0x4000  }
0x1c6: {  	[sflag:s10] =	ssyncset.done $0x0  }
0x1c7: {  	[sflag:s10] =	ssyncadd.s32 $0xFFFFC000  }
0x1c8: {  	_ =	swait.ge [sflag:s13], $0x4000  }
0x1c9: {  	[sflag:s13] =	ssyncset.done $0x0  }
0x1ca: {  	[sflag:s13] =	ssyncadd.s32 $0xFFFFC000  }
0x1cb: {  	_ =	swait.ge [sflag:s16], $0x4000  }
0x1cc: {  	[sflag:s16] =	ssyncset.done $0x0  }
0x1cd: {  	[sflag:s16] =	ssyncadd.s32 $0xFFFFC000  }
0x1ce: {  	_ =	swait.ge [sflag:s18], $0x4000  }
0x1cf: {  	s5 =	rddreg [dreg:$0x1d]  }
0x1d0: {  	s25 =	rddreg [dreg:$0x1b];
	s5 =	sadd.s32 $0x1, s5  }
0x1d1: {  	p0 =	sne.s32 s5, s25  }
.Ltmp1:
0x1d2: {  	s11 =	simm.s32 $0x180;
	(pc) =	sbr.rel @p0 .LBB2_1-.Ltmp1, $4  }
0x1d3: {  	s14 =	simm.s32 $0x200;
	s7 =	simm.s32 $0x300;
	s22 =	simm.s32 $0x380  }
0x1d4: {  	s23 =	simm.s32 $0x480;
	s8 =	simm.s32 $0x600;
	[sflag:s18] =	ssyncset.done $0x0  }
0x1d5: {  	s17 =	simm.s32 $0x280;
	s24 =	simm.s32 $0x500;
	[sflag:s18] =	ssyncadd.s32 $0xFFFFC000  }
0x1d6: {  	[dreg:$0x1d] =	wrdreg s5;
	s5 =	simm.s32 $0x580;
	s25 =	simm.s32 $0x680  }
0x1d7: {  	_ =	sfence.sel $0x180000  }
0x1d8: {  	[bflag:$0x0] =	sbarrier.arrive $0xFFFF  }
0x1d9: {  	_ =	strace $0x90000047  }
0x1da: {  	s0 =	stileid.u32;
	[bflag:$0x2] =	sbarrier.arrive $0xFFFF  }
0x1db: {  	p0 =	sne.s32 s0, $0x0;
	s0 =	rddreg [dreg:$0x3]  }
0x1dc: {  	s0 =	sadd.s32 @!p0 $0x100000, s0  }
0x1dd: {  	[sflag:s0] =	ssyncadd.tile.s32 @!p0 $0x1;
	_ =	shalt  }
.Lfunc_end2:
_tile_overlayer_lowered:
.L_overlay_start_2:
0x1de: {  	(tag) =	ssettag $0x2  }
0x1df: {  	s0 =	rddreg [dreg:$0x0];
	s2 =	stileid.u32  }
0x1e0: {  	s1 =	rddreg [dreg:$0x1];
	p0 =	sne.s32 s2, $0x0  }
0x1e1: {  	s3 =	rddreg [dreg:$0x2];
	[bflag:$0x3] =	sbarrier.arrive $0xFFFF;
	s2 =	simm.s32 @!p0 $0x1C0B  }
0x1e2: {  	[timem:s3], [sflag:s2] =	dma.local @!p0 [hbm:s0], s1  }
0x1e3: {  	s0 =	simm.s32 @!p0 $0xB  }
0x1e4: {  	_ =	swait.ge @!p0 [sflag:s0], s1  }
0x1e5: {  	s1 =	ssub.s32 @!p0 $0x0, s1;
	[sflag:s0] =	ssyncset.done @!p0 $0x0  }
0x1e6: {  	[sflag:s0] =	ssyncadd.s32 @!p0 s1  }
0x1e7: {  	[bflag:$0x3] =	sbarrier.arrive $0xFFFF  }
0x1e8: {  	_ =	shalt  }

</sc_bundles>
